<compile_context>
chip_gen: v7x
topology: tpu7x:2x2x1
jax: 0.10.2.dev20260603
libtpu: 0.0.44.dev20260713+nightly
codegen_flags: <defaults>
</compile_context>

<pallas_src>
import math

import jax
import jax.numpy as jnp
from jax import lax
from jax.experimental import pallas as pl

BN = 256
HEADS = 4
RATIO = 0.5
LVL = 3


def _ceil_to(x, m):
    return ((x + m - 1) // m) * m


def _acc_rows(n):
    return _ceil_to(n + 1, 256)


def _pad_rows(x, n_acc):
    return jnp.pad(x, ((0, n_acc - x.shape[0]), (0, 0)))


def _build_m(ei, ew, n, na):
    e = ei.shape[1]
    valid = ew > 0
    spare = na - n
    dummy = n + (jnp.arange(e, dtype=jnp.int32) % spare)
    r = jnp.where(valid, ei[0].astype(jnp.int32), dummy)
    c = jnp.where(valid, ei[1].astype(jnp.int32), dummy)
    flat = jnp.sort(c * na + r)
    dnums = lax.ScatterDimensionNumbers(
        update_window_dims=(),
        inserted_window_dims=(0,),
        scatter_dims_to_operand_dims=(0,),
    )
    m = lax.scatter_add(
        jnp.zeros((na * na,), jnp.float32), flat[:, None],
        jnp.ones((e,), jnp.float32), dnums,
        indices_are_sorted=True, unique_indices=False)
    return m.reshape(na, na)


def _pool_m(m_prev, perm, n_prev, na):
    k = perm.shape[0]
    perm_pad = jnp.concatenate(
        [perm.astype(jnp.int32),
         jnp.full((na - k,), n_prev, jnp.int32)])
    return jnp.take(jnp.take(m_prev, perm_pad, axis=0), perm_pad, axis=1)



def _deg_dense(m, n):
    na = m.shape[0]

    def body(m_ref, o_ref):
        col = lax.broadcasted_iota(jnp.int32, (BN, na), 1)
        mm = jnp.where(col < n, m_ref[...], 0.0)
        o_ref[...] = jnp.sum(mm, axis=1)[None, :]

    return pl.pallas_call(
        body,
        grid=(na // BN,),
        in_specs=[pl.BlockSpec((BN, na), lambda i: (i, 0))],
        out_specs=pl.BlockSpec((1, BN), lambda i: (0, i)),
        out_shape=jax.ShapeDtypeStruct((1, na), jnp.float32),
    )(m)


def _mm_scale(x_pad, w, deg1, fill):
    na = x_pad.shape[0]

    def body(x_ref, w_ref, d_ref, o_ref):
        dinv = lax.rsqrt(d_ref[0] + fill)
        h = jnp.dot(x_ref[...], w_ref[...], preferred_element_type=jnp.float32)
        o_ref[...] = h * dinv[:, None]

    return pl.pallas_call(
        body,
        grid=(na // BN,),
        in_specs=[pl.BlockSpec((BN, 128), lambda i: (i, 0)),
                  pl.BlockSpec((128, 128), lambda i: (0, 0)),
                  pl.BlockSpec((1, BN), lambda i: (0, i))],
        out_specs=pl.BlockSpec((BN, 128), lambda i: (i, 0)),
        out_shape=jax.ShapeDtypeStruct((na, 128), jnp.float32),
    )(x_pad, w, deg1)


def _prop_mm(m, hp, deg1, b, fill, relu):
    na = hp.shape[0]

    def body(m_ref, h_ref, hb_ref, d_ref, b_ref, o_ref):
        dinv = lax.rsqrt(d_ref[0] + fill)
        acc = jnp.dot(m_ref[...], h_ref[...],
                      preferred_element_type=jnp.float32)
        o = (acc + fill * hb_ref[...]) * dinv[:, None] + b_ref[...]
        if relu:
            o = jnp.maximum(o, 0.0)
        o_ref[...] = o

    return pl.pallas_call(
        body,
        grid=(na // BN,),
        in_specs=[pl.BlockSpec((BN, na), lambda i: (i, 0)),
                  pl.BlockSpec((na, 128), lambda i: (0, 0)),
                  pl.BlockSpec((BN, 128), lambda i: (i, 0)),
                  pl.BlockSpec((1, BN), lambda i: (0, i)),
                  pl.BlockSpec((1, 128), lambda i: (0, 0))],
        out_specs=pl.BlockSpec((BN, 128), lambda i: (i, 0)),
        out_shape=jax.ShapeDtypeStruct((na, 128), jnp.float32),
    )(m, hp, hp, deg1, b.reshape(1, 128))


def _gcn(x_pad, m, deg1, p, fill, relu):
    hp = _mm_scale(x_pad, p['W'], deg1, fill)
    return _prop_mm(m, hp, deg1, p['b'], fill, relu)



def _attn_tail(Qp, Kd, Vd, p):
    dv = Qp.shape[-1]
    split = lambda t: jnp.concatenate(jnp.split(t, HEADS, axis=2), axis=0)
    Q_, K_, V_ = split(Qp), split(Kd), split(Vd)
    A = jax.nn.softmax(jnp.matmul(Q_, jnp.swapaxes(K_, 1, 2)) / math.sqrt(dv),
                       axis=-1)
    out = Q_ + jnp.matmul(A, V_)
    out = jnp.concatenate(jnp.split(out, HEADS, axis=0), axis=2)
    return out + jax.nn.relu(out @ p['o']['W'] + p['o']['b'])


def _mab_dense(Q, K, p):
    Qp = Q @ p['q']['W'] + p['q']['b']
    Kd = K @ p['k']['W'] + p['k']['b']
    Vd = K @ p['v']['W'] + p['v']['b']
    return _attn_tail(Qp, Kd, Vd, p)



def kernel(x, edge_index, edge_weight, params):
    n0 = x.shape[0]
    ew = jnp.ones((edge_index.shape[1],), x.dtype)
    na0 = _acc_rows(n0)
    m0 = _build_m(edge_index, ew, n0, na0)
    deg0 = _deg_dense(m0, n0)

    xp = _pad_rows(x, na0)
    xp = _gcn(xp, m0, deg0, params['down'][0], 2.0, True)

    xs = [xp]
    ns = [n0]
    ms = [m0]
    degs = [deg0]
    perms = []

    m_prev, n_cur = m0, n0
    for i in range(1, LVL + 1):
        xf = xp[:n_cur]
        w = params['pool'][i - 1]
        score = jnp.tanh((xf @ w) / jnp.linalg.norm(w))
        k = int(math.ceil(RATIO * n_cur))
        vals, perm = lax.top_k(score, k)
        x_new = xf[perm] * vals[:, None]

        na = _acc_rows(k)
        m = _pool_m(m_prev, perm, n_cur, na)
        deg = _deg_dense(m, k)
        m_prev, n_cur = m, k
        xp = _pad_rows(x_new, na)
        xp = _gcn(xp, m, deg, params['down'][i], 2.0, True)
        if i < LVL:
            xs.append(xp)
            ns.append(k)
            ms.append(m)
            degs.append(deg)
        perms.append(perm)

    for i in range(LVL):
        j = LVL - 1 - i
        kj = perms[j].shape[0]
        xt = xp[:kj]
        up = jnp.zeros((ns[j], 128), jnp.float32).at[perms[j]].set(xt)
        xsum = xs[j][:ns[j]] + up
        xp = _pad_rows(xsum, _acc_rows(ns[j]))
        xp = _gcn(xp, ms[j], degs[j], params['up'][i], 2.0, i < LVL - 1)

    g = params['gmt']
    xt = xp[:n0]
    h = xt @ g['lin1']['W'] + g['lin1']['b']
    hp_pad = _pad_rows(h, na0)
    Kd = _gcn(hp_pad, m0, deg0, g['mab_g']['k'], 1.0, False)[:n0][None]
    Vd = _gcn(hp_pad, m0, deg0, g['mab_g']['v'], 1.0, False)[:n0][None]
    Qp = g['S_g'] @ g['mab_g']['q']['W'] + g['mab_g']['q']['b']
    bx = _attn_tail(Qp, Kd, Vd, g['mab_g'])
    bx = _mab_dense(bx, bx, g['mab_s'])
    bx = _mab_dense(g['S_i'], bx, g['mab_i'])
    out = bx[:, 0, :] @ g['lin2']['W'] + g['lin2']['b']
    return out @ params['final']['W'] + params['final']['b']

# --- scband reference (transcript-rebuilt; emitter-appended) ---
"""Pipeline reference for scband-guenc-38465727103472 (READ-ONLY COPY).

The authoritative reference and input builder live on the scoring server;
editing this copy changes nothing except your own understanding.
"""

import jax, jax.numpy as jnp
import numpy as np
import math

N_NODES = 10000
N_EDGES = 320000
D = 128
H = 128
LABELS = 10
L = 3
RATIO = 0.5
HEADS = 4
SEEDS_G = 75  # ceil(300 * 0.25), PyG GraphMultisetTransformer defaults


def _lin(key, fin, fout):
    k1, k2 = jax.random.split(key)
    return {'W': jax.random.normal(k1, (fin, fout), jnp.float32) * 0.05,
            'b': jax.random.normal(k2, (fout,), jnp.float32) * 0.05}


def _mab_params(key, d):
    ks = jax.random.split(key, 4)
    return {'q': _lin(ks[0], d, d), 'k': _lin(ks[1], d, d),
            'v': _lin(ks[2], d, d), 'o': _lin(ks[3], d, d)}


def setup_inputs(seed: int = 0):
    key = jax.random.key(seed)
    ks = jax.random.split(key, 20)
    x = jax.random.normal(ks[0], (N_NODES, D), jnp.float32)
    edge_index = jax.random.randint(ks[1], (2, N_EDGES), 0, N_NODES, dtype=jnp.int32)
    edge_weight = jnp.ones((N_EDGES,), jnp.float32)
    params = {
        'down': [_lin(jax.random.fold_in(ks[2], i), H if i > 0 else D, H) for i in range(L + 1)],
        'pool': [jax.random.normal(jax.random.fold_in(ks[3], i), (H,), jnp.float32) * 0.05 for i in range(L)],
        'up': [_lin(jax.random.fold_in(ks[4], i), H, H) for i in range(L)],
        'gmt': {
            'lin1': _lin(ks[5], H, H),
            'lin2': _lin(ks[6], H, H),
            'S_g': jax.random.normal(ks[7], (1, SEEDS_G, H), jnp.float32) * 0.05,
            'S_i': jax.random.normal(ks[8], (1, 1, H), jnp.float32) * 0.05,
            'mab_g': _mab_params(ks[9], H),
            'mab_s': _mab_params(ks[10], H),
            'mab_i': _mab_params(ks[11], H),
        },
        'final': _lin(ks[12], H, LABELS),
    }
    return {'x': x, 'edge_index': edge_index, 'edge_weight': edge_weight, 'params': params}


def gcn(x, edge_index, edge_weight, p, improved):
    # PyG GCNConv with gcn_norm; improved -> self-loop fill value 2.0
    N = x.shape[0]
    fill = 2.0 if improved else 1.0
    loop = jnp.arange(N, dtype=edge_index.dtype)
    row = jnp.concatenate([edge_index[0], loop])
    col = jnp.concatenate([edge_index[1], loop])
    ew = jnp.concatenate([edge_weight, jnp.full((N,), fill, x.dtype)])
    deg = jnp.zeros((N,), x.dtype).at[col].add(ew)
    deg_safe = jnp.where(deg > 0, deg, 1.0)
    dinv = jnp.where(deg > 0, jax.lax.rsqrt(deg_safe), 0.0)
    norm = dinv[row] * ew * dinv[col]
    h = x @ p['W']
    out = jnp.zeros((N, h.shape[1]), x.dtype).at[col].add(h[row] * norm[:, None])
    return out + p['b']


def topk_pool(x, edge_index, edge_weight, w, ratio):
    # PyG TopKPooling: score = tanh(x @ w / ||w||); keep top ceil(ratio*N) nodes.
    # Dropped edges are kept with weight 0 and endpoints remapped to 0 (mathematically
    # identical to PyG's filter_adj under GCN aggregation, and shape-static for jit/vjp).
    N = x.shape[0]
    score = jnp.tanh((x @ w) / jnp.linalg.norm(w))
    k = int(math.ceil(ratio * N))
    vals, perm = jax.lax.top_k(score, k)
    x_new = x[perm] * vals[:, None]
    node_idx = jnp.full((N,), -1, jnp.int32).at[perm].set(jnp.arange(k, dtype=jnp.int32))
    nr = node_idx[edge_index[0]]
    nc = node_idx[edge_index[1]]
    valid = (nr >= 0) & (nc >= 0)
    ei = jnp.stack([jnp.where(valid, nr, 0), jnp.where(valid, nc, 0)]).astype(edge_index.dtype)
    ew = jnp.where(valid, edge_weight, 0.0)
    return x_new, ei, ew, perm


def mab(Q, K, p, graph=None):
    # PyG GMT MAB block (layer_norm=False). Single-graph batch (batch dim = 1).
    Qp = Q @ p['q']['W'] + p['q']['b']
    if graph is not None:
        xg, ei = graph
        ew1 = jnp.ones((ei.shape[1],), xg.dtype)
        Kd = gcn(xg, ei, ew1, p['k'], False)[None]
        Vd = gcn(xg, ei, ew1, p['v'], False)[None]
    else:
        Kd = K @ p['k']['W'] + p['k']['b']
        Vd = K @ p['v']['W'] + p['v']['b']
    dv = Qp.shape[-1]
    split = lambda t: jnp.concatenate(jnp.split(t, HEADS, axis=2), axis=0)
    Q_, K_, V_ = split(Qp), split(Kd), split(Vd)
    A = jax.nn.softmax(jnp.matmul(Q_, jnp.swapaxes(K_, 1, 2)) / math.sqrt(dv), axis=-1)
    out = Q_ + jnp.matmul(A, V_)
    out = jnp.concatenate(jnp.split(out, HEADS, axis=0), axis=2)
    out = out + jax.nn.relu(out @ p['o']['W'] + p['o']['b'])
    return out


def readout(x, edge_index, params):
    # GraphMultisetTransformer(['GMPool_G','SelfAtt','GMPool_I']) + final Linear
    g = params['gmt']
    h = x @ g['lin1']['W'] + g['lin1']['b']
    bx = mab(g['S_g'], None, g['mab_g'], graph=(h, edge_index))
    bx = mab(bx, bx, g['mab_s'])
    bx = mab(g['S_i'], bx, g['mab_i'])
    out = bx[:, 0, :] @ g['lin2']['W'] + g['lin2']['b']
    return out @ params['final']['W'] + params['final']['b']


def gunet_forward(x, edge_index, params):
    ew = jnp.ones((edge_index.shape[1],), x.dtype)  # forward overwrites edge_weight with ones
    x = jax.nn.relu(gcn(x, edge_index, ew, params['down'][0], True))
    xs = [x]
    eis = [edge_index]
    ews = [ew]
    perms = []
    for i in range(1, L + 1):
        x, edge_index, ew, perm = topk_pool(x, edge_index, ew, params['pool'][i - 1], RATIO)
        x = jax.nn.relu(gcn(x, edge_index, ew, params['down'][i], True))
        if i < L:
            xs.append(x)
            eis.append(edge_index)
            ews.append(ew)
        perms.append(perm)
    for i in range(L):
        j = L - 1 - i
        res = xs[j]
        up = jnp.zeros_like(res).at[perms[j]].set(x)
        x = res + up  # sum_res=True
        x = gcn(x, eis[j], ews[j], params['up'][i], True)
        if i < L - 1:
            x = jax.nn.relu(x)
    return readout(x, eis[0], params)


def reference(x, edge_index, edge_weight, params):
    return gunet_forward(x, edge_index, params)

if __name__ == "__main__":
    import jax
    _d = setup_inputs()
    print(jax.jit(kernel)(*tuple(_d.values())))

</pallas_src>

<mosaic_0001>
module attributes {stable_mosaic.version = 14 : i64} {
  func.func @body(%arg0: i32, %arg1: memref<256x10240xf32, #tpu.memory_space<vmem>>, %arg2: memref<1x256xf32, #tpu.memory_space<vmem>>) attributes {dimension_semantics = [#tpu.dimension_semantics<arbitrary>], iteration_bounds = array<i64: 40>, scalar_prefetch = 0 : i64, scratch_operands = 0 : i64, tpu.core_type = #tpu.core_type<tc>, window_params = [{transform_indices = @transform_0, window_bounds = array<i64: 256, 10240>}, {transform_indices = @transform_1, window_bounds = array<i64: 1, 256>}]} {
    %iota3A = tpu.iota {dimensions = array<i32: 1>} : vector<256x10240xi32>
    %lt3A = arith.constant 10000 : i32
    %lt3A_0 = vector.broadcast %lt3A : i32 to vector<256x10240xi32>
    %lt3A_1 = arith.cmpi slt, %iota3A, %lt3A_0 : vector<256x10240xi32>
    %get3A = arith.constant 0 : index
    %get3A_2 = arith.constant 0 : index
    %get3A_3 = vector.load %arg1[%get3A, %get3A_2] : memref<256x10240xf32, #tpu.memory_space<vmem>>, vector<256x10240xf32>
    %jit3A = arith.constant 0.000000e+00 : f32
    %broadcast_in_dim3A = vector.broadcast %jit3A : f32 to vector<256x10240xf32>
    %select_n3A = arith.select %lt3A_1, %get3A_3, %broadcast_in_dim3A : vector<256x10240xi1>, vector<256x10240xf32>
    %reduce_sum3A = arith.constant dense<0.000000e+00> : vector<256xf32>
    %reduce_sum3A_4 = vector.multi_reduction <add>, %select_n3A, %reduce_sum3A [1] : vector<256x10240xf32> to vector<256xf32>
    %broadcast_in_dim3A_5 = vector.shape_cast %reduce_sum3A_4 : vector<256xf32> to vector<1x256xf32>
    %swap3A = arith.constant 0 : index
    %swap3A_6 = arith.constant 0 : index
    %swap3A_7 = vector.load %arg2[%swap3A, %swap3A_6] : memref<1x256xf32, #tpu.memory_space<vmem>>, vector<1x256xf32>
    tpu.vector_store %arg2[%swap3A, %swap3A_6], %broadcast_in_dim3A_5 {strides = array<i32>} : memref<1x256xf32, #tpu.memory_space<vmem>>, vector<1x256xf32>,
    return
  }
  func.func @transform_0(%arg0: i32) -> (i32, i32) {
    %c0_i32 = arith.constant 0 : i32
    %c0_i32_0 = arith.constant 0 : i32
    return %arg0, %c0_i32 : i32, i32
  }
  func.func @transform_1(%arg0: i32) -> (i32, i32) {
    %c0_i32 = arith.constant 0 : i32
    %c0_i32_0 = arith.constant 0 : i32
    return %c0_i32, %arg0 : i32, i32
  }
}

module attributes {stable_mosaic.version = 14 : i64} {
  func.func @body(%arg0: i32, %arg1: memref<256x128xf32, #tpu.memory_space<vmem>>, %arg2: memref<128x128xf32, #tpu.memory_space<vmem>>, %arg3: memref<1x256xf32, #tpu.memory_space<vmem>>, %arg4: memref<256x128xf32, #tpu.memory_space<vmem>>) attributes {dimension_semantics = [#tpu.dimension_semantics<arbitrary>], iteration_bounds = array<i64: 40>, scalar_prefetch = 0 : i64, scratch_operands = 0 : i64, tpu.core_type = #tpu.core_type<tc>, window_params = [{transform_indices = @transform_0, window_bounds = array<i64: 256, 128>}, {pipeline_mode = #tpu.pipeline_mode<synchronous>, transform_indices = @transform_1, window_bounds = array<i64: 128, 128>}, {transform_indices = @transform_2, window_bounds = array<i64: 1, 256>}, {transform_indices = @transform_3, window_bounds = array<i64: 256, 128>}]} {
    %get3A = arith.constant 0 : index
    %get3A_0 = arith.constant 0 : index
    %get3A_1 = vector.load %arg3[%get3A, %get3A_0] : memref<1x256xf32, #tpu.memory_space<vmem>>, vector<1x256xf32>
    %get3A_2 = vector.shape_cast %get3A_1 : vector<1x256xf32> to vector<256xf32>
    %add3A = arith.constant 2.000000e+00 : f32
    %add3A_3 = vector.broadcast %add3A : f32 to vector<256xf32>
    %add3A_4 = arith.addf %get3A_2, %add3A_3 : vector<256xf32>
    %rsqrt3A = math.rsqrt %add3A_4 : vector<256xf32>
    %get3A_5 = arith.constant 0 : index
    %get3A_6 = arith.constant 0 : index
    %get3A_7 = vector.load %arg1[%get3A_5, %get3A_6] : memref<256x128xf32, #tpu.memory_space<vmem>>, vector<256x128xf32>
    %get3A_8 = arith.constant 0 : index
    %get3A_9 = arith.constant 0 : index
    %get3A_10 = vector.load %arg2[%get3A_8, %get3A_9] : memref<128x128xf32, #tpu.memory_space<vmem>>, vector<128x128xf32>
    %dot_general3A = arith.constant dense<0.000000e+00> : vector<256x128xf32>
    %dot_general3A_11 = tpu.matmul %get3A_7, %get3A_10, %dot_general3A {dimension_numbers = #tpu.dot_dimension_numbers<[1], [0], [0], [1], [0, 0, 1, 1], [], []>, transpose_lhs_hint = false} : vector<256x128xf32>, vector<128x128xf32>, vector<256x128xf32> -> vector<256x128xf32>
    %broadcast_in_dim3A = vector.shape_cast %rsqrt3A : vector<256xf32> to vector<256x1xf32>
    %mul3A = vector.broadcast %broadcast_in_dim3A : vector<256x1xf32> to vector<256x128xf32>
    %mul3A_12 = arith.mulf %dot_general3A_11, %mul3A : vector<256x128xf32>
    %swap3A = arith.constant 0 : index
    %swap3A_13 = arith.constant 0 : index
    %swap3A_14 = vector.load %arg4[%swap3A, %swap3A_13] : memref<256x128xf32, #tpu.memory_space<vmem>>, vector<256x128xf32>
    tpu.vector_store %arg4[%swap3A, %swap3A_13], %mul3A_12 {strides = array<i32>} : memref<256x128xf32, #tpu.memory_space<vmem>>, vector<256x128xf32>,
    return
  }
  func.func @transform_0(%arg0: i32) -> (i32, i32) {
    %c0_i32 = arith.constant 0 : i32
    %c0_i32_0 = arith.constant 0 : i32
    return %arg0, %c0_i32 : i32, i32
  }
  func.func @transform_1(%arg0: i32) -> (i32, i32) {
    %c0_i32 = arith.constant 0 : i32
    %c0_i32_0 = arith.constant 0 : i32
    %c0_i32_1 = arith.constant 0 : i32
    return %c0_i32, %c0_i32_0 : i32, i32
  }
  func.func @transform_2(%arg0: i32) -> (i32, i32) {
    %c0_i32 = arith.constant 0 : i32
    %c0_i32_0 = arith.constant 0 : i32
    return %c0_i32, %arg0 : i32, i32
  }
  func.func @transform_3(%arg0: i32) -> (i32, i32) {
    %c0_i32 = arith.constant 0 : i32
    %c0_i32_0 = arith.constant 0 : i32
    return %arg0, %c0_i32 : i32, i32
  }
}

module attributes {stable_mosaic.version = 14 : i64} {
  func.func @body(%arg0: i32, %arg1: memref<256x10240xf32, #tpu.memory_space<vmem>>, %arg2: memref<10240x128xf32, #tpu.memory_space<vmem>>, %arg3: memref<256x128xf32, #tpu.memory_space<vmem>>, %arg4: memref<1x256xf32, #tpu.memory_space<vmem>>, %arg5: memref<1x128xf32, #tpu.memory_space<vmem>>, %arg6: memref<256x128xf32, #tpu.memory_space<vmem>>) attributes {dimension_semantics = [#tpu.dimension_semantics<arbitrary>], iteration_bounds = array<i64: 40>, scalar_prefetch = 0 : i64, scratch_operands = 0 : i64, tpu.core_type = #tpu.core_type<tc>, window_params = [{transform_indices = @transform_0, window_bounds = array<i64: 256, 10240>}, {pipeline_mode = #tpu.pipeline_mode<synchronous>, transform_indices = @transform_1, window_bounds = array<i64: 10240, 128>}, {transform_indices = @transform_2, window_bounds = array<i64: 256, 128>}, {transform_indices = @transform_3, window_bounds = array<i64: 1, 256>}, {pipeline_mode = #tpu.pipeline_mode<synchronous>, transform_indices = @transform_4, window_bounds = array<i64: 1, 128>}, {transform_indices = @transform_5, window_bounds = array<i64: 256, 128>}]} {
    %get3A = arith.constant 0 : index
    %get3A_0 = arith.constant 0 : index
    %get3A_1 = vector.load %arg4[%get3A, %get3A_0] : memref<1x256xf32, #tpu.memory_space<vmem>>, vector<1x256xf32>
    %get3A_2 = vector.shape_cast %get3A_1 : vector<1x256xf32> to vector<256xf32>
    %add3A = arith.constant 2.000000e+00 : f32
    %add3A_3 = vector.broadcast %add3A : f32 to vector<256xf32>
    %add3A_4 = arith.addf %get3A_2, %add3A_3 : vector<256xf32>
    %rsqrt3A = math.rsqrt %add3A_4 : vector<256xf32>
    %get3A_5 = arith.constant 0 : index
    %get3A_6 = arith.constant 0 : index
    %get3A_7 = vector.load %arg1[%get3A_5, %get3A_6] : memref<256x10240xf32, #tpu.memory_space<vmem>>, vector<256x10240xf32>
    %get3A_8 = arith.constant 0 : index
    %get3A_9 = arith.constant 0 : index
    %get3A_10 = vector.load %arg2[%get3A_8, %get3A_9] : memref<10240x128xf32, #tpu.memory_space<vmem>>, vector<10240x128xf32>
    %dot_general3A = arith.constant dense<0.000000e+00> : vector<256x128xf32>
    %dot_general3A_11 = tpu.matmul %get3A_7, %get3A_10, %dot_general3A {dimension_numbers = #tpu.dot_dimension_numbers<[1], [0], [0], [1], [0, 0, 1, 1], [], []>, transpose_lhs_hint = false} : vector<256x10240xf32>, vector<10240x128xf32>, vector<256x128xf32> -> vector<256x128xf32>
    %get3A_12 = arith.constant 0 : index
    %get3A_13 = arith.constant 0 : index
    %get3A_14 = vector.load %arg3[%get3A_12, %get3A_13] : memref<256x128xf32, #tpu.memory_space<vmem>>, vector<256x128xf32>
    %mul3A = arith.constant 2.000000e+00 : f32
    %mul3A_15 = vector.broadcast %mul3A : f32 to vector<256x128xf32>
    %mul3A_16 = arith.mulf %mul3A_15, %get3A_14 : vector<256x128xf32>
    %add3A_17 = arith.addf %dot_general3A_11, %mul3A_16 : vector<256x128xf32>
    %broadcast_in_dim3A = vector.shape_cast %rsqrt3A : vector<256xf32> to vector<256x1xf32>
    %mul3A_18 = vector.broadcast %broadcast_in_dim3A : vector<256x1xf32> to vector<256x128xf32>
    %mul3A_19 = arith.mulf %add3A_17, %mul3A_18 : vector<256x128xf32>
    %get3A_20 = arith.constant 0 : index
    %get3A_21 = arith.constant 0 : index
    %get3A_22 = vector.load %arg5[%get3A_20, %get3A_21] : memref<1x128xf32, #tpu.memory_space<vmem>>, vector<1x128xf32>
    %add3A_23 = vector.broadcast %get3A_22 : vector<1x128xf32> to vector<256x128xf32>
    %add3A_24 = arith.addf %mul3A_19, %add3A_23 : vector<256x128xf32>
    %max3A = arith.constant 0.000000e+00 : f32
    %max3A_25 = vector.broadcast %max3A : f32 to vector<256x128xf32>
    %max3A_26 = arith.maximumf %add3A_24, %max3A_25 : vector<256x128xf32>
    %swap3A = arith.constant 0 : index
    %swap3A_27 = arith.constant 0 : index
    %swap3A_28 = vector.load %arg6[%swap3A, %swap3A_27] : memref<256x128xf32, #tpu.memory_space<vmem>>, vector<256x128xf32>
    tpu.vector_store %arg6[%swap3A, %swap3A_27], %max3A_26 {strides = array<i32>} : memref<256x128xf32, #tpu.memory_space<vmem>>, vector<256x128xf32>,
    return
  }
  func.func @transform_0(%arg0: i32) -> (i32, i32) {
    %c0_i32 = arith.constant 0 : i32
    %c0_i32_0 = arith.constant 0 : i32
    return %arg0, %c0_i32 : i32, i32
  }
  func.func @transform_1(%arg0: i32) -> (i32, i32) {
    %c0_i32 = arith.constant 0 : i32
    %c0_i32_0 = arith.constant 0 : i32
    %c0_i32_1 = arith.constant 0 : i32
    return %c0_i32, %c0_i32_0 : i32, i32
  }
  func.func @transform_2(%arg0: i32) -> (i32, i32) {
    %c0_i32 = arith.constant 0 : i32
    %c0_i32_0 = arith.constant 0 : i32
    return %arg0, %c0_i32 : i32, i32
  }
  func.func @transform_3(%arg0: i32) -> (i32, i32) {
    %c0_i32 = arith.constant 0 : i32
    %c0_i32_0 = arith.constant 0 : i32
    return %c0_i32, %arg0 : i32, i32
  }
  func.func @transform_4(%arg0: i32) -> (i32, i32) {
    %c0_i32 = arith.constant 0 : i32
    %c0_i32_0 = arith.constant 0 : i32
    %c0_i32_1 = arith.constant 0 : i32
    return %c0_i32, %c0_i32_0 : i32, i32
  }
  func.func @transform_5(%arg0: i32) -> (i32, i32) {
    %c0_i32 = arith.constant 0 : i32
    %c0_i32_0 = arith.constant 0 : i32
    return %arg0, %c0_i32 : i32, i32
  }
}

module attributes {stable_mosaic.version = 14 : i64} {
  func.func @body(%arg0: i32, %arg1: memref<256x5120xf32, #tpu.memory_space<vmem>>, %arg2: memref<1x256xf32, #tpu.memory_space<vmem>>) attributes {dimension_semantics = [#tpu.dimension_semantics<arbitrary>], iteration_bounds = array<i64: 20>, scalar_prefetch = 0 : i64, scratch_operands = 0 : i64, tpu.core_type = #tpu.core_type<tc>, window_params = [{transform_indices = @transform_0, window_bounds = array<i64: 256, 5120>}, {transform_indices = @transform_1, window_bounds = array<i64: 1, 256>}]} {
    %iota3A = tpu.iota {dimensions = array<i32: 1>} : vector<256x5120xi32>
    %lt3A = arith.constant 5000 : i32
    %lt3A_0 = vector.broadcast %lt3A : i32 to vector<256x5120xi32>
    %lt3A_1 = arith.cmpi slt, %iota3A, %lt3A_0 : vector<256x5120xi32>
    %get3A = arith.constant 0 : index
    %get3A_2 = arith.constant 0 : index
    %get3A_3 = vector.load %arg1[%get3A, %get3A_2] : memref<256x5120xf32, #tpu.memory_space<vmem>>, vector<256x5120xf32>
    %jit3A = arith.constant 0.000000e+00 : f32
    %broadcast_in_dim3A = vector.broadcast %jit3A : f32 to vector<256x5120xf32>
    %select_n3A = arith.select %lt3A_1, %get3A_3, %broadcast_in_dim3A : vector<256x5120xi1>, vector<256x5120xf32>
    %reduce_sum3A = arith.constant dense<0.000000e+00> : vector<256xf32>
    %reduce_sum3A_4 = vector.multi_reduction <add>, %select_n3A, %reduce_sum3A [1] : vector<256x5120xf32> to vector<256xf32>
    %broadcast_in_dim3A_5 = vector.shape_cast %reduce_sum3A_4 : vector<256xf32> to vector<1x256xf32>
    %swap3A = arith.constant 0 : index
    %swap3A_6 = arith.constant 0 : index
    %swap3A_7 = vector.load %arg2[%swap3A, %swap3A_6] : memref<1x256xf32, #tpu.memory_space<vmem>>, vector<1x256xf32>
    tpu.vector_store %arg2[%swap3A, %swap3A_6], %broadcast_in_dim3A_5 {strides = array<i32>} : memref<1x256xf32, #tpu.memory_space<vmem>>, vector<1x256xf32>,
    return
  }
  func.func @transform_0(%arg0: i32) -> (i32, i32) {
    %c0_i32 = arith.constant 0 : i32
    %c0_i32_0 = arith.constant 0 : i32
    return %arg0, %c0_i32 : i32, i32
  }
  func.func @transform_1(%arg0: i32) -> (i32, i32) {
    %c0_i32 = arith.constant 0 : i32
    %c0_i32_0 = arith.constant 0 : i32
    return %c0_i32, %arg0 : i32, i32
  }
}

module attributes {stable_mosaic.version = 14 : i64} {
  func.func @body(%arg0: i32, %arg1: memref<256x128xf32, #tpu.memory_space<vmem>>, %arg2: memref<128x128xf32, #tpu.memory_space<vmem>>, %arg3: memref<1x256xf32, #tpu.memory_space<vmem>>, %arg4: memref<256x128xf32, #tpu.memory_space<vmem>>) attributes {dimension_semantics = [#tpu.dimension_semantics<arbitrary>], iteration_bounds = array<i64: 20>, scalar_prefetch = 0 : i64, scratch_operands = 0 : i64, tpu.core_type = #tpu.core_type<tc>, window_params = [{transform_indices = @transform_0, window_bounds = array<i64: 256, 128>}, {pipeline_mode = #tpu.pipeline_mode<synchronous>, transform_indices = @transform_1, window_bounds = array<i64: 128, 128>}, {transform_indices = @transform_2, window_bounds = array<i64: 1, 256>}, {transform_indices = @transform_3, window_bounds = array<i64: 256, 128>}]} {
    %get3A = arith.constant 0 : index
    %get3A_0 = arith.constant 0 : index
    %get3A_1 = vector.load %arg3[%get3A, %get3A_0] : memref<1x256xf32, #tpu.memory_space<vmem>>, vector<1x256xf32>
    %get3A_2 = vector.shape_cast %get3A_1 : vector<1x256xf32> to vector<256xf32>
    %add3A = arith.constant 2.000000e+00 : f32
    %add3A_3 = vector.broadcast %add3A : f32 to vector<256xf32>
    %add3A_4 = arith.addf %get3A_2, %add3A_3 : vector<256xf32>
    %rsqrt3A = math.rsqrt %add3A_4 : vector<256xf32>
    %get3A_5 = arith.constant 0 : index
    %get3A_6 = arith.constant 0 : index
    %get3A_7 = vector.load %arg1[%get3A_5, %get3A_6] : memref<256x128xf32, #tpu.memory_space<vmem>>, vector<256x128xf32>
    %get3A_8 = arith.constant 0 : index
    %get3A_9 = arith.constant 0 : index
    %get3A_10 = vector.load %arg2[%get3A_8, %get3A_9] : memref<128x128xf32, #tpu.memory_space<vmem>>, vector<128x128xf32>
    %dot_general3A = arith.constant dense<0.000000e+00> : vector<256x128xf32>
    %dot_general3A_11 = tpu.matmul %get3A_7, %get3A_10, %dot_general3A {dimension_numbers = #tpu.dot_dimension_numbers<[1], [0], [0], [1], [0, 0, 1, 1], [], []>, transpose_lhs_hint = false} : vector<256x128xf32>, vector<128x128xf32>, vector<256x128xf32> -> vector<256x128xf32>
    %broadcast_in_dim3A = vector.shape_cast %rsqrt3A : vector<256xf32> to vector<256x1xf32>
    %mul3A = vector.broadcast %broadcast_in_dim3A : vector<256x1xf32> to vector<256x128xf32>
    %mul3A_12 = arith.mulf %dot_general3A_11, %mul3A : vector<256x128xf32>
    %swap3A = arith.constant 0 : index
    %swap3A_13 = arith.constant 0 : index
    %swap3A_14 = vector.load %arg4[%swap3A, %swap3A_13] : memref<256x128xf32, #tpu.memory_space<vmem>>, vector<256x128xf32>
    tpu.vector_store %arg4[%swap3A, %swap3A_13], %mul3A_12 {strides = array<i32>} : memref<256x128xf32, #tpu.memory_space<vmem>>, vector<256x128xf32>,
    return
  }
  func.func @transform_0(%arg0: i32) -> (i32, i32) {
    %c0_i32 = arith.constant 0 : i32
    %c0_i32_0 = arith.constant 0 : i32
    return %arg0, %c0_i32 : i32, i32
  }
  func.func @transform_1(%arg0: i32) -> (i32, i32) {
    %c0_i32 = arith.constant 0 : i32
    %c0_i32_0 = arith.constant 0 : i32
    %c0_i32_1 = arith.constant 0 : i32
    return %c0_i32, %c0_i32_0 : i32, i32
  }
  func.func @transform_2(%arg0: i32) -> (i32, i32) {
    %c0_i32 = arith.constant 0 : i32
    %c0_i32_0 = arith.constant 0 : i32
    return %c0_i32, %arg0 : i32, i32
  }
  func.func @transform_3(%arg0: i32) -> (i32, i32) {
    %c0_i32 = arith.constant 0 : i32
    %c0_i32_0 = arith.constant 0 : i32
    return %arg0, %c0_i32 : i32, i32
  }
}

module attributes {stable_mosaic.version = 14 : i64} {
  func.func @body(%arg0: i32, %arg1: memref<256x5120xf32, #tpu.memory_space<vmem>>, %arg2: memref<5120x128xf32, #tpu.memory_space<vmem>>, %arg3: memref<256x128xf32, #tpu.memory_space<vmem>>, %arg4: memref<1x256xf32, #tpu.memory_space<vmem>>, %arg5: memref<1x128xf32, #tpu.memory_space<vmem>>, %arg6: memref<256x128xf32, #tpu.memory_space<vmem>>) attributes {dimension_semantics = [#tpu.dimension_semantics<arbitrary>], iteration_bounds = array<i64: 20>, scalar_prefetch = 0 : i64, scratch_operands = 0 : i64, tpu.core_type = #tpu.core_type<tc>, window_params = [{transform_indices = @transform_0, window_bounds = array<i64: 256, 5120>}, {pipeline_mode = #tpu.pipeline_mode<synchronous>, transform_indices = @transform_1, window_bounds = array<i64: 5120, 128>}, {transform_indices = @transform_2, window_bounds = array<i64: 256, 128>}, {transform_indices = @transform_3, window_bounds = array<i64: 1, 256>}, {pipeline_mode = #tpu.pipeline_mode<synchronous>, transform_indices = @transform_4, window_bounds = array<i64: 1, 128>}, {transform_indices = @transform_5, window_bounds = array<i64: 256, 128>}]} {
    %get3A = arith.constant 0 : index
    %get3A_0 = arith.constant 0 : index
    %get3A_1 = vector.load %arg4[%get3A, %get3A_0] : memref<1x256xf32, #tpu.memory_space<vmem>>, vector<1x256xf32>
    %get3A_2 = vector.shape_cast %get3A_1 : vector<1x256xf32> to vector<256xf32>
    %add3A = arith.constant 2.000000e+00 : f32
    %add3A_3 = vector.broadcast %add3A : f32 to vector<256xf32>
    %add3A_4 = arith.addf %get3A_2, %add3A_3 : vector<256xf32>
    %rsqrt3A = math.rsqrt %add3A_4 : vector<256xf32>
    %get3A_5 = arith.constant 0 : index
    %get3A_6 = arith.constant 0 : index
    %get3A_7 = vector.load %arg1[%get3A_5, %get3A_6] : memref<256x5120xf32, #tpu.memory_space<vmem>>, vector<256x5120xf32>
    %get3A_8 = arith.constant 0 : index
    %get3A_9 = arith.constant 0 : index
    %get3A_10 = vector.load %arg2[%get3A_8, %get3A_9] : memref<5120x128xf32, #tpu.memory_space<vmem>>, vector<5120x128xf32>
    %dot_general3A = arith.constant dense<0.000000e+00> : vector<256x128xf32>
    %dot_general3A_11 = tpu.matmul %get3A_7, %get3A_10, %dot_general3A {dimension_numbers = #tpu.dot_dimension_numbers<[1], [0], [0], [1], [0, 0, 1, 1], [], []>, transpose_lhs_hint = false} : vector<256x5120xf32>, vector<5120x128xf32>, vector<256x128xf32> -> vector<256x128xf32>
    %get3A_12 = arith.constant 0 : index
    %get3A_13 = arith.constant 0 : index
    %get3A_14 = vector.load %arg3[%get3A_12, %get3A_13] : memref<256x128xf32, #tpu.memory_space<vmem>>, vector<256x128xf32>
    %mul3A = arith.constant 2.000000e+00 : f32
    %mul3A_15 = vector.broadcast %mul3A : f32 to vector<256x128xf32>
    %mul3A_16 = arith.mulf %mul3A_15, %get3A_14 : vector<256x128xf32>
    %add3A_17 = arith.addf %dot_general3A_11, %mul3A_16 : vector<256x128xf32>
    %broadcast_in_dim3A = vector.shape_cast %rsqrt3A : vector<256xf32> to vector<256x1xf32>
    %mul3A_18 = vector.broadcast %broadcast_in_dim3A : vector<256x1xf32> to vector<256x128xf32>
    %mul3A_19 = arith.mulf %add3A_17, %mul3A_18 : vector<256x128xf32>
    %get3A_20 = arith.constant 0 : index
    %get3A_21 = arith.constant 0 : index
    %get3A_22 = vector.load %arg5[%get3A_20, %get3A_21] : memref<1x128xf32, #tpu.memory_space<vmem>>, vector<1x128xf32>
    %add3A_23 = vector.broadcast %get3A_22 : vector<1x128xf32> to vector<256x128xf32>
    %add3A_24 = arith.addf %mul3A_19, %add3A_23 : vector<256x128xf32>
    %max3A = arith.constant 0.000000e+00 : f32
    %max3A_25 = vector.broadcast %max3A : f32 to vector<256x128xf32>
    %max3A_26 = arith.maximumf %add3A_24, %max3A_25 : vector<256x128xf32>
    %swap3A = arith.constant 0 : index
    %swap3A_27 = arith.constant 0 : index
    %swap3A_28 = vector.load %arg6[%swap3A, %swap3A_27] : memref<256x128xf32, #tpu.memory_space<vmem>>, vector<256x128xf32>
    tpu.vector_store %arg6[%swap3A, %swap3A_27], %max3A_26 {strides = array<i32>} : memref<256x128xf32, #tpu.memory_space<vmem>>, vector<256x128xf32>,
    return
  }
  func.func @transform_0(%arg0: i32) -> (i32, i32) {
    %c0_i32 = arith.constant 0 : i32
    %c0_i32_0 = arith.constant 0 : i32
    return %arg0, %c0_i32 : i32, i32
  }
  func.func @transform_1(%arg0: i32) -> (i32, i32) {
    %c0_i32 = arith.constant 0 : i32
    %c0_i32_0 = arith.constant 0 : i32
    %c0_i32_1 = arith.constant 0 : i32
    return %c0_i32, %c0_i32_0 : i32, i32
  }
  func.func @transform_2(%arg0: i32) -> (i32, i32) {
    %c0_i32 = arith.constant 0 : i32
    %c0_i32_0 = arith.constant 0 : i32
    return %arg0, %c0_i32 : i32, i32
  }
  func.func @transform_3(%arg0: i32) -> (i32, i32) {
    %c0_i32 = arith.constant 0 : i32
    %c0_i32_0 = arith.constant 0 : i32
    return %c0_i32, %arg0 : i32, i32
  }
  func.func @transform_4(%arg0: i32) -> (i32, i32) {
    %c0_i32 = arith.constant 0 : i32
    %c0_i32_0 = arith.constant 0 : i32
    %c0_i32_1 = arith.constant 0 : i32
    return %c0_i32, %c0_i32_0 : i32, i32
  }
  func.func @transform_5(%arg0: i32) -> (i32, i32) {
    %c0_i32 = arith.constant 0 : i32
    %c0_i32_0 = arith.constant 0 : i32
    return %arg0, %c0_i32 : i32, i32
  }
}

module attributes {stable_mosaic.version = 14 : i64} {
  func.func @body(%arg0: i32, %arg1: memref<256x2560xf32, #tpu.memory_space<vmem>>, %arg2: memref<1x256xf32, #tpu.memory_space<vmem>>) attributes {dimension_semantics = [#tpu.dimension_semantics<arbitrary>], iteration_bounds = array<i64: 10>, scalar_prefetch = 0 : i64, scratch_operands = 0 : i64, tpu.core_type = #tpu.core_type<tc>, window_params = [{transform_indices = @transform_0, window_bounds = array<i64: 256, 2560>}, {transform_indices = @transform_1, window_bounds = array<i64: 1, 256>}]} {
    %iota3A = tpu.iota {dimensions = array<i32: 1>} : vector<256x2560xi32>
    %lt3A = arith.constant 2500 : i32
    %lt3A_0 = vector.broadcast %lt3A : i32 to vector<256x2560xi32>
    %lt3A_1 = arith.cmpi slt, %iota3A, %lt3A_0 : vector<256x2560xi32>
    %get3A = arith.constant 0 : index
    %get3A_2 = arith.constant 0 : index
    %get3A_3 = vector.load %arg1[%get3A, %get3A_2] : memref<256x2560xf32, #tpu.memory_space<vmem>>, vector<256x2560xf32>
    %jit3A = arith.constant 0.000000e+00 : f32
    %broadcast_in_dim3A = vector.broadcast %jit3A : f32 to vector<256x2560xf32>
    %select_n3A = arith.select %lt3A_1, %get3A_3, %broadcast_in_dim3A : vector<256x2560xi1>, vector<256x2560xf32>
    %reduce_sum3A = arith.constant dense<0.000000e+00> : vector<256xf32>
    %reduce_sum3A_4 = vector.multi_reduction <add>, %select_n3A, %reduce_sum3A [1] : vector<256x2560xf32> to vector<256xf32>
    %broadcast_in_dim3A_5 = vector.shape_cast %reduce_sum3A_4 : vector<256xf32> to vector<1x256xf32>
    %swap3A = arith.constant 0 : index
    %swap3A_6 = arith.constant 0 : index
    %swap3A_7 = vector.load %arg2[%swap3A, %swap3A_6] : memref<1x256xf32, #tpu.memory_space<vmem>>, vector<1x256xf32>
    tpu.vector_store %arg2[%swap3A, %swap3A_6], %broadcast_in_dim3A_5 {strides = array<i32>} : memref<1x256xf32, #tpu.memory_space<vmem>>, vector<1x256xf32>,
    return
  }
  func.func @transform_0(%arg0: i32) -> (i32, i32) {
    %c0_i32 = arith.constant 0 : i32
    %c0_i32_0 = arith.constant 0 : i32
    return %arg0, %c0_i32 : i32, i32
  }
  func.func @transform_1(%arg0: i32) -> (i32, i32) {
    %c0_i32 = arith.constant 0 : i32
    %c0_i32_0 = arith.constant 0 : i32
    return %c0_i32, %arg0 : i32, i32
  }
}

module attributes {stable_mosaic.version = 14 : i64} {
  func.func @body(%arg0: i32, %arg1: memref<256x128xf32, #tpu.memory_space<vmem>>, %arg2: memref<128x128xf32, #tpu.memory_space<vmem>>, %arg3: memref<1x256xf32, #tpu.memory_space<vmem>>, %arg4: memref<256x128xf32, #tpu.memory_space<vmem>>) attributes {dimension_semantics = [#tpu.dimension_semantics<arbitrary>], iteration_bounds = array<i64: 10>, scalar_prefetch = 0 : i64, scratch_operands = 0 : i64, tpu.core_type = #tpu.core_type<tc>, window_params = [{transform_indices = @transform_0, window_bounds = array<i64: 256, 128>}, {pipeline_mode = #tpu.pipeline_mode<synchronous>, transform_indices = @transform_1, window_bounds = array<i64: 128, 128>}, {transform_indices = @transform_2, window_bounds = array<i64: 1, 256>}, {transform_indices = @transform_3, window_bounds = array<i64: 256, 128>}]} {
    %get3A = arith.constant 0 : index
    %get3A_0 = arith.constant 0 : index
    %get3A_1 = vector.load %arg3[%get3A, %get3A_0] : memref<1x256xf32, #tpu.memory_space<vmem>>, vector<1x256xf32>
    %get3A_2 = vector.shape_cast %get3A_1 : vector<1x256xf32> to vector<256xf32>
    %add3A = arith.constant 2.000000e+00 : f32
    %add3A_3 = vector.broadcast %add3A : f32 to vector<256xf32>
    %add3A_4 = arith.addf %get3A_2, %add3A_3 : vector<256xf32>
    %rsqrt3A = math.rsqrt %add3A_4 : vector<256xf32>
    %get3A_5 = arith.constant 0 : index
    %get3A_6 = arith.constant 0 : index
    %get3A_7 = vector.load %arg1[%get3A_5, %get3A_6] : memref<256x128xf32, #tpu.memory_space<vmem>>, vector<256x128xf32>
    %get3A_8 = arith.constant 0 : index
    %get3A_9 = arith.constant 0 : index
    %get3A_10 = vector.load %arg2[%get3A_8, %get3A_9] : memref<128x128xf32, #tpu.memory_space<vmem>>, vector<128x128xf32>
    %dot_general3A = arith.constant dense<0.000000e+00> : vector<256x128xf32>
    %dot_general3A_11 = tpu.matmul %get3A_7, %get3A_10, %dot_general3A {dimension_numbers = #tpu.dot_dimension_numbers<[1], [0], [0], [1], [0, 0, 1, 1], [], []>, transpose_lhs_hint = false} : vector<256x128xf32>, vector<128x128xf32>, vector<256x128xf32> -> vector<256x128xf32>
    %broadcast_in_dim3A = vector.shape_cast %rsqrt3A : vector<256xf32> to vector<256x1xf32>
    %mul3A = vector.broadcast %broadcast_in_dim3A : vector<256x1xf32> to vector<256x128xf32>
    %mul3A_12 = arith.mulf %dot_general3A_11, %mul3A : vector<256x128xf32>
    %swap3A = arith.constant 0 : index
    %swap3A_13 = arith.constant 0 : index
    %swap3A_14 = vector.load %arg4[%swap3A, %swap3A_13] : memref<256x128xf32, #tpu.memory_space<vmem>>, vector<256x128xf32>
    tpu.vector_store %arg4[%swap3A, %swap3A_13], %mul3A_12 {strides = array<i32>} : memref<256x128xf32, #tpu.memory_space<vmem>>, vector<256x128xf32>,
    return
  }
  func.func @transform_0(%arg0: i32) -> (i32, i32) {
    %c0_i32 = arith.constant 0 : i32
    %c0_i32_0 = arith.constant 0 : i32
    return %arg0, %c0_i32 : i32, i32
  }
  func.func @transform_1(%arg0: i32) -> (i32, i32) {
    %c0_i32 = arith.constant 0 : i32
    %c0_i32_0 = arith.constant 0 : i32
    %c0_i32_1 = arith.constant 0 : i32
    return %c0_i32, %c0_i32_0 : i32, i32
  }
  func.func @transform_2(%arg0: i32) -> (i32, i32) {
    %c0_i32 = arith.constant 0 : i32
    %c0_i32_0 = arith.constant 0 : i32
    return %c0_i32, %arg0 : i32, i32
  }
  func.func @transform_3(%arg0: i32) -> (i32, i32) {
    %c0_i32 = arith.constant 0 : i32
    %c0_i32_0 = arith.constant 0 : i32
    return %arg0, %c0_i32 : i32, i32
  }
}

module attributes {stable_mosaic.version = 14 : i64} {
  func.func @body(%arg0: i32, %arg1: memref<256x2560xf32, #tpu.memory_space<vmem>>, %arg2: memref<2560x128xf32, #tpu.memory_space<vmem>>, %arg3: memref<256x128xf32, #tpu.memory_space<vmem>>, %arg4: memref<1x256xf32, #tpu.memory_space<vmem>>, %arg5: memref<1x128xf32, #tpu.memory_space<vmem>>, %arg6: memref<256x128xf32, #tpu.memory_space<vmem>>) attributes {dimension_semantics = [#tpu.dimension_semantics<arbitrary>], iteration_bounds = array<i64: 10>, scalar_prefetch = 0 : i64, scratch_operands = 0 : i64, tpu.core_type = #tpu.core_type<tc>, window_params = [{transform_indices = @transform_0, window_bounds = array<i64: 256, 2560>}, {pipeline_mode = #tpu.pipeline_mode<synchronous>, transform_indices = @transform_1, window_bounds = array<i64: 2560, 128>}, {transform_indices = @transform_2, window_bounds = array<i64: 256, 128>}, {transform_indices = @transform_3, window_bounds = array<i64: 1, 256>}, {pipeline_mode = #tpu.pipeline_mode<synchronous>, transform_indices = @transform_4, window_bounds = array<i64: 1, 128>}, {transform_indices = @transform_5, window_bounds = array<i64: 256, 128>}]} {
    %get3A = arith.constant 0 : index
    %get3A_0 = arith.constant 0 : index
    %get3A_1 = vector.load %arg4[%get3A, %get3A_0] : memref<1x256xf32, #tpu.memory_space<vmem>>, vector<1x256xf32>
    %get3A_2 = vector.shape_cast %get3A_1 : vector<1x256xf32> to vector<256xf32>
    %add3A = arith.constant 2.000000e+00 : f32
    %add3A_3 = vector.broadcast %add3A : f32 to vector<256xf32>
    %add3A_4 = arith.addf %get3A_2, %add3A_3 : vector<256xf32>
    %rsqrt3A = math.rsqrt %add3A_4 : vector<256xf32>
    %get3A_5 = arith.constant 0 : index
    %get3A_6 = arith.constant 0 : index
    %get3A_7 = vector.load %arg1[%get3A_5, %get3A_6] : memref<256x2560xf32, #tpu.memory_space<vmem>>, vector<256x2560xf32>
    %get3A_8 = arith.constant 0 : index
    %get3A_9 = arith.constant 0 : index
    %get3A_10 = vector.load %arg2[%get3A_8, %get3A_9] : memref<2560x128xf32, #tpu.memory_space<vmem>>, vector<2560x128xf32>
    %dot_general3A = arith.constant dense<0.000000e+00> : vector<256x128xf32>
    %dot_general3A_11 = tpu.matmul %get3A_7, %get3A_10, %dot_general3A {dimension_numbers = #tpu.dot_dimension_numbers<[1], [0], [0], [1], [0, 0, 1, 1], [], []>, transpose_lhs_hint = false} : vector<256x2560xf32>, vector<2560x128xf32>, vector<256x128xf32> -> vector<256x128xf32>
    %get3A_12 = arith.constant 0 : index
    %get3A_13 = arith.constant 0 : index
    %get3A_14 = vector.load %arg3[%get3A_12, %get3A_13] : memref<256x128xf32, #tpu.memory_space<vmem>>, vector<256x128xf32>
    %mul3A = arith.constant 2.000000e+00 : f32
    %mul3A_15 = vector.broadcast %mul3A : f32 to vector<256x128xf32>
    %mul3A_16 = arith.mulf %mul3A_15, %get3A_14 : vector<256x128xf32>
    %add3A_17 = arith.addf %dot_general3A_11, %mul3A_16 : vector<256x128xf32>
    %broadcast_in_dim3A = vector.shape_cast %rsqrt3A : vector<256xf32> to vector<256x1xf32>
    %mul3A_18 = vector.broadcast %broadcast_in_dim3A : vector<256x1xf32> to vector<256x128xf32>
    %mul3A_19 = arith.mulf %add3A_17, %mul3A_18 : vector<256x128xf32>
    %get3A_20 = arith.constant 0 : index
    %get3A_21 = arith.constant 0 : index
    %get3A_22 = vector.load %arg5[%get3A_20, %get3A_21] : memref<1x128xf32, #tpu.memory_space<vmem>>, vector<1x128xf32>
    %add3A_23 = vector.broadcast %get3A_22 : vector<1x128xf32> to vector<256x128xf32>
    %add3A_24 = arith.addf %mul3A_19, %add3A_23 : vector<256x128xf32>
    %max3A = arith.constant 0.000000e+00 : f32
    %max3A_25 = vector.broadcast %max3A : f32 to vector<256x128xf32>
    %max3A_26 = arith.maximumf %add3A_24, %max3A_25 : vector<256x128xf32>
    %swap3A = arith.constant 0 : index
    %swap3A_27 = arith.constant 0 : index
    %swap3A_28 = vector.load %arg6[%swap3A, %swap3A_27] : memref<256x128xf32, #tpu.memory_space<vmem>>, vector<256x128xf32>
    tpu.vector_store %arg6[%swap3A, %swap3A_27], %max3A_26 {strides = array<i32>} : memref<256x128xf32, #tpu.memory_space<vmem>>, vector<256x128xf32>,
    return
  }
  func.func @transform_0(%arg0: i32) -> (i32, i32) {
    %c0_i32 = arith.constant 0 : i32
    %c0_i32_0 = arith.constant 0 : i32
    return %arg0, %c0_i32 : i32, i32
  }
  func.func @transform_1(%arg0: i32) -> (i32, i32) {
    %c0_i32 = arith.constant 0 : i32
    %c0_i32_0 = arith.constant 0 : i32
    %c0_i32_1 = arith.constant 0 : i32
    return %c0_i32, %c0_i32_0 : i32, i32
  }
  func.func @transform_2(%arg0: i32) -> (i32, i32) {
    %c0_i32 = arith.constant 0 : i32
    %c0_i32_0 = arith.constant 0 : i32
    return %arg0, %c0_i32 : i32, i32
  }
  func.func @transform_3(%arg0: i32) -> (i32, i32) {
    %c0_i32 = arith.constant 0 : i32
    %c0_i32_0 = arith.constant 0 : i32
    return %c0_i32, %arg0 : i32, i32
  }
  func.func @transform_4(%arg0: i32) -> (i32, i32) {
    %c0_i32 = arith.constant 0 : i32
    %c0_i32_0 = arith.constant 0 : i32
    %c0_i32_1 = arith.constant 0 : i32
    return %c0_i32, %c0_i32_0 : i32, i32
  }
  func.func @transform_5(%arg0: i32) -> (i32, i32) {
    %c0_i32 = arith.constant 0 : i32
    %c0_i32_0 = arith.constant 0 : i32
    return %arg0, %c0_i32 : i32, i32
  }
}

module attributes {stable_mosaic.version = 14 : i64} {
  func.func @body(%arg0: i32, %arg1: memref<256x1280xf32, #tpu.memory_space<vmem>>, %arg2: memref<1x256xf32, #tpu.memory_space<vmem>>) attributes {dimension_semantics = [#tpu.dimension_semantics<arbitrary>], iteration_bounds = array<i64: 5>, scalar_prefetch = 0 : i64, scratch_operands = 0 : i64, tpu.core_type = #tpu.core_type<tc>, window_params = [{transform_indices = @transform_0, window_bounds = array<i64: 256, 1280>}, {transform_indices = @transform_1, window_bounds = array<i64: 1, 256>}]} {
    %iota3A = tpu.iota {dimensions = array<i32: 1>} : vector<256x1280xi32>
    %lt3A = arith.constant 1250 : i32
    %lt3A_0 = vector.broadcast %lt3A : i32 to vector<256x1280xi32>
    %lt3A_1 = arith.cmpi slt, %iota3A, %lt3A_0 : vector<256x1280xi32>
    %get3A = arith.constant 0 : index
    %get3A_2 = arith.constant 0 : index
    %get3A_3 = vector.load %arg1[%get3A, %get3A_2] : memref<256x1280xf32, #tpu.memory_space<vmem>>, vector<256x1280xf32>
    %jit3A = arith.constant 0.000000e+00 : f32
    %broadcast_in_dim3A = vector.broadcast %jit3A : f32 to vector<256x1280xf32>
    %select_n3A = arith.select %lt3A_1, %get3A_3, %broadcast_in_dim3A : vector<256x1280xi1>, vector<256x1280xf32>
    %reduce_sum3A = arith.constant dense<0.000000e+00> : vector<256xf32>
    %reduce_sum3A_4 = vector.multi_reduction <add>, %select_n3A, %reduce_sum3A [1] : vector<256x1280xf32> to vector<256xf32>
    %broadcast_in_dim3A_5 = vector.shape_cast %reduce_sum3A_4 : vector<256xf32> to vector<1x256xf32>
    %swap3A = arith.constant 0 : index
    %swap3A_6 = arith.constant 0 : index
    %swap3A_7 = vector.load %arg2[%swap3A, %swap3A_6] : memref<1x256xf32, #tpu.memory_space<vmem>>, vector<1x256xf32>
    tpu.vector_store %arg2[%swap3A, %swap3A_6], %broadcast_in_dim3A_5 {strides = array<i32>} : memref<1x256xf32, #tpu.memory_space<vmem>>, vector<1x256xf32>,
    return
  }
  func.func @transform_0(%arg0: i32) -> (i32, i32) {
    %c0_i32 = arith.constant 0 : i32
    %c0_i32_0 = arith.constant 0 : i32
    return %arg0, %c0_i32 : i32, i32
  }
  func.func @transform_1(%arg0: i32) -> (i32, i32) {
    %c0_i32 = arith.constant 0 : i32
    %c0_i32_0 = arith.constant 0 : i32
    return %c0_i32, %arg0 : i32, i32
  }
}

module attributes {stable_mosaic.version = 14 : i64} {
  func.func @body(%arg0: i32, %arg1: memref<256x128xf32, #tpu.memory_space<vmem>>, %arg2: memref<128x128xf32, #tpu.memory_space<vmem>>, %arg3: memref<1x256xf32, #tpu.memory_space<vmem>>, %arg4: memref<256x128xf32, #tpu.memory_space<vmem>>) attributes {dimension_semantics = [#tpu.dimension_semantics<arbitrary>], iteration_bounds = array<i64: 5>, scalar_prefetch = 0 : i64, scratch_operands = 0 : i64, tpu.core_type = #tpu.core_type<tc>, window_params = [{transform_indices = @transform_0, window_bounds = array<i64: 256, 128>}, {pipeline_mode = #tpu.pipeline_mode<synchronous>, transform_indices = @transform_1, window_bounds = array<i64: 128, 128>}, {transform_indices = @transform_2, window_bounds = array<i64: 1, 256>}, {transform_indices = @transform_3, window_bounds = array<i64: 256, 128>}]} {
    %get3A = arith.constant 0 : index
    %get3A_0 = arith.constant 0 : index
    %get3A_1 = vector.load %arg3[%get3A, %get3A_0] : memref<1x256xf32, #tpu.memory_space<vmem>>, vector<1x256xf32>
    %get3A_2 = vector.shape_cast %get3A_1 : vector<1x256xf32> to vector<256xf32>
    %add3A = arith.constant 2.000000e+00 : f32
    %add3A_3 = vector.broadcast %add3A : f32 to vector<256xf32>
    %add3A_4 = arith.addf %get3A_2, %add3A_3 : vector<256xf32>
    %rsqrt3A = math.rsqrt %add3A_4 : vector<256xf32>
    %get3A_5 = arith.constant 0 : index
    %get3A_6 = arith.constant 0 : index
    %get3A_7 = vector.load %arg1[%get3A_5, %get3A_6] : memref<256x128xf32, #tpu.memory_space<vmem>>, vector<256x128xf32>
    %get3A_8 = arith.constant 0 : index
    %get3A_9 = arith.constant 0 : index
    %get3A_10 = vector.load %arg2[%get3A_8, %get3A_9] : memref<128x128xf32, #tpu.memory_space<vmem>>, vector<128x128xf32>
    %dot_general3A = arith.constant dense<0.000000e+00> : vector<256x128xf32>
    %dot_general3A_11 = tpu.matmul %get3A_7, %get3A_10, %dot_general3A {dimension_numbers = #tpu.dot_dimension_numbers<[1], [0], [0], [1], [0, 0, 1, 1], [], []>, transpose_lhs_hint = false} : vector<256x128xf32>, vector<128x128xf32>, vector<256x128xf32> -> vector<256x128xf32>
    %broadcast_in_dim3A = vector.shape_cast %rsqrt3A : vector<256xf32> to vector<256x1xf32>
    %mul3A = vector.broadcast %broadcast_in_dim3A : vector<256x1xf32> to vector<256x128xf32>
    %mul3A_12 = arith.mulf %dot_general3A_11, %mul3A : vector<256x128xf32>
    %swap3A = arith.constant 0 : index
    %swap3A_13 = arith.constant 0 : index
    %swap3A_14 = vector.load %arg4[%swap3A, %swap3A_13] : memref<256x128xf32, #tpu.memory_space<vmem>>, vector<256x128xf32>
    tpu.vector_store %arg4[%swap3A, %swap3A_13], %mul3A_12 {strides = array<i32>} : memref<256x128xf32, #tpu.memory_space<vmem>>, vector<256x128xf32>,
    return
  }
  func.func @transform_0(%arg0: i32) -> (i32, i32) {
    %c0_i32 = arith.constant 0 : i32
    %c0_i32_0 = arith.constant 0 : i32
    return %arg0, %c0_i32 : i32, i32
  }
  func.func @transform_1(%arg0: i32) -> (i32, i32) {
    %c0_i32 = arith.constant 0 : i32
    %c0_i32_0 = arith.constant 0 : i32
    %c0_i32_1 = arith.constant 0 : i32
    return %c0_i32, %c0_i32_0 : i32, i32
  }
  func.func @transform_2(%arg0: i32) -> (i32, i32) {
    %c0_i32 = arith.constant 0 : i32
    %c0_i32_0 = arith.constant 0 : i32
    return %c0_i32, %arg0 : i32, i32
  }
  func.func @transform_3(%arg0: i32) -> (i32, i32) {
    %c0_i32 = arith.constant 0 : i32
    %c0_i32_0 = arith.constant 0 : i32
    return %arg0, %c0_i32 : i32, i32
  }
}

module attributes {stable_mosaic.version = 14 : i64} {
  func.func @body(%arg0: i32, %arg1: memref<256x1280xf32, #tpu.memory_space<vmem>>, %arg2: memref<1280x128xf32, #tpu.memory_space<vmem>>, %arg3: memref<256x128xf32, #tpu.memory_space<vmem>>, %arg4: memref<1x256xf32, #tpu.memory_space<vmem>>, %arg5: memref<1x128xf32, #tpu.memory_space<vmem>>, %arg6: memref<256x128xf32, #tpu.memory_space<vmem>>) attributes {dimension_semantics = [#tpu.dimension_semantics<arbitrary>], iteration_bounds = array<i64: 5>, scalar_prefetch = 0 : i64, scratch_operands = 0 : i64, tpu.core_type = #tpu.core_type<tc>, window_params = [{transform_indices = @transform_0, window_bounds = array<i64: 256, 1280>}, {pipeline_mode = #tpu.pipeline_mode<synchronous>, transform_indices = @transform_1, window_bounds = array<i64: 1280, 128>}, {transform_indices = @transform_2, window_bounds = array<i64: 256, 128>}, {transform_indices = @transform_3, window_bounds = array<i64: 1, 256>}, {pipeline_mode = #tpu.pipeline_mode<synchronous>, transform_indices = @transform_4, window_bounds = array<i64: 1, 128>}, {transform_indices = @transform_5, window_bounds = array<i64: 256, 128>}]} {
    %get3A = arith.constant 0 : index
    %get3A_0 = arith.constant 0 : index
    %get3A_1 = vector.load %arg4[%get3A, %get3A_0] : memref<1x256xf32, #tpu.memory_space<vmem>>, vector<1x256xf32>
    %get3A_2 = vector.shape_cast %get3A_1 : vector<1x256xf32> to vector<256xf32>
    %add3A = arith.constant 2.000000e+00 : f32
    %add3A_3 = vector.broadcast %add3A : f32 to vector<256xf32>
    %add3A_4 = arith.addf %get3A_2, %add3A_3 : vector<256xf32>
    %rsqrt3A = math.rsqrt %add3A_4 : vector<256xf32>
    %get3A_5 = arith.constant 0 : index
    %get3A_6 = arith.constant 0 : index
    %get3A_7 = vector.load %arg1[%get3A_5, %get3A_6] : memref<256x1280xf32, #tpu.memory_space<vmem>>, vector<256x1280xf32>
    %get3A_8 = arith.constant 0 : index
    %get3A_9 = arith.constant 0 : index
    %get3A_10 = vector.load %arg2[%get3A_8, %get3A_9] : memref<1280x128xf32, #tpu.memory_space<vmem>>, vector<1280x128xf32>
    %dot_general3A = arith.constant dense<0.000000e+00> : vector<256x128xf32>
    %dot_general3A_11 = tpu.matmul %get3A_7, %get3A_10, %dot_general3A {dimension_numbers = #tpu.dot_dimension_numbers<[1], [0], [0], [1], [0, 0, 1, 1], [], []>, transpose_lhs_hint = false} : vector<256x1280xf32>, vector<1280x128xf32>, vector<256x128xf32> -> vector<256x128xf32>
    %get3A_12 = arith.constant 0 : index
    %get3A_13 = arith.constant 0 : index
    %get3A_14 = vector.load %arg3[%get3A_12, %get3A_13] : memref<256x128xf32, #tpu.memory_space<vmem>>, vector<256x128xf32>
    %mul3A = arith.constant 2.000000e+00 : f32
    %mul3A_15 = vector.broadcast %mul3A : f32 to vector<256x128xf32>
    %mul3A_16 = arith.mulf %mul3A_15, %get3A_14 : vector<256x128xf32>
    %add3A_17 = arith.addf %dot_general3A_11, %mul3A_16 : vector<256x128xf32>
    %broadcast_in_dim3A = vector.shape_cast %rsqrt3A : vector<256xf32> to vector<256x1xf32>
    %mul3A_18 = vector.broadcast %broadcast_in_dim3A : vector<256x1xf32> to vector<256x128xf32>
    %mul3A_19 = arith.mulf %add3A_17, %mul3A_18 : vector<256x128xf32>
    %get3A_20 = arith.constant 0 : index
    %get3A_21 = arith.constant 0 : index
    %get3A_22 = vector.load %arg5[%get3A_20, %get3A_21] : memref<1x128xf32, #tpu.memory_space<vmem>>, vector<1x128xf32>
    %add3A_23 = vector.broadcast %get3A_22 : vector<1x128xf32> to vector<256x128xf32>
    %add3A_24 = arith.addf %mul3A_19, %add3A_23 : vector<256x128xf32>
    %max3A = arith.constant 0.000000e+00 : f32
    %max3A_25 = vector.broadcast %max3A : f32 to vector<256x128xf32>
    %max3A_26 = arith.maximumf %add3A_24, %max3A_25 : vector<256x128xf32>
    %swap3A = arith.constant 0 : index
    %swap3A_27 = arith.constant 0 : index
    %swap3A_28 = vector.load %arg6[%swap3A, %swap3A_27] : memref<256x128xf32, #tpu.memory_space<vmem>>, vector<256x128xf32>
    tpu.vector_store %arg6[%swap3A, %swap3A_27], %max3A_26 {strides = array<i32>} : memref<256x128xf32, #tpu.memory_space<vmem>>, vector<256x128xf32>,
    return
  }
  func.func @transform_0(%arg0: i32) -> (i32, i32) {
    %c0_i32 = arith.constant 0 : i32
    %c0_i32_0 = arith.constant 0 : i32
    return %arg0, %c0_i32 : i32, i32
  }
  func.func @transform_1(%arg0: i32) -> (i32, i32) {
    %c0_i32 = arith.constant 0 : i32
    %c0_i32_0 = arith.constant 0 : i32
    %c0_i32_1 = arith.constant 0 : i32
    return %c0_i32, %c0_i32_0 : i32, i32
  }
  func.func @transform_2(%arg0: i32) -> (i32, i32) {
    %c0_i32 = arith.constant 0 : i32
    %c0_i32_0 = arith.constant 0 : i32
    return %arg0, %c0_i32 : i32, i32
  }
  func.func @transform_3(%arg0: i32) -> (i32, i32) {
    %c0_i32 = arith.constant 0 : i32
    %c0_i32_0 = arith.constant 0 : i32
    return %c0_i32, %arg0 : i32, i32
  }
  func.func @transform_4(%arg0: i32) -> (i32, i32) {
    %c0_i32 = arith.constant 0 : i32
    %c0_i32_0 = arith.constant 0 : i32
    %c0_i32_1 = arith.constant 0 : i32
    return %c0_i32, %c0_i32_0 : i32, i32
  }
  func.func @transform_5(%arg0: i32) -> (i32, i32) {
    %c0_i32 = arith.constant 0 : i32
    %c0_i32_0 = arith.constant 0 : i32
    return %arg0, %c0_i32 : i32, i32
  }
}

module attributes {stable_mosaic.version = 14 : i64} {
  func.func @body(%arg0: i32, %arg1: memref<256x10240xf32, #tpu.memory_space<vmem>>, %arg2: memref<10240x128xf32, #tpu.memory_space<vmem>>, %arg3: memref<256x128xf32, #tpu.memory_space<vmem>>, %arg4: memref<1x256xf32, #tpu.memory_space<vmem>>, %arg5: memref<1x128xf32, #tpu.memory_space<vmem>>, %arg6: memref<256x128xf32, #tpu.memory_space<vmem>>) attributes {dimension_semantics = [#tpu.dimension_semantics<arbitrary>], iteration_bounds = array<i64: 40>, scalar_prefetch = 0 : i64, scratch_operands = 0 : i64, tpu.core_type = #tpu.core_type<tc>, window_params = [{transform_indices = @transform_0, window_bounds = array<i64: 256, 10240>}, {pipeline_mode = #tpu.pipeline_mode<synchronous>, transform_indices = @transform_1, window_bounds = array<i64: 10240, 128>}, {transform_indices = @transform_2, window_bounds = array<i64: 256, 128>}, {transform_indices = @transform_3, window_bounds = array<i64: 1, 256>}, {pipeline_mode = #tpu.pipeline_mode<synchronous>, transform_indices = @transform_4, window_bounds = array<i64: 1, 128>}, {transform_indices = @transform_5, window_bounds = array<i64: 256, 128>}]} {
    %get3A = arith.constant 0 : index
    %get3A_0 = arith.constant 0 : index
    %get3A_1 = vector.load %arg4[%get3A, %get3A_0] : memref<1x256xf32, #tpu.memory_space<vmem>>, vector<1x256xf32>
    %get3A_2 = vector.shape_cast %get3A_1 : vector<1x256xf32> to vector<256xf32>
    %add3A = arith.constant 2.000000e+00 : f32
    %add3A_3 = vector.broadcast %add3A : f32 to vector<256xf32>
    %add3A_4 = arith.addf %get3A_2, %add3A_3 : vector<256xf32>
    %rsqrt3A = math.rsqrt %add3A_4 : vector<256xf32>
    %get3A_5 = arith.constant 0 : index
    %get3A_6 = arith.constant 0 : index
    %get3A_7 = vector.load %arg1[%get3A_5, %get3A_6] : memref<256x10240xf32, #tpu.memory_space<vmem>>, vector<256x10240xf32>
    %get3A_8 = arith.constant 0 : index
    %get3A_9 = arith.constant 0 : index
    %get3A_10 = vector.load %arg2[%get3A_8, %get3A_9] : memref<10240x128xf32, #tpu.memory_space<vmem>>, vector<10240x128xf32>
    %dot_general3A = arith.constant dense<0.000000e+00> : vector<256x128xf32>
    %dot_general3A_11 = tpu.matmul %get3A_7, %get3A_10, %dot_general3A {dimension_numbers = #tpu.dot_dimension_numbers<[1], [0], [0], [1], [0, 0, 1, 1], [], []>, transpose_lhs_hint = false} : vector<256x10240xf32>, vector<10240x128xf32>, vector<256x128xf32> -> vector<256x128xf32>
    %get3A_12 = arith.constant 0 : index
    %get3A_13 = arith.constant 0 : index
    %get3A_14 = vector.load %arg3[%get3A_12, %get3A_13] : memref<256x128xf32, #tpu.memory_space<vmem>>, vector<256x128xf32>
    %mul3A = arith.constant 2.000000e+00 : f32
    %mul3A_15 = vector.broadcast %mul3A : f32 to vector<256x128xf32>
    %mul3A_16 = arith.mulf %mul3A_15, %get3A_14 : vector<256x128xf32>
    %add3A_17 = arith.addf %dot_general3A_11, %mul3A_16 : vector<256x128xf32>
    %broadcast_in_dim3A = vector.shape_cast %rsqrt3A : vector<256xf32> to vector<256x1xf32>
    %mul3A_18 = vector.broadcast %broadcast_in_dim3A : vector<256x1xf32> to vector<256x128xf32>
    %mul3A_19 = arith.mulf %add3A_17, %mul3A_18 : vector<256x128xf32>
    %get3A_20 = arith.constant 0 : index
    %get3A_21 = arith.constant 0 : index
    %get3A_22 = vector.load %arg5[%get3A_20, %get3A_21] : memref<1x128xf32, #tpu.memory_space<vmem>>, vector<1x128xf32>
    %add3A_23 = vector.broadcast %get3A_22 : vector<1x128xf32> to vector<256x128xf32>
    %add3A_24 = arith.addf %mul3A_19, %add3A_23 : vector<256x128xf32>
    %swap3A = arith.constant 0 : index
    %swap3A_25 = arith.constant 0 : index
    %swap3A_26 = vector.load %arg6[%swap3A, %swap3A_25] : memref<256x128xf32, #tpu.memory_space<vmem>>, vector<256x128xf32>
    tpu.vector_store %arg6[%swap3A, %swap3A_25], %add3A_24 {strides = array<i32>} : memref<256x128xf32, #tpu.memory_space<vmem>>, vector<256x128xf32>,
    return
  }
  func.func @transform_0(%arg0: i32) -> (i32, i32) {
    %c0_i32 = arith.constant 0 : i32
    %c0_i32_0 = arith.constant 0 : i32
    return %arg0, %c0_i32 : i32, i32
  }
  func.func @transform_1(%arg0: i32) -> (i32, i32) {
    %c0_i32 = arith.constant 0 : i32
    %c0_i32_0 = arith.constant 0 : i32
    %c0_i32_1 = arith.constant 0 : i32
    return %c0_i32, %c0_i32_0 : i32, i32
  }
  func.func @transform_2(%arg0: i32) -> (i32, i32) {
    %c0_i32 = arith.constant 0 : i32
    %c0_i32_0 = arith.constant 0 : i32
    return %arg0, %c0_i32 : i32, i32
  }
  func.func @transform_3(%arg0: i32) -> (i32, i32) {
    %c0_i32 = arith.constant 0 : i32
    %c0_i32_0 = arith.constant 0 : i32
    return %c0_i32, %arg0 : i32, i32
  }
  func.func @transform_4(%arg0: i32) -> (i32, i32) {
    %c0_i32 = arith.constant 0 : i32
    %c0_i32_0 = arith.constant 0 : i32
    %c0_i32_1 = arith.constant 0 : i32
    return %c0_i32, %c0_i32_0 : i32, i32
  }
  func.func @transform_5(%arg0: i32) -> (i32, i32) {
    %c0_i32 = arith.constant 0 : i32
    %c0_i32_0 = arith.constant 0 : i32
    return %arg0, %c0_i32 : i32, i32
  }
}

module attributes {stable_mosaic.version = 14 : i64} {
  func.func @body(%arg0: i32, %arg1: memref<256x128xf32, #tpu.memory_space<vmem>>, %arg2: memref<128x128xf32, #tpu.memory_space<vmem>>, %arg3: memref<1x256xf32, #tpu.memory_space<vmem>>, %arg4: memref<256x128xf32, #tpu.memory_space<vmem>>) attributes {dimension_semantics = [#tpu.dimension_semantics<arbitrary>], iteration_bounds = array<i64: 40>, scalar_prefetch = 0 : i64, scratch_operands = 0 : i64, tpu.core_type = #tpu.core_type<tc>, window_params = [{transform_indices = @transform_0, window_bounds = array<i64: 256, 128>}, {pipeline_mode = #tpu.pipeline_mode<synchronous>, transform_indices = @transform_1, window_bounds = array<i64: 128, 128>}, {transform_indices = @transform_2, window_bounds = array<i64: 1, 256>}, {transform_indices = @transform_3, window_bounds = array<i64: 256, 128>}]} {
    %get3A = arith.constant 0 : index
    %get3A_0 = arith.constant 0 : index
    %get3A_1 = vector.load %arg3[%get3A, %get3A_0] : memref<1x256xf32, #tpu.memory_space<vmem>>, vector<1x256xf32>
    %get3A_2 = vector.shape_cast %get3A_1 : vector<1x256xf32> to vector<256xf32>
    %add3A = arith.constant 1.000000e+00 : f32
    %add3A_3 = vector.broadcast %add3A : f32 to vector<256xf32>
    %add3A_4 = arith.addf %get3A_2, %add3A_3 : vector<256xf32>
    %rsqrt3A = math.rsqrt %add3A_4 : vector<256xf32>
    %get3A_5 = arith.constant 0 : index
    %get3A_6 = arith.constant 0 : index
    %get3A_7 = vector.load %arg1[%get3A_5, %get3A_6] : memref<256x128xf32, #tpu.memory_space<vmem>>, vector<256x128xf32>
    %get3A_8 = arith.constant 0 : index
    %get3A_9 = arith.constant 0 : index
    %get3A_10 = vector.load %arg2[%get3A_8, %get3A_9] : memref<128x128xf32, #tpu.memory_space<vmem>>, vector<128x128xf32>
    %dot_general3A = arith.constant dense<0.000000e+00> : vector<256x128xf32>
    %dot_general3A_11 = tpu.matmul %get3A_7, %get3A_10, %dot_general3A {dimension_numbers = #tpu.dot_dimension_numbers<[1], [0], [0], [1], [0, 0, 1, 1], [], []>, transpose_lhs_hint = false} : vector<256x128xf32>, vector<128x128xf32>, vector<256x128xf32> -> vector<256x128xf32>
    %broadcast_in_dim3A = vector.shape_cast %rsqrt3A : vector<256xf32> to vector<256x1xf32>
    %mul3A = vector.broadcast %broadcast_in_dim3A : vector<256x1xf32> to vector<256x128xf32>
    %mul3A_12 = arith.mulf %dot_general3A_11, %mul3A : vector<256x128xf32>
    %swap3A = arith.constant 0 : index
    %swap3A_13 = arith.constant 0 : index
    %swap3A_14 = vector.load %arg4[%swap3A, %swap3A_13] : memref<256x128xf32, #tpu.memory_space<vmem>>, vector<256x128xf32>
    tpu.vector_store %arg4[%swap3A, %swap3A_13], %mul3A_12 {strides = array<i32>} : memref<256x128xf32, #tpu.memory_space<vmem>>, vector<256x128xf32>,
    return
  }
  func.func @transform_0(%arg0: i32) -> (i32, i32) {
    %c0_i32 = arith.constant 0 : i32
    %c0_i32_0 = arith.constant 0 : i32
    return %arg0, %c0_i32 : i32, i32
  }
  func.func @transform_1(%arg0: i32) -> (i32, i32) {
    %c0_i32 = arith.constant 0 : i32
    %c0_i32_0 = arith.constant 0 : i32
    %c0_i32_1 = arith.constant 0 : i32
    return %c0_i32, %c0_i32_0 : i32, i32
  }
  func.func @transform_2(%arg0: i32) -> (i32, i32) {
    %c0_i32 = arith.constant 0 : i32
    %c0_i32_0 = arith.constant 0 : i32
    return %c0_i32, %arg0 : i32, i32
  }
  func.func @transform_3(%arg0: i32) -> (i32, i32) {
    %c0_i32 = arith.constant 0 : i32
    %c0_i32_0 = arith.constant 0 : i32
    return %arg0, %c0_i32 : i32, i32
  }
}

module attributes {stable_mosaic.version = 14 : i64} {
  func.func @body(%arg0: i32, %arg1: memref<256x10240xf32, #tpu.memory_space<vmem>>, %arg2: memref<10240x128xf32, #tpu.memory_space<vmem>>, %arg3: memref<256x128xf32, #tpu.memory_space<vmem>>, %arg4: memref<1x256xf32, #tpu.memory_space<vmem>>, %arg5: memref<1x128xf32, #tpu.memory_space<vmem>>, %arg6: memref<256x128xf32, #tpu.memory_space<vmem>>) attributes {dimension_semantics = [#tpu.dimension_semantics<arbitrary>], iteration_bounds = array<i64: 40>, scalar_prefetch = 0 : i64, scratch_operands = 0 : i64, tpu.core_type = #tpu.core_type<tc>, window_params = [{transform_indices = @transform_0, window_bounds = array<i64: 256, 10240>}, {pipeline_mode = #tpu.pipeline_mode<synchronous>, transform_indices = @transform_1, window_bounds = array<i64: 10240, 128>}, {transform_indices = @transform_2, window_bounds = array<i64: 256, 128>}, {transform_indices = @transform_3, window_bounds = array<i64: 1, 256>}, {pipeline_mode = #tpu.pipeline_mode<synchronous>, transform_indices = @transform_4, window_bounds = array<i64: 1, 128>}, {transform_indices = @transform_5, window_bounds = array<i64: 256, 128>}]} {
    %get3A = arith.constant 0 : index
    %get3A_0 = arith.constant 0 : index
    %get3A_1 = vector.load %arg4[%get3A, %get3A_0] : memref<1x256xf32, #tpu.memory_space<vmem>>, vector<1x256xf32>
    %get3A_2 = vector.shape_cast %get3A_1 : vector<1x256xf32> to vector<256xf32>
    %add3A = arith.constant 1.000000e+00 : f32
    %add3A_3 = vector.broadcast %add3A : f32 to vector<256xf32>
    %add3A_4 = arith.addf %get3A_2, %add3A_3 : vector<256xf32>
    %rsqrt3A = math.rsqrt %add3A_4 : vector<256xf32>
    %get3A_5 = arith.constant 0 : index
    %get3A_6 = arith.constant 0 : index
    %get3A_7 = vector.load %arg1[%get3A_5, %get3A_6] : memref<256x10240xf32, #tpu.memory_space<vmem>>, vector<256x10240xf32>
    %get3A_8 = arith.constant 0 : index
    %get3A_9 = arith.constant 0 : index
    %get3A_10 = vector.load %arg2[%get3A_8, %get3A_9] : memref<10240x128xf32, #tpu.memory_space<vmem>>, vector<10240x128xf32>
    %dot_general3A = arith.constant dense<0.000000e+00> : vector<256x128xf32>
    %dot_general3A_11 = tpu.matmul %get3A_7, %get3A_10, %dot_general3A {dimension_numbers = #tpu.dot_dimension_numbers<[1], [0], [0], [1], [0, 0, 1, 1], [], []>, transpose_lhs_hint = false} : vector<256x10240xf32>, vector<10240x128xf32>, vector<256x128xf32> -> vector<256x128xf32>
    %get3A_12 = arith.constant 0 : index
    %get3A_13 = arith.constant 0 : index
    %get3A_14 = vector.load %arg3[%get3A_12, %get3A_13] : memref<256x128xf32, #tpu.memory_space<vmem>>, vector<256x128xf32>
    %mul3A = arith.constant 1.000000e+00 : f32
    %mul3A_15 = vector.broadcast %mul3A : f32 to vector<256x128xf32>
    %mul3A_16 = arith.mulf %mul3A_15, %get3A_14 : vector<256x128xf32>
    %add3A_17 = arith.addf %dot_general3A_11, %mul3A_16 : vector<256x128xf32>
    %broadcast_in_dim3A = vector.shape_cast %rsqrt3A : vector<256xf32> to vector<256x1xf32>
    %mul3A_18 = vector.broadcast %broadcast_in_dim3A : vector<256x1xf32> to vector<256x128xf32>
    %mul3A_19 = arith.mulf %add3A_17, %mul3A_18 : vector<256x128xf32>
    %get3A_20 = arith.constant 0 : index
    %get3A_21 = arith.constant 0 : index
    %get3A_22 = vector.load %arg5[%get3A_20, %get3A_21] : memref<1x128xf32, #tpu.memory_space<vmem>>, vector<1x128xf32>
    %add3A_23 = vector.broadcast %get3A_22 : vector<1x128xf32> to vector<256x128xf32>
    %add3A_24 = arith.addf %mul3A_19, %add3A_23 : vector<256x128xf32>
    %swap3A = arith.constant 0 : index
    %swap3A_25 = arith.constant 0 : index
    %swap3A_26 = vector.load %arg6[%swap3A, %swap3A_25] : memref<256x128xf32, #tpu.memory_space<vmem>>, vector<256x128xf32>
    tpu.vector_store %arg6[%swap3A, %swap3A_25], %add3A_24 {strides = array<i32>} : memref<256x128xf32, #tpu.memory_space<vmem>>, vector<256x128xf32>,
    return
  }
  func.func @transform_0(%arg0: i32) -> (i32, i32) {
    %c0_i32 = arith.constant 0 : i32
    %c0_i32_0 = arith.constant 0 : i32
    return %arg0, %c0_i32 : i32, i32
  }
  func.func @transform_1(%arg0: i32) -> (i32, i32) {
    %c0_i32 = arith.constant 0 : i32
    %c0_i32_0 = arith.constant 0 : i32
    %c0_i32_1 = arith.constant 0 : i32
    return %c0_i32, %c0_i32_0 : i32, i32
  }
  func.func @transform_2(%arg0: i32) -> (i32, i32) {
    %c0_i32 = arith.constant 0 : i32
    %c0_i32_0 = arith.constant 0 : i32
    return %arg0, %c0_i32 : i32, i32
  }
  func.func @transform_3(%arg0: i32) -> (i32, i32) {
    %c0_i32 = arith.constant 0 : i32
    %c0_i32_0 = arith.constant 0 : i32
    return %c0_i32, %arg0 : i32, i32
  }
  func.func @transform_4(%arg0: i32) -> (i32, i32) {
    %c0_i32 = arith.constant 0 : i32
    %c0_i32_0 = arith.constant 0 : i32
    %c0_i32_1 = arith.constant 0 : i32
    return %c0_i32, %c0_i32_0 : i32, i32
  }
  func.func @transform_5(%arg0: i32) -> (i32, i32) {
    %c0_i32 = arith.constant 0 : i32
    %c0_i32_0 = arith.constant 0 : i32
    return %arg0, %c0_i32 : i32, i32
  }
}

</mosaic_0001>

<sc_bundles>
// kernel: gather_offload_async_start.1
scs
__scs_entry_jumppad:
0x0: {  	(pc) =	sbr.rel $0x88, $3  }
0x1: {  	(tag) =	ssettag $0x0;
	lr =	simm.s32 $0x1  }
0x2: {  	[smem:$0x3F6E] =	sst lr;
	_ =	strace $0xD0000000  }
0x3: {  	_ = 	snop  }
0x4: {  	_ = 	snop  }
0x5: {  	_ = 	snop  }
0x6: {  	_ = 	snop  }
0x7: {  	_ = 	snop  }
__scs_overlays_trampoline_lowered:
0x8: {  	[smem:$0x3F7D] =	sst s0  }
0x9: {  	[smem:$0x3F7E] =	sst s1  }
0xa: {  	[smem:$0x3F7F] =	sst s2  }
0xb: {  	[smem:$0x3F80] =	sst s3  }
0xc: {  	[smem:$0x3F81] =	sst s4  }
0xd: {  	[smem:$0x3F82] =	sst s5  }
0xe: {  	[smem:$0x3F83] =	sst s6  }
0xf: {  	[smem:$0x3F84] =	sst s7  }
0x10: {  	[smem:$0x3F85] =	sst s8  }
0x11: {  	[smem:$0x3F86] =	sst s9;
	s0 =	simm.s32 @!p0 $0x0  }
0x12: {  	s1 =	sld [smem:$0x3F6C];
	s0 =	simm.s32 @p0 $0x1  }
0x13: {  	[smem:$0x3F87] =	sst s0;
	s0 =	simm.s32 @!p1 $0x0  }
0x14: {  	s2 =	sld [smem:$0x3F6B];
	s0 =	simm.s32 @p1 $0x1  }
0x15: {  	[smem:$0x3F88] =	sst s0;
	s0 =	simm.s32 @!p2 $0x0  }
0x16: {  	s3 =	sld [smem:$0x3FDB];
	s0 =	simm.s32 @p2 $0x1  }
0x17: {  	s4 =	simm.s32 $0x1BF5;
	[smem:$0x3F8A] =	sst s0  }
0x18: {  	s0 =	sld [smem:$0x3F6D];
	_ =	swait.ge [sflag:s4], $0x0  }
0x19: {  	s7 =	sld [smem:$0x3F6E]  }
0x1a: {  	s8 =	sadd.s32 $0xFFFFE003, lr  }
0x1b: {  	s9 =	sadd.s32 $0xFFFFFEF7, lr;
	s5 =	simm.s32 $0xFFFFFFFF;
	p2 =	slt.u32 s8, $0xFFFFF086  }
0x1c: {  	p1 =	slt.u32 s9, $0xF7A;
	s5 =	simm.s32 @!p2 $0x0  }
0x1d: {  	s5 =	simm.s32 @p1 $0x1;
	p0 =	seq.s32 s7, s2  }
0x1e: {  	s7 =	smul.u32 @!p0 $0xF7A, s2;
	p2 =	seq.s32 @!p0 s5, $0x0  }
0x1f: {  	s9 =	smul.u32 $0xF7A, s1;
	s8 =	simm.s32 @!p0 $0x1BF5;
	p2 =	por !p2, p0  }
0x20: {  	[sflag:s8] =	ssyncset.s32 @!p0 $0xFFFFF086;
	s6 =	sadd.s32 @!p0 s3, s7;
	s7 =	simm.s32 @!p0 $0x108  }
0x21: {  	s3 =	sadd.s32 s3, s9;
	s6 =	sadd.s32 @!p0 $0x88, s6;
	s7 =	simm.s32 @p2 $0x1082  }
0x22: {  	[simem:s7], [sflag:s8] =	dma.local @!p0 [hbm:s6], $0xF7A  }
0x23: {  	s9 =	sor.u32 $0xD0000000, s2;
	s6 =	simm.s32 $0x108;
	_ =	swait.ge @!p0 [sflag:s8], $0x0  }
0x24: {  	s3 =	sadd.s32 $0x88, s3;
	s6 =	simm.s32 @!p1 $0x1082;
	[sflag:s4] =	ssyncset.s32 $0xFFFFF086  }
0x25: {  	[simem:s6], [sflag:s4] =	dma.local [hbm:s3], $0xF7A  }
0x26: {  	[smem:$0x3F6E] =	sst s1;
	(tag) =	ssettag s2;
	_ =	strace s9  }
0x27: {  	s1 =	sld [smem:$0x3F7E]  }
0x28: {  	s2 =	sld [smem:$0x3F7F]  }
0x29: {  	s4 =	sld [smem:$0x3F81]  }
0x2a: {  	p0 =	seq.s32 s5, $0x0;
	s5 =	sld [smem:$0x3F82]  }
0x2b: {  	s6 =	sld [smem:$0x3F83]  }
0x2c: {  	s7 =	sld [smem:$0x3F84]  }
0x2d: {  	s3 =	simm.s32 $0x108;
	s8 =	sld [smem:$0x3F85]  }
0x2e: {  	s3 =	simm.s32 @!p0 $0x1082;
	s9 =	sld [smem:$0x3F86]  }
0x2f: {  	lr =	sadd.s32 s0, s3;
	s0 =	sld [smem:$0x3F7D]  }
0x30: {  	s3 =	sld [smem:$0x3F80]  }
0x31: {  	[smem:$0x3F89] =	sst s10  }
0x32: {  	s10 =	sld [smem:$0x3F87];
	_ =	sdelay $0x3  }
0x33: {  	p0 =	seq.s32 s10, $0x1;
	s10 =	sld [smem:$0x3F89];
	_ =	sdelay $0x3  }
0x34: {  	[smem:$0x3F89] =	sst s10  }
0x35: {  	s10 =	sld [smem:$0x3F88];
	_ =	sdelay $0x3  }
0x36: {  	p1 =	seq.s32 s10, $0x1;
	s10 =	sld [smem:$0x3F89];
	_ =	sdelay $0x3  }
0x37: {  	[smem:$0x3F89] =	sst s10  }
0x38: {  	s10 =	sld [smem:$0x3F8A]  }
0x39: {  	_ = 	snop;
	(pc) =	sbr.ind lr, $3  }
0x3a: {  	_ = 	snop  }
0x3b: {  	_ = 	snop  }
0x3c: {  	p2 =	seq.s32 s10, $0x1;
	s10 =	sld [smem:$0x3F89]  }
0x3d: {  	_ =	shalt  }
0x3e: {  	_ =	shalt  }
0x3f: {  	_ =	shalt  }
0x40: {  	_ =	shalt  }
0x41: {  	_ =	shalt  }
0x42: {  	_ =	shalt  }
0x43: {  	_ =	shalt  }
0x44: {  	_ =	shalt  }
0x45: {  	_ =	shalt  }
0x46: {  	_ =	shalt  }
0x47: {  	_ =	shalt  }
0x48: {  	_ =	shalt  }
0x49: {  	_ =	shalt  }
0x4a: {  	_ =	shalt  }
0x4b: {  	_ =	shalt  }
0x4c: {  	_ =	shalt  }
0x4d: {  	_ =	shalt  }
0x4e: {  	_ =	shalt  }
0x4f: {  	_ =	shalt  }
0x50: {  	_ =	shalt  }
0x51: {  	_ =	shalt  }
0x52: {  	_ =	shalt  }
0x53: {  	_ =	shalt  }
0x54: {  	_ =	shalt  }
0x55: {  	_ =	shalt  }
0x56: {  	_ =	shalt  }
0x57: {  	_ =	shalt  }
0x58: {  	_ =	shalt  }
0x59: {  	_ =	shalt  }
0x5a: {  	_ =	shalt  }
0x5b: {  	_ =	shalt  }
0x5c: {  	_ =	shalt  }
0x5d: {  	_ =	shalt  }
0x5e: {  	_ =	shalt  }
0x5f: {  	_ =	shalt  }
0x60: {  	_ =	shalt  }
0x61: {  	_ =	shalt  }
0x62: {  	_ =	shalt  }
0x63: {  	_ =	shalt  }
0x64: {  	_ =	shalt  }
0x65: {  	_ =	shalt  }
0x66: {  	_ =	shalt  }
0x67: {  	_ =	shalt  }
0x68: {  	_ =	shalt  }
0x69: {  	_ =	shalt  }
0x6a: {  	_ =	shalt  }
0x6b: {  	_ =	shalt  }
0x6c: {  	_ =	shalt  }
0x6d: {  	_ =	shalt  }
0x6e: {  	_ =	shalt  }
0x6f: {  	_ =	shalt  }
0x70: {  	_ =	shalt  }
0x71: {  	_ =	shalt  }
0x72: {  	_ =	shalt  }
0x73: {  	_ =	shalt  }
0x74: {  	_ =	shalt  }
0x75: {  	_ =	shalt  }
0x76: {  	_ =	shalt  }
0x77: {  	_ =	shalt  }
0x78: {  	_ =	shalt  }
0x79: {  	_ =	shalt  }
0x7a: {  	_ =	shalt  }
0x7b: {  	_ =	shalt  }
0x7c: {  	_ =	shalt  }
0x7d: {  	_ =	shalt  }
0x7e: {  	_ =	shalt  }
0x7f: {  	_ =	shalt  }
0x80: {  	_ =	shalt  }
0x81: {  	_ =	shalt  }
0x82: {  	_ =	shalt  }
0x83: {  	_ =	shalt  }
0x84: {  	_ =	shalt  }
0x85: {  	_ =	shalt  }
0x86: {  	_ =	shalt  }
0x87: {  	_ =	shalt  }
.Lfunc_end0:
.L_simem_size_0:
called_computation.5_lowered:
.L_overlay_start_0:
0x88: {  	s2 =	sld [smem:$0x3FD9]  }
0x89: {  	s3 =	sld [smem:$0x3FFE];
	_ =	sdelay $0x1  }
0x8a: {  	s1 =	srdreg.scid  }
0x8b: {  	s0 =	sand.u32 $0x1, s1  }
0x8c: {  	s16 =	sshll.u32 s0, $0xA;
	s2 =	sadd.s32 s3, s2  }
0x8d: {  	s2 =	sadd.s32 s2, s16  }
0x8e: {  	[smem:$0x3F95] =	sst s2  }
0x8f: {  	_ = 	snop  }
0x90: {  	(tm) =	ssettm $0x1  }
0x91: {  	s17 =	sld [smem:$0x3FFB];
	_ =	sdelay $0x3  }
0x92: {  	_ =	strace s17  }
0x93: {  	s2 =	sld [smem:$0x3FFC];
	_ =	sdelay $0x3  }
0x94: {  	_ =	strace s2  }
0x95: {  	s2 =	sld [smem:$0x3FFD];
	_ =	sdelay $0x3  }
0x96: {  	_ =	strace s2  }
0x97: {  	_ =	strace $0x8FFFFFFF  }
0x98: {  	s18 =	sld [smem:$0x3FDB];
	_ =	sdelay $0x1  }
0x99: {  	s19 =	simm.s32 $_scs_section_size  }
0x9a: {  	s4 =	simm.s32 $_size__tile_overlayer_lowered;
	s5 =	simm.s32 $_tile_overlayer_lowered  }
0x9b: {  	s22 =	simm.s32 $0x1BFF;
	s21 =	sshll.u32 s5, $0x1;
	s2 =	sadd.s32 s19, s18  }
0x9c: {  	s6 =	simm.s32 $0x0;
	s20 =	sshll.u32 s4, $0x1;
	s4 =	sadd.s32 s21, s2  }
0x9d: {  	[timem:s6], [sflag:s22] =	dma.local [hbm:s4], s20  }
0x9e: {  	_ =	swait.ge [sflag:s22], s20  }
0x9f: {  	s3 =	ssub.s32 $0x0, s20;
	[sflag:s22] =	ssyncset.done $0x0  }
0xa0: {  	[sflag:s22] =	ssyncadd.s32 s3;
	_ =	sdelay $0x1  }
0xa1: {  	s23 =	simm.s32 $0x1B8B  }
0xa2: {  	_ =	swait.ge [sflag:s23], $0x1  }
0xa3: {  	[sflag:s23] =	ssyncset.done $0x0  }
0xa4: {  	s25 =	simm.s32 $0x1B8E;
	s24 =	sld [smem:$0x3FFE];
	[sflag:s23] =	ssyncadd.s32 $0xFFFFFFFF  }
0xa5: {  	s26 =	simm.s32 $execute0_lowered;
	[smem:$0x3FD2] =	sst s25  }
0xa6: {  	s4 =	sshll.u32 s26, $0x1;
	_ =	strace $0x80000049;
	[dreg:$0x1] =	wrdreg $0xFFFFFFFF  }
0xa7: {  	s28 =	simm.s32 $_size_execute0_lowered;
	s2 =	sadd.s32 s2, s4;
	[dreg:$0x0] =	wrdreg $0x0  }
0xa8: {  	s4 =	sshll.u32 s28, $0x1;
	[dreg:$0x2] =	wrdreg s2  }
0xa9: {  	[dreg:$0x3] =	wrdreg s4  }
0xaa: {  	[dreg:$0x4] =	wrdreg $0xC0  }
0xab: {  	_ =	task [dreg:s6], $0x5FFFF  }
0xac: {  	[dreg:$0x1] =	wrdreg $0xFFFFFFFF  }
0xad: {  	[dreg:$0x0] =	wrdreg $0x60  }
0xae: {  	[dreg:$0x2] =	wrdreg s24  }
0xaf: {  	[dreg:$0x3] =	wrdreg $0x9  }
0xb0: {  	_ =	task.clear_ibuf [dreg:s6], $0x4FFFF;
	_ =	strace $0x90000049  }
0xb1: {  	s29 =	simm.s32 $0x9;
	_ =	strace $0x8000004B  }
0xb2: {  	_ =	swait.ge [sflag:s29], $0x1  }
0xb3: {  	[sflag:s29] =	ssyncadd.s32 $0xFFFFFFFF  }
0xb4: {  	_ =	strace $0x9000004B  }
0xb5: {  	_ =	sfence  }
0xb6: {  	s30 =	sld [smem:$0x0];
	_ =	sdelay $0x2  }
0xb7: {  	s31 =	sshll.u32 s1, $0xD;
	s1 =	sshrl.u32 s1, $0x2  }
0xb8: {  	s3 =	sand.u32 $0x4000, s31;
	s1 =	sadd.s32 s1, s30  }
0xb9: {  	s0 =	sor.u32 s3, s0;
	s1 =	sshll.u32 s1, $0x11  }
0xba: {  	s0 =	sor.u32 s1, s0  }
0xbb: {  	s0 =	sadd.s32 $0x8F2B, s0  }
0xbc: {  	[sflag:s0] =	ssyncadd.remote.s32 $0x1  }
0xbd: {  	_ =	sfence.sel $0xFFFF  }
0xbe: {  	[dreg:$0x0] =	wrdreg $0xFFFFFFFF;
	(pc) =	sbr.abs _section_cstart, $3  }
0xbf: {  	[dreg:$0x1] =	wrdreg $0xFFFFFFFF  }
0xc0: {  	_ =	task.clear_ibuf [dreg:s6], $0x2FFFF;
	_ =	strace $0x9FFFFFFF  }
0xc1: {  	(tm) =	ssettm $0x7FFFFFFF  }
tec
execute0_lowered:
.L_overlay_start_1:
0x0: {  	(tag) =	ssettag $0x1  }
0x1: {  	s7 =	rddreg [dreg:$0x0]  }
0x2: {  	s1 =	srdreg.scid;
	s0 =	rddreg [dreg:$0x1]  }
0x3: {  	_ =	strace $0x8000004A;
	s3 =	simm.s32 $0x1;
	s5 =	simm.s32 $0x2  }
0x4: {  	s9 =	simm.s32 $0x3;
	s11 =	simm.s32 $0x0;
	s2 =	sshll.u32 s1, $0x4  }
.Ltmp0:
0x5: {  	s1 =	stileid.u32;
	s4 =	sand.u32 $0x10, s2;
	(pc) =	sbr.rel .LBB2_1-.Ltmp0, $4  }
0x6: {  	p0 =	por $0x0, $0x0;
	[sflag:s3] =	ssyncpa.u1 $0x0;
	s4 =	sor.u32 s1, s4  }
0x7: {  	s6 =	sadd.s32 $0x2D800, s7;
	[sflag:s5] =	ssyncpa.u1 $0x0;
	s4 =	smul.u32 $0xA0, s4  }
0x8: {  	s2 =	sadd.s32 $0xCC0200, s7;
	s7 =	sadd.s32 $0x2DC00, s7;
	[sflag:s9] =	ssyncpa.u1 $0x0  }
0x9: {  	vm0 =	vmmov $0xf;
	s9 =	simm.s32 $0x0;
	s8 =	sadd.s32 $0xA0, s4;
	s10 =	smov.u32 s4  }
.LBB2_6:
0xa: {  	[hbm:s15] =	stream.linear.scatter [tilespmem:s12], [sflag:$0x3], $0x200, $0x38;
	[tilespmem:$0x14008] =	vst v63  }
.LBB2_7:
0xb: {  	p1 =	slt.u32 s9, $0x2;
	s11 =	sadd.s32 $0x4, s10  }
0xc: {  	s13 =	smov.u32 s4;
	s9 =	sadd.s32 $0x1, s9;
	p2 =	slt.s32 s11, s8  }
0xd: {  	s13 =	smov.u32 @p2 s11;
	p2 =	sne.s32 s9, $0x2A  }
.Ltmp1:
0xe: {  	_ = 	snop;
	(pc) =	sbr.rel @!p2 .LBB2_8-.Ltmp1, $4  }
0xf: {  	s12 =	simm.s32 @!p1 $0x3  }
0x10: {  	_ =	swait.ge @!p1 [sflag:s12], $0xA000  }
0x11: {  	p0 =	por !p0, !p0;
	[sflag:s12] =	ssyncset.done @!p1 $0x0  }
0x12: {  	s11 =	smov.u32 s10;
	s10 =	smov.u32 s13;
	[sflag:s12] =	ssyncadd.s32 @!p1 $0xFFFF6000  }
.LBB2_1:
0x13: {  	p1 =	sgt.u32 s9, $0x27  }
0x14: {  	s12 =	sxor.u32 @!p1 $0xFFFFFFFF, s9  }
0x15: {  	s31 =	sadd.s32 $0xFFFFFFFF, s9;
	s13 =	sshrl.u32 @!p1 s10, $0x3;
	s12 =	sshll.u32 @!p1 s12, $0x2  }
0x16: {  	s14 =	sand.u32 @!p1 $0x7, s10;
	s13 =	sadd.s32 @!p1 s6, s13;
	s12 =	sand.u32 @!p1 $0x4, s12  }
0x17: {  	[tilespmem:s12], [sflag:$0x2] =	stream.linear.gather @!p1 [hbm4b:s13+s14], $0x4, $0x38;
	[tilespmem:$0x14008] =	vst v63  }
0x18: {  	p1 =	sgt.u32 s31, $0x27  }
.Ltmp2:
0x19: {  	_ = 	snop;
	(pc) =	sbr.rel @p1 .LBB2_7-.Ltmp2, $1  }
0x1a: {  	_ =	sdelay $0x3  }
0x1b: {  	_ =	swait.ge [sflag:s5], $0x4  }
0x1c: {  	s12 =	sand.u32 $0x1, s9;
	[sflag:s5] =	ssyncset.done $0x0  }
0x1d: {  	s12 =	sshll.u32 s12, $0x2;
	[sflag:s5] =	ssyncadd.s32 $0xFFFFFFFC  }
0x1e: {  	v0 =	vld.msk [tilespmem:s12+$0x0 ss:$0x1], $0xf;
	_ =	sdelay $0x4  }
0x1f: {  	vm1 =	vgt.s32 v0, $0x0  }
0x20: {  	v0 =	vnsel vm1, $0x0, v0  }
0x21: {  	v0 =	vmin.u32 v0, $0x27FF  }
0x22: {  	v1 =	vshrl.u32 v0, $0x3  }
0x23: {  	v0 =	vshll.u32 v0, $0x7;
	v1 =	vmul.u32 $0x14000, v1  }
0x24: {  	s12 =	simm.s32 $0x1;
	v0 =	vand.u32 $0x380, v0  }
0x25: {  	s12 =	simm.s32 @!p0 $0x0;
	v0 =	vor.u32 v0, v1  }
0x26: {  	s12 =	smul.u32 $0x28000, s12;
	v0 =	vshrl.u32 v0, $0x3;
	_ =	sdelay $0x1  }
0x27: {  	s12 =	sshrl.u32 s12, $0x2  }
0x28: {  	s12 =	sor.u32 $0x8, s12  }
0x29: {  	s13 =	simm.s32 $0x800;
	s14 =	sadd.s32 $0x0, s12  }
.LBB2_3:
0x2a: {  	[tilespmem:s14], [sflag:$0x1] =	stream.indirect_vreg.gather [hbm:s2], $0x80, v0, vm0, $0x38;
	[tilespmem:$0x14008] =	vst v63  }
0x2b: {  	v0 =	vadd.s32 $0x80, v0;
	s14 =	smov.u32 s13;
	p1 =	sne.s32 s13, $0x27800  }
.Ltmp3:
0x2c: {  	s13 =	sadd.s32 $0x800, s13;
	(pc) =	sbr.rel @p1 .LBB2_3-.Ltmp3, $3  }
0x2d: {  	_ =	sdelay $0x1  }
0x2e: {  	s14 =	sshra.s32 s14, $0x2  }
0x2f: {  	s14 =	sadd.s32 s14, s12  }
0x30: {  	_ =	sdelay $0x3  }
0x31: {  	[tilespmem:s14], [sflag:$0x1] =	stream.indirect_vreg.gather [hbm:s2], $0x80, v0, vm0, $0x38;
	[tilespmem:$0x14008] =	vst v63  }
0x32: {  	s13 =	sshrl.u32 s11, $0x3  }
0x33: {  	s13 =	smul.u32 $0x2800, s13  }
0x34: {  	s31 =	sshll.u32 s11, $0x4  }
0x35: {  	_ =	swait.ge [sflag:s3], $0xA000;
	s11 =	sand.u32 $0x70, s31;
	s13 =	sadd.s32 s13, s7  }
0x36: {  	s14 =	sadd.s32 $0x200, s12;
	[sflag:s3] =	ssyncset.done $0x0;
	s11 =	sadd.s32 s11, s13  }
0x37: {  	[sflag:s3] =	ssyncadd.s32 $0xFFFF6000;
	s13 =	simm.s32 $0x80;
	s15 =	sadd.s32 $0x0, s11  }
.LBB2_5:
0x38: {  	[hbm:s15] =	stream.linear.scatter [tilespmem:s12], [sflag:$0x3], $0x200, $0x38;
	[tilespmem:$0x14008] =	vst v63  }
0x39: {  	s15 =	smov.u32 s13;
	s12 =	smov.u32 s14;
	p1 =	sne.s32 s13, $0x2780  }
.Ltmp4:
0x3a: {  	s13 =	sadd.s32 $0x80, s13;
	(pc) =	sbr.rel @p1 .LBB2_5-.Ltmp4, $2  }
0x3b: {  	_ =	sdelay $0x2  }
0x3c: {  	s14 =	sadd.s32 $0x200, s14;
	s15 =	sadd.s32 s15, s11  }
.Ltmp5:
0x3d: {  	_ = 	snop;
	(pc) =	sbr.rel .LBB2_6-.Ltmp5, $1  }
0x3e: {  	_ =	sdelay $0x3  }
.LBB2_8:
0x3f: {  	_ =	sfence.sel $0x180000  }
0x40: {  	s2 =	simm.s32 $0x2;
	[bflag:$0x0] =	sbarrier.arrive $0xFFFF  }
0x41: {  	s30 =	simm.s32 $0x3;
	[sflag:s2] =	ssyncpa.u1 $0x1  }
0x42: {  	s31 =	simm.s32 $0x1;
	[sflag:s30] =	ssyncpa.u1 $0x1  }
0x43: {  	[sflag:s31] =	ssyncpa.u1 $0x1  }
0x44: {  	p0 =	sne.s32 s1, $0x0;
	_ =	strace $0x9000004A  }
0x45: {  	s0 =	sadd.s32 @!p0 $0x100000, s0;
	[bflag:$0x2] =	sbarrier.arrive $0xFFFF  }
0x46: {  	[sflag:s0] =	ssyncadd.tile.s32 @!p0 $0x1;
	_ =	shalt  }
.Lfunc_end2:
_tile_overlayer_lowered:
.L_overlay_start_2:
0x47: {  	(tag) =	ssettag $0x2  }
0x48: {  	s0 =	rddreg [dreg:$0x0];
	s2 =	stileid.u32  }
0x49: {  	s1 =	rddreg [dreg:$0x1];
	p0 =	sne.s32 s2, $0x0  }
0x4a: {  	s3 =	rddreg [dreg:$0x2];
	[bflag:$0x3] =	sbarrier.arrive $0xFFFF;
	s2 =	simm.s32 @!p0 $0x1C01  }
0x4b: {  	[timem:s3], [sflag:s2] =	dma.local @!p0 [hbm:s0], s1  }
0x4c: {  	s0 =	simm.s32 @!p0 $0x1  }
0x4d: {  	_ =	swait.ge @!p0 [sflag:s0], s1  }
0x4e: {  	s1 =	ssub.s32 @!p0 $0x0, s1;
	[sflag:s0] =	ssyncset.done @!p0 $0x0  }
0x4f: {  	[sflag:s0] =	ssyncadd.s32 @!p0 s1  }
0x50: {  	[bflag:$0x3] =	sbarrier.arrive $0xFFFF  }
0x51: {  	_ =	shalt  }

// kernel: gather_offload_async_start.2
scs
__scs_entry_jumppad:
0x0: {  	(pc) =	sbr.rel $0x88, $3  }
0x1: {  	(tag) =	ssettag $0x0;
	lr =	simm.s32 $0x1  }
0x2: {  	[smem:$0x3F6E] =	sst lr;
	_ =	strace $0xD0000000  }
0x3: {  	_ = 	snop  }
0x4: {  	_ = 	snop  }
0x5: {  	_ = 	snop  }
0x6: {  	_ = 	snop  }
0x7: {  	_ = 	snop  }
__scs_overlays_trampoline_lowered:
0x8: {  	[smem:$0x3F7D] =	sst s0  }
0x9: {  	[smem:$0x3F7E] =	sst s1  }
0xa: {  	[smem:$0x3F7F] =	sst s2  }
0xb: {  	[smem:$0x3F80] =	sst s3  }
0xc: {  	[smem:$0x3F81] =	sst s4  }
0xd: {  	[smem:$0x3F82] =	sst s5  }
0xe: {  	[smem:$0x3F83] =	sst s6  }
0xf: {  	[smem:$0x3F84] =	sst s7  }
0x10: {  	[smem:$0x3F85] =	sst s8  }
0x11: {  	[smem:$0x3F86] =	sst s9;
	s0 =	simm.s32 @!p0 $0x0  }
0x12: {  	s1 =	sld [smem:$0x3F6C];
	s0 =	simm.s32 @p0 $0x1  }
0x13: {  	[smem:$0x3F87] =	sst s0;
	s0 =	simm.s32 @!p1 $0x0  }
0x14: {  	s2 =	sld [smem:$0x3F6B];
	s0 =	simm.s32 @p1 $0x1  }
0x15: {  	[smem:$0x3F88] =	sst s0;
	s0 =	simm.s32 @!p2 $0x0  }
0x16: {  	s3 =	sld [smem:$0x3FDB];
	s0 =	simm.s32 @p2 $0x1  }
0x17: {  	s4 =	simm.s32 $0x1BF5;
	[smem:$0x3F8A] =	sst s0  }
0x18: {  	s0 =	sld [smem:$0x3F6D];
	_ =	swait.ge [sflag:s4], $0x0  }
0x19: {  	s7 =	sld [smem:$0x3F6E]  }
0x1a: {  	s8 =	sadd.s32 $0xFFFFE003, lr  }
0x1b: {  	s9 =	sadd.s32 $0xFFFFFEF7, lr;
	s5 =	simm.s32 $0xFFFFFFFF;
	p2 =	slt.u32 s8, $0xFFFFF086  }
0x1c: {  	p1 =	slt.u32 s9, $0xF7A;
	s5 =	simm.s32 @!p2 $0x0  }
0x1d: {  	s5 =	simm.s32 @p1 $0x1;
	p0 =	seq.s32 s7, s2  }
0x1e: {  	s7 =	smul.u32 @!p0 $0xF7A, s2;
	p2 =	seq.s32 @!p0 s5, $0x0  }
0x1f: {  	s9 =	smul.u32 $0xF7A, s1;
	s8 =	simm.s32 @!p0 $0x1BF5;
	p2 =	por !p2, p0  }
0x20: {  	[sflag:s8] =	ssyncset.s32 @!p0 $0xFFFFF086;
	s6 =	sadd.s32 @!p0 s3, s7;
	s7 =	simm.s32 @!p0 $0x108  }
0x21: {  	s3 =	sadd.s32 s3, s9;
	s6 =	sadd.s32 @!p0 $0x88, s6;
	s7 =	simm.s32 @p2 $0x1082  }
0x22: {  	[simem:s7], [sflag:s8] =	dma.local @!p0 [hbm:s6], $0xF7A  }
0x23: {  	s9 =	sor.u32 $0xD0000000, s2;
	s6 =	simm.s32 $0x108;
	_ =	swait.ge @!p0 [sflag:s8], $0x0  }
0x24: {  	s3 =	sadd.s32 $0x88, s3;
	s6 =	simm.s32 @!p1 $0x1082;
	[sflag:s4] =	ssyncset.s32 $0xFFFFF086  }
0x25: {  	[simem:s6], [sflag:s4] =	dma.local [hbm:s3], $0xF7A  }
0x26: {  	[smem:$0x3F6E] =	sst s1;
	(tag) =	ssettag s2;
	_ =	strace s9  }
0x27: {  	s1 =	sld [smem:$0x3F7E]  }
0x28: {  	s2 =	sld [smem:$0x3F7F]  }
0x29: {  	s4 =	sld [smem:$0x3F81]  }
0x2a: {  	p0 =	seq.s32 s5, $0x0;
	s5 =	sld [smem:$0x3F82]  }
0x2b: {  	s6 =	sld [smem:$0x3F83]  }
0x2c: {  	s7 =	sld [smem:$0x3F84]  }
0x2d: {  	s3 =	simm.s32 $0x108;
	s8 =	sld [smem:$0x3F85]  }
0x2e: {  	s3 =	simm.s32 @!p0 $0x1082;
	s9 =	sld [smem:$0x3F86]  }
0x2f: {  	lr =	sadd.s32 s0, s3;
	s0 =	sld [smem:$0x3F7D]  }
0x30: {  	s3 =	sld [smem:$0x3F80]  }
0x31: {  	[smem:$0x3F89] =	sst s10  }
0x32: {  	s10 =	sld [smem:$0x3F87];
	_ =	sdelay $0x3  }
0x33: {  	p0 =	seq.s32 s10, $0x1;
	s10 =	sld [smem:$0x3F89];
	_ =	sdelay $0x3  }
0x34: {  	[smem:$0x3F89] =	sst s10  }
0x35: {  	s10 =	sld [smem:$0x3F88];
	_ =	sdelay $0x3  }
0x36: {  	p1 =	seq.s32 s10, $0x1;
	s10 =	sld [smem:$0x3F89];
	_ =	sdelay $0x3  }
0x37: {  	[smem:$0x3F89] =	sst s10  }
0x38: {  	s10 =	sld [smem:$0x3F8A]  }
0x39: {  	_ = 	snop;
	(pc) =	sbr.ind lr, $3  }
0x3a: {  	_ = 	snop  }
0x3b: {  	_ = 	snop  }
0x3c: {  	p2 =	seq.s32 s10, $0x1;
	s10 =	sld [smem:$0x3F89]  }
0x3d: {  	_ =	shalt  }
0x3e: {  	_ =	shalt  }
0x3f: {  	_ =	shalt  }
0x40: {  	_ =	shalt  }
0x41: {  	_ =	shalt  }
0x42: {  	_ =	shalt  }
0x43: {  	_ =	shalt  }
0x44: {  	_ =	shalt  }
0x45: {  	_ =	shalt  }
0x46: {  	_ =	shalt  }
0x47: {  	_ =	shalt  }
0x48: {  	_ =	shalt  }
0x49: {  	_ =	shalt  }
0x4a: {  	_ =	shalt  }
0x4b: {  	_ =	shalt  }
0x4c: {  	_ =	shalt  }
0x4d: {  	_ =	shalt  }
0x4e: {  	_ =	shalt  }
0x4f: {  	_ =	shalt  }
0x50: {  	_ =	shalt  }
0x51: {  	_ =	shalt  }
0x52: {  	_ =	shalt  }
0x53: {  	_ =	shalt  }
0x54: {  	_ =	shalt  }
0x55: {  	_ =	shalt  }
0x56: {  	_ =	shalt  }
0x57: {  	_ =	shalt  }
0x58: {  	_ =	shalt  }
0x59: {  	_ =	shalt  }
0x5a: {  	_ =	shalt  }
0x5b: {  	_ =	shalt  }
0x5c: {  	_ =	shalt  }
0x5d: {  	_ =	shalt  }
0x5e: {  	_ =	shalt  }
0x5f: {  	_ =	shalt  }
0x60: {  	_ =	shalt  }
0x61: {  	_ =	shalt  }
0x62: {  	_ =	shalt  }
0x63: {  	_ =	shalt  }
0x64: {  	_ =	shalt  }
0x65: {  	_ =	shalt  }
0x66: {  	_ =	shalt  }
0x67: {  	_ =	shalt  }
0x68: {  	_ =	shalt  }
0x69: {  	_ =	shalt  }
0x6a: {  	_ =	shalt  }
0x6b: {  	_ =	shalt  }
0x6c: {  	_ =	shalt  }
0x6d: {  	_ =	shalt  }
0x6e: {  	_ =	shalt  }
0x6f: {  	_ =	shalt  }
0x70: {  	_ =	shalt  }
0x71: {  	_ =	shalt  }
0x72: {  	_ =	shalt  }
0x73: {  	_ =	shalt  }
0x74: {  	_ =	shalt  }
0x75: {  	_ =	shalt  }
0x76: {  	_ =	shalt  }
0x77: {  	_ =	shalt  }
0x78: {  	_ =	shalt  }
0x79: {  	_ =	shalt  }
0x7a: {  	_ =	shalt  }
0x7b: {  	_ =	shalt  }
0x7c: {  	_ =	shalt  }
0x7d: {  	_ =	shalt  }
0x7e: {  	_ =	shalt  }
0x7f: {  	_ =	shalt  }
0x80: {  	_ =	shalt  }
0x81: {  	_ =	shalt  }
0x82: {  	_ =	shalt  }
0x83: {  	_ =	shalt  }
0x84: {  	_ =	shalt  }
0x85: {  	_ =	shalt  }
0x86: {  	_ =	shalt  }
0x87: {  	_ =	shalt  }
.Lfunc_end0:
.L_simem_size_0:
called_computation.6_lowered:
.L_overlay_start_0:
0x88: {  	s2 =	sld [smem:$0x3FD9]  }
0x89: {  	s3 =	sld [smem:$0x3FFE];
	_ =	sdelay $0x1  }
0x8a: {  	s1 =	srdreg.scid  }
0x8b: {  	s0 =	sand.u32 $0x1, s1  }
0x8c: {  	s16 =	sshll.u32 s0, $0xA;
	s2 =	sadd.s32 s3, s2  }
0x8d: {  	s2 =	sadd.s32 s2, s16  }
0x8e: {  	[smem:$0x3F95] =	sst s2  }
0x8f: {  	_ = 	snop  }
0x90: {  	(tm) =	ssettm $0x1  }
0x91: {  	s17 =	sld [smem:$0x3FFB];
	_ =	sdelay $0x3  }
0x92: {  	_ =	strace s17  }
0x93: {  	s2 =	sld [smem:$0x3FFC];
	_ =	sdelay $0x3  }
0x94: {  	_ =	strace s2  }
0x95: {  	s2 =	sld [smem:$0x3FFD];
	_ =	sdelay $0x3  }
0x96: {  	_ =	strace s2  }
0x97: {  	_ =	strace $0x8FFFFFFF  }
0x98: {  	s18 =	sld [smem:$0x3FDB];
	_ =	sdelay $0x1  }
0x99: {  	s19 =	simm.s32 $_scs_section_size  }
0x9a: {  	s4 =	simm.s32 $_size__tile_overlayer_lowered;
	s5 =	simm.s32 $_tile_overlayer_lowered  }
0x9b: {  	s22 =	simm.s32 $0x1BFF;
	s21 =	sshll.u32 s5, $0x1;
	s2 =	sadd.s32 s19, s18  }
0x9c: {  	s6 =	simm.s32 $0x0;
	s20 =	sshll.u32 s4, $0x1;
	s4 =	sadd.s32 s21, s2  }
0x9d: {  	[timem:s6], [sflag:s22] =	dma.local [hbm:s4], s20  }
0x9e: {  	_ =	swait.ge [sflag:s22], s20  }
0x9f: {  	s3 =	ssub.s32 $0x0, s20;
	[sflag:s22] =	ssyncset.done $0x0  }
0xa0: {  	[sflag:s22] =	ssyncadd.s32 s3;
	_ =	sdelay $0x1  }
0xa1: {  	s23 =	simm.s32 $0x1B8B  }
0xa2: {  	_ =	swait.ge [sflag:s23], $0x1  }
0xa3: {  	[sflag:s23] =	ssyncset.done $0x0  }
0xa4: {  	s25 =	simm.s32 $0x1B8E;
	s24 =	sld [smem:$0x3FFE];
	[sflag:s23] =	ssyncadd.s32 $0xFFFFFFFF  }
0xa5: {  	s26 =	simm.s32 $execute0_lowered;
	[smem:$0x3FD2] =	sst s25  }
0xa6: {  	s4 =	sshll.u32 s26, $0x1;
	_ =	strace $0x8000004F;
	[dreg:$0x1] =	wrdreg $0xFFFFFFFF  }
0xa7: {  	s28 =	simm.s32 $_size_execute0_lowered;
	s2 =	sadd.s32 s2, s4;
	[dreg:$0x0] =	wrdreg $0x0  }
0xa8: {  	s4 =	sshll.u32 s28, $0x1;
	[dreg:$0x2] =	wrdreg s2  }
0xa9: {  	[dreg:$0x3] =	wrdreg s4  }
0xaa: {  	[dreg:$0x4] =	wrdreg $0xC0  }
0xab: {  	_ =	task [dreg:s6], $0x5FFFF  }
0xac: {  	[dreg:$0x1] =	wrdreg $0xFFFFFFFF  }
0xad: {  	[dreg:$0x0] =	wrdreg $0x60  }
0xae: {  	[dreg:$0x2] =	wrdreg s24  }
0xaf: {  	[dreg:$0x3] =	wrdreg $0xA  }
0xb0: {  	_ =	task.clear_ibuf [dreg:s6], $0x4FFFF;
	_ =	strace $0x9000004F  }
0xb1: {  	s29 =	simm.s32 $0xA;
	_ =	strace $0x80000051  }
0xb2: {  	_ =	swait.ge [sflag:s29], $0x1  }
0xb3: {  	[sflag:s29] =	ssyncadd.s32 $0xFFFFFFFF  }
0xb4: {  	_ =	strace $0x90000051  }
0xb5: {  	_ =	sfence  }
0xb6: {  	s30 =	sld [smem:$0x0];
	_ =	sdelay $0x2  }
0xb7: {  	s31 =	sshll.u32 s1, $0xD;
	s1 =	sshrl.u32 s1, $0x2  }
0xb8: {  	s3 =	sand.u32 $0x4000, s31;
	s1 =	sadd.s32 s1, s30  }
0xb9: {  	s0 =	sor.u32 s3, s0;
	s1 =	sshll.u32 s1, $0x11  }
0xba: {  	s0 =	sor.u32 s1, s0  }
0xbb: {  	s0 =	sadd.s32 $0x8F2B, s0  }
0xbc: {  	[sflag:s0] =	ssyncadd.remote.s32 $0x1  }
0xbd: {  	_ =	sfence.sel $0xFFFF  }
0xbe: {  	[dreg:$0x0] =	wrdreg $0xFFFFFFFF;
	(pc) =	sbr.abs _section_cstart, $3  }
0xbf: {  	[dreg:$0x1] =	wrdreg $0xFFFFFFFF  }
0xc0: {  	_ =	task.clear_ibuf [dreg:s6], $0x2FFFF;
	_ =	strace $0x9FFFFFFF  }
0xc1: {  	(tm) =	ssettm $0x7FFFFFFF  }
tec
execute0_lowered:
.L_overlay_start_1:
0x0: {  	(tag) =	ssettag $0x1  }
0x1: {  	s7 =	rddreg [dreg:$0x0]  }
0x2: {  	s1 =	srdreg.scid;
	s0 =	rddreg [dreg:$0x1]  }
0x3: {  	_ =	strace $0x80000050;
	s3 =	simm.s32 $0x1;
	s5 =	simm.s32 $0x2  }
0x4: {  	s9 =	simm.s32 $0x3;
	s11 =	simm.s32 $0x0;
	s2 =	sshll.u32 s1, $0x4  }
.Ltmp0:
0x5: {  	s1 =	stileid.u32;
	s4 =	sand.u32 $0x10, s2;
	(pc) =	sbr.rel .LBB2_1-.Ltmp0, $4  }
0x6: {  	p0 =	por $0x0, $0x0;
	[sflag:s3] =	ssyncpa.u1 $0x0;
	s4 =	sor.u32 s1, s4  }
0x7: {  	s6 =	sadd.s32 $0x2D800, s7;
	[sflag:s5] =	ssyncpa.u1 $0x0;
	s4 =	smul.u32 $0xA0, s4  }
0x8: {  	s2 =	sadd.s32 $0x2DC00, s7;
	s7 =	sadd.s32 $0x66DE00, s7;
	[sflag:s9] =	ssyncpa.u1 $0x0  }
0x9: {  	vm0 =	vmmov $0xff;
	s9 =	simm.s32 $0x0;
	s8 =	sadd.s32 $0xA0, s4;
	s10 =	smov.u32 s4  }
.LBB2_4:
0xa: {  	_ =	sdelay $0x3  }
0xb: {  	[tilespmem:s15], [sflag:$0x1] =	stream.indirect_vreg.gather [hbm:s2], $0x80, v0, vm0, $0x38;
	[tilespmem:$0x14010] =	vst v63  }
0xc: {  	s13 =	sshrl.u32 s11, $0x3;
	s31 =	sshll.u32 s11, $0x4  }
0xd: {  	_ =	swait.ge [sflag:s3], $0xA000;
	s13 =	smul.u32 $0x1400, s13;
	s11 =	sand.u32 $0x70, s31  }
0xe: {  	[sflag:s3] =	ssyncset.done $0x0;
	s11 =	sadd.s32 s7, s11  }
0xf: {  	[sflag:s3] =	ssyncadd.s32 $0xFFFF6000;
	s11 =	sadd.s32 s13, s11  }
0x10: {  	[hbm:s11] =	stream.linear.scatter [tilespmem:s12], [sflag:$0x3], $0xA000, $0x38;
	[tilespmem:$0x14010] =	vst v63  }
.LBB2_5:
0x11: {  	p1 =	slt.u32 s9, $0x2;
	s11 =	sadd.s32 $0x8, s10  }
0x12: {  	s13 =	smov.u32 s4;
	s9 =	sadd.s32 $0x1, s9;
	p2 =	slt.s32 s11, s8  }
0x13: {  	s13 =	smov.u32 @p2 s11;
	p2 =	sne.s32 s9, $0x16  }
.Ltmp1:
0x14: {  	_ = 	snop;
	(pc) =	sbr.rel @!p2 .LBB2_6-.Ltmp1, $4  }
0x15: {  	s12 =	simm.s32 @!p1 $0x3  }
0x16: {  	_ =	swait.ge @!p1 [sflag:s12], $0xA000  }
0x17: {  	p0 =	por !p0, !p0;
	[sflag:s12] =	ssyncset.done @!p1 $0x0  }
0x18: {  	s11 =	smov.u32 s10;
	s10 =	smov.u32 s13;
	[sflag:s12] =	ssyncadd.s32 @!p1 $0xFFFF6000  }
.LBB2_1:
0x19: {  	p1 =	sgt.u32 s9, $0x13  }
0x1a: {  	s12 =	sxor.u32 @!p1 $0xFFFFFFFF, s9  }
0x1b: {  	s31 =	sadd.s32 $0xFFFFFFFF, s9;
	s13 =	sshrl.u32 @!p1 s10, $0x3;
	s12 =	sshll.u32 @!p1 s12, $0x3  }
0x1c: {  	s14 =	sand.u32 @!p1 $0x7, s10;
	s13 =	sadd.s32 @!p1 s6, s13;
	s12 =	sand.u32 @!p1 $0x8, s12  }
0x1d: {  	[tilespmem:s12], [sflag:$0x2] =	stream.linear.gather @!p1 [hbm4b:s13+s14], $0x8, $0x38;
	[tilespmem:$0x14010] =	vst v63  }
0x1e: {  	p1 =	sgt.u32 s31, $0x13  }
.Ltmp2:
0x1f: {  	_ = 	snop;
	(pc) =	sbr.rel @p1 .LBB2_5-.Ltmp2, $1  }
0x20: {  	_ =	sdelay $0x3  }
0x21: {  	_ =	swait.ge [sflag:s5], $0x8  }
0x22: {  	s12 =	sand.u32 $0x1, s9;
	[sflag:s5] =	ssyncset.done $0x0  }
0x23: {  	s13 =	sshll.u32 s12, $0x3;
	[sflag:s5] =	ssyncadd.s32 $0xFFFFFFF8  }
0x24: {  	v0 =	vld.msk [tilespmem:s13+$0x0 ss:$0x1], $0xff;
	_ =	sdelay $0x4  }
0x25: {  	vm1 =	vgt.s32 v0, $0x0  }
0x26: {  	v0 =	vnsel vm1, $0x0, v0  }
0x27: {  	v0 =	vmin.u32 v0, $0x27FF  }
0x28: {  	v1 =	vshrl.u32 v0, $0x3  }
0x29: {  	v0 =	vshll.u32 v0, $0x7;
	v1 =	vmul.u32 $0xA000, v1  }
0x2a: {  	s13 =	simm.s32 $0x1;
	v0 =	vand.u32 $0x380, v0  }
0x2b: {  	s13 =	simm.s32 @!p0 $0x0;
	v0 =	vor.u32 v0, v1  }
0x2c: {  	s13 =	smul.u32 $0x28000, s13;
	v0 =	vshrl.u32 v0, $0x3  }
0x2d: {  	s12 =	smul.u32 $0x28000, s12  }
0x2e: {  	s13 =	sshrl.u32 s13, $0x2  }
0x2f: {  	s12 =	sshrl.u32 s12, $0x2;
	s13 =	sor.u32 $0x10, s13  }
0x30: {  	s14 =	simm.s32 $0x1000;
	s12 =	sor.u32 $0x10, s12;
	s15 =	sadd.s32 $0x0, s13  }
.LBB2_3:
0x31: {  	[tilespmem:s15], [sflag:$0x1] =	stream.indirect_vreg.gather [hbm:s2], $0x80, v0, vm0, $0x38;
	[tilespmem:$0x14010] =	vst v63  }
0x32: {  	v0 =	vadd.s32 $0x80, v0;
	s15 =	smov.u32 s14;
	p1 =	sne.s32 s14, $0x27000  }
.Ltmp3:
0x33: {  	s14 =	sadd.s32 $0x1000, s14;
	(pc) =	sbr.rel @p1 .LBB2_3-.Ltmp3, $3  }
0x34: {  	_ =	sdelay $0x1  }
0x35: {  	s15 =	sshra.s32 s15, $0x2  }
0x36: {  	s15 =	sadd.s32 s15, s13  }
.Ltmp4:
0x37: {  	_ = 	snop;
	(pc) =	sbr.rel .LBB2_4-.Ltmp4, $1  }
0x38: {  	_ =	sdelay $0x3  }
.LBB2_6:
0x39: {  	_ =	sfence.sel $0x180000  }
0x3a: {  	s2 =	simm.s32 $0x2;
	[bflag:$0x0] =	sbarrier.arrive $0xFFFF  }
0x3b: {  	s30 =	simm.s32 $0x3;
	[sflag:s2] =	ssyncpa.u1 $0x1  }
0x3c: {  	s31 =	simm.s32 $0x1;
	[sflag:s30] =	ssyncpa.u1 $0x1  }
0x3d: {  	[sflag:s31] =	ssyncpa.u1 $0x1  }
0x3e: {  	p0 =	sne.s32 s1, $0x0;
	_ =	strace $0x90000050  }
0x3f: {  	s0 =	sadd.s32 @!p0 $0x100000, s0;
	[bflag:$0x2] =	sbarrier.arrive $0xFFFF  }
0x40: {  	[sflag:s0] =	ssyncadd.tile.s32 @!p0 $0x1;
	_ =	shalt  }
.Lfunc_end2:
_tile_overlayer_lowered:
.L_overlay_start_2:
0x41: {  	(tag) =	ssettag $0x2  }
0x42: {  	s0 =	rddreg [dreg:$0x0];
	s2 =	stileid.u32  }
0x43: {  	s1 =	rddreg [dreg:$0x1];
	p0 =	sne.s32 s2, $0x0  }
0x44: {  	s3 =	rddreg [dreg:$0x2];
	[bflag:$0x3] =	sbarrier.arrive $0xFFFF;
	s2 =	simm.s32 @!p0 $0x1C01  }
0x45: {  	[timem:s3], [sflag:s2] =	dma.local @!p0 [hbm:s0], s1  }
0x46: {  	s0 =	simm.s32 @!p0 $0x1  }
0x47: {  	_ =	swait.ge @!p0 [sflag:s0], s1  }
0x48: {  	s1 =	ssub.s32 @!p0 $0x0, s1;
	[sflag:s0] =	ssyncset.done @!p0 $0x0  }
0x49: {  	[sflag:s0] =	ssyncadd.s32 @!p0 s1  }
0x4a: {  	[bflag:$0x3] =	sbarrier.arrive $0xFFFF  }
0x4b: {  	_ =	shalt  }

// kernel: gather_offload_async_start.3
scs
__scs_entry_jumppad:
0x0: {  	(pc) =	sbr.rel $0x88, $3  }
0x1: {  	(tag) =	ssettag $0x0;
	lr =	simm.s32 $0x1  }
0x2: {  	[smem:$0x3F6E] =	sst lr;
	_ =	strace $0xD0000000  }
0x3: {  	_ = 	snop  }
0x4: {  	_ = 	snop  }
0x5: {  	_ = 	snop  }
0x6: {  	_ = 	snop  }
0x7: {  	_ = 	snop  }
__scs_overlays_trampoline_lowered:
0x8: {  	[smem:$0x3F7D] =	sst s0  }
0x9: {  	[smem:$0x3F7E] =	sst s1  }
0xa: {  	[smem:$0x3F7F] =	sst s2  }
0xb: {  	[smem:$0x3F80] =	sst s3  }
0xc: {  	[smem:$0x3F81] =	sst s4  }
0xd: {  	[smem:$0x3F82] =	sst s5  }
0xe: {  	[smem:$0x3F83] =	sst s6  }
0xf: {  	[smem:$0x3F84] =	sst s7  }
0x10: {  	[smem:$0x3F85] =	sst s8  }
0x11: {  	[smem:$0x3F86] =	sst s9;
	s0 =	simm.s32 @!p0 $0x0  }
0x12: {  	s1 =	sld [smem:$0x3F6C];
	s0 =	simm.s32 @p0 $0x1  }
0x13: {  	[smem:$0x3F87] =	sst s0;
	s0 =	simm.s32 @!p1 $0x0  }
0x14: {  	s2 =	sld [smem:$0x3F6B];
	s0 =	simm.s32 @p1 $0x1  }
0x15: {  	[smem:$0x3F88] =	sst s0;
	s0 =	simm.s32 @!p2 $0x0  }
0x16: {  	s3 =	sld [smem:$0x3FDB];
	s0 =	simm.s32 @p2 $0x1  }
0x17: {  	s4 =	simm.s32 $0x1BF5;
	[smem:$0x3F8A] =	sst s0  }
0x18: {  	s0 =	sld [smem:$0x3F6D];
	_ =	swait.ge [sflag:s4], $0x0  }
0x19: {  	s7 =	sld [smem:$0x3F6E]  }
0x1a: {  	s8 =	sadd.s32 $0xFFFFE003, lr  }
0x1b: {  	s9 =	sadd.s32 $0xFFFFFEF7, lr;
	s5 =	simm.s32 $0xFFFFFFFF;
	p2 =	slt.u32 s8, $0xFFFFF086  }
0x1c: {  	p1 =	slt.u32 s9, $0xF7A;
	s5 =	simm.s32 @!p2 $0x0  }
0x1d: {  	s5 =	simm.s32 @p1 $0x1;
	p0 =	seq.s32 s7, s2  }
0x1e: {  	s7 =	smul.u32 @!p0 $0xF7A, s2;
	p2 =	seq.s32 @!p0 s5, $0x0  }
0x1f: {  	s9 =	smul.u32 $0xF7A, s1;
	s8 =	simm.s32 @!p0 $0x1BF5;
	p2 =	por !p2, p0  }
0x20: {  	[sflag:s8] =	ssyncset.s32 @!p0 $0xFFFFF086;
	s6 =	sadd.s32 @!p0 s3, s7;
	s7 =	simm.s32 @!p0 $0x108  }
0x21: {  	s3 =	sadd.s32 s3, s9;
	s6 =	sadd.s32 @!p0 $0x88, s6;
	s7 =	simm.s32 @p2 $0x1082  }
0x22: {  	[simem:s7], [sflag:s8] =	dma.local @!p0 [hbm:s6], $0xF7A  }
0x23: {  	s9 =	sor.u32 $0xD0000000, s2;
	s6 =	simm.s32 $0x108;
	_ =	swait.ge @!p0 [sflag:s8], $0x0  }
0x24: {  	s3 =	sadd.s32 $0x88, s3;
	s6 =	simm.s32 @!p1 $0x1082;
	[sflag:s4] =	ssyncset.s32 $0xFFFFF086  }
0x25: {  	[simem:s6], [sflag:s4] =	dma.local [hbm:s3], $0xF7A  }
0x26: {  	[smem:$0x3F6E] =	sst s1;
	(tag) =	ssettag s2;
	_ =	strace s9  }
0x27: {  	s1 =	sld [smem:$0x3F7E]  }
0x28: {  	s2 =	sld [smem:$0x3F7F]  }
0x29: {  	s4 =	sld [smem:$0x3F81]  }
0x2a: {  	p0 =	seq.s32 s5, $0x0;
	s5 =	sld [smem:$0x3F82]  }
0x2b: {  	s6 =	sld [smem:$0x3F83]  }
0x2c: {  	s7 =	sld [smem:$0x3F84]  }
0x2d: {  	s3 =	simm.s32 $0x108;
	s8 =	sld [smem:$0x3F85]  }
0x2e: {  	s3 =	simm.s32 @!p0 $0x1082;
	s9 =	sld [smem:$0x3F86]  }
0x2f: {  	lr =	sadd.s32 s0, s3;
	s0 =	sld [smem:$0x3F7D]  }
0x30: {  	s3 =	sld [smem:$0x3F80]  }
0x31: {  	[smem:$0x3F89] =	sst s10  }
0x32: {  	s10 =	sld [smem:$0x3F87];
	_ =	sdelay $0x3  }
0x33: {  	p0 =	seq.s32 s10, $0x1;
	s10 =	sld [smem:$0x3F89];
	_ =	sdelay $0x3  }
0x34: {  	[smem:$0x3F89] =	sst s10  }
0x35: {  	s10 =	sld [smem:$0x3F88];
	_ =	sdelay $0x3  }
0x36: {  	p1 =	seq.s32 s10, $0x1;
	s10 =	sld [smem:$0x3F89];
	_ =	sdelay $0x3  }
0x37: {  	[smem:$0x3F89] =	sst s10  }
0x38: {  	s10 =	sld [smem:$0x3F8A]  }
0x39: {  	_ = 	snop;
	(pc) =	sbr.ind lr, $3  }
0x3a: {  	_ = 	snop  }
0x3b: {  	_ = 	snop  }
0x3c: {  	p2 =	seq.s32 s10, $0x1;
	s10 =	sld [smem:$0x3F89]  }
0x3d: {  	_ =	shalt  }
0x3e: {  	_ =	shalt  }
0x3f: {  	_ =	shalt  }
0x40: {  	_ =	shalt  }
0x41: {  	_ =	shalt  }
0x42: {  	_ =	shalt  }
0x43: {  	_ =	shalt  }
0x44: {  	_ =	shalt  }
0x45: {  	_ =	shalt  }
0x46: {  	_ =	shalt  }
0x47: {  	_ =	shalt  }
0x48: {  	_ =	shalt  }
0x49: {  	_ =	shalt  }
0x4a: {  	_ =	shalt  }
0x4b: {  	_ =	shalt  }
0x4c: {  	_ =	shalt  }
0x4d: {  	_ =	shalt  }
0x4e: {  	_ =	shalt  }
0x4f: {  	_ =	shalt  }
0x50: {  	_ =	shalt  }
0x51: {  	_ =	shalt  }
0x52: {  	_ =	shalt  }
0x53: {  	_ =	shalt  }
0x54: {  	_ =	shalt  }
0x55: {  	_ =	shalt  }
0x56: {  	_ =	shalt  }
0x57: {  	_ =	shalt  }
0x58: {  	_ =	shalt  }
0x59: {  	_ =	shalt  }
0x5a: {  	_ =	shalt  }
0x5b: {  	_ =	shalt  }
0x5c: {  	_ =	shalt  }
0x5d: {  	_ =	shalt  }
0x5e: {  	_ =	shalt  }
0x5f: {  	_ =	shalt  }
0x60: {  	_ =	shalt  }
0x61: {  	_ =	shalt  }
0x62: {  	_ =	shalt  }
0x63: {  	_ =	shalt  }
0x64: {  	_ =	shalt  }
0x65: {  	_ =	shalt  }
0x66: {  	_ =	shalt  }
0x67: {  	_ =	shalt  }
0x68: {  	_ =	shalt  }
0x69: {  	_ =	shalt  }
0x6a: {  	_ =	shalt  }
0x6b: {  	_ =	shalt  }
0x6c: {  	_ =	shalt  }
0x6d: {  	_ =	shalt  }
0x6e: {  	_ =	shalt  }
0x6f: {  	_ =	shalt  }
0x70: {  	_ =	shalt  }
0x71: {  	_ =	shalt  }
0x72: {  	_ =	shalt  }
0x73: {  	_ =	shalt  }
0x74: {  	_ =	shalt  }
0x75: {  	_ =	shalt  }
0x76: {  	_ =	shalt  }
0x77: {  	_ =	shalt  }
0x78: {  	_ =	shalt  }
0x79: {  	_ =	shalt  }
0x7a: {  	_ =	shalt  }
0x7b: {  	_ =	shalt  }
0x7c: {  	_ =	shalt  }
0x7d: {  	_ =	shalt  }
0x7e: {  	_ =	shalt  }
0x7f: {  	_ =	shalt  }
0x80: {  	_ =	shalt  }
0x81: {  	_ =	shalt  }
0x82: {  	_ =	shalt  }
0x83: {  	_ =	shalt  }
0x84: {  	_ =	shalt  }
0x85: {  	_ =	shalt  }
0x86: {  	_ =	shalt  }
0x87: {  	_ =	shalt  }
.Lfunc_end0:
.L_simem_size_0:
called_computation.7_lowered:
.L_overlay_start_0:
0x88: {  	s2 =	sld [smem:$0x3FD9]  }
0x89: {  	s3 =	sld [smem:$0x3FFE];
	_ =	sdelay $0x1  }
0x8a: {  	s1 =	srdreg.scid  }
0x8b: {  	s0 =	sand.u32 $0x1, s1  }
0x8c: {  	s16 =	sshll.u32 s0, $0xA;
	s2 =	sadd.s32 s3, s2  }
0x8d: {  	s2 =	sadd.s32 s2, s16  }
0x8e: {  	[smem:$0x3F95] =	sst s2  }
0x8f: {  	_ = 	snop  }
0x90: {  	(tm) =	ssettm $0x1  }
0x91: {  	s17 =	sld [smem:$0x3FFB];
	_ =	sdelay $0x3  }
0x92: {  	_ =	strace s17  }
0x93: {  	s2 =	sld [smem:$0x3FFC];
	_ =	sdelay $0x3  }
0x94: {  	_ =	strace s2  }
0x95: {  	s2 =	sld [smem:$0x3FFD];
	_ =	sdelay $0x3  }
0x96: {  	_ =	strace s2  }
0x97: {  	_ =	strace $0x8FFFFFFF  }
0x98: {  	s18 =	sld [smem:$0x3FDB];
	_ =	sdelay $0x1  }
0x99: {  	s19 =	simm.s32 $_scs_section_size  }
0x9a: {  	s4 =	simm.s32 $_size__tile_overlayer_lowered;
	s5 =	simm.s32 $_tile_overlayer_lowered  }
0x9b: {  	s22 =	simm.s32 $0x1BFF;
	s21 =	sshll.u32 s5, $0x1;
	s2 =	sadd.s32 s19, s18  }
0x9c: {  	s6 =	simm.s32 $0x0;
	s20 =	sshll.u32 s4, $0x1;
	s4 =	sadd.s32 s21, s2  }
0x9d: {  	[timem:s6], [sflag:s22] =	dma.local [hbm:s4], s20  }
0x9e: {  	_ =	swait.ge [sflag:s22], s20  }
0x9f: {  	s3 =	ssub.s32 $0x0, s20;
	[sflag:s22] =	ssyncset.done $0x0  }
0xa0: {  	[sflag:s22] =	ssyncadd.s32 s3;
	_ =	sdelay $0x1  }
0xa1: {  	s23 =	simm.s32 $0x1B8B  }
0xa2: {  	_ =	swait.ge [sflag:s23], $0x1  }
0xa3: {  	[sflag:s23] =	ssyncset.done $0x0  }
0xa4: {  	s25 =	simm.s32 $0x1B8E;
	s24 =	sld [smem:$0x3FFE];
	[sflag:s23] =	ssyncadd.s32 $0xFFFFFFFF  }
0xa5: {  	s26 =	simm.s32 $execute0_lowered;
	[smem:$0x3FD2] =	sst s25  }
0xa6: {  	s4 =	sshll.u32 s26, $0x1;
	_ =	strace $0x80000058;
	[dreg:$0x1] =	wrdreg $0xFFFFFFFF  }
0xa7: {  	s28 =	simm.s32 $_size_execute0_lowered;
	s2 =	sadd.s32 s2, s4;
	[dreg:$0x0] =	wrdreg $0x0  }
0xa8: {  	s4 =	sshll.u32 s28, $0x1;
	[dreg:$0x2] =	wrdreg s2  }
0xa9: {  	[dreg:$0x3] =	wrdreg s4  }
0xaa: {  	[dreg:$0x4] =	wrdreg $0xC0  }
0xab: {  	_ =	task [dreg:s6], $0x5FFFF  }
0xac: {  	[dreg:$0x1] =	wrdreg $0xFFFFFFFF  }
0xad: {  	[dreg:$0x0] =	wrdreg $0x60  }
0xae: {  	[dreg:$0x2] =	wrdreg s24  }
0xaf: {  	[dreg:$0x3] =	wrdreg $0x9  }
0xb0: {  	_ =	task.clear_ibuf [dreg:s6], $0x4FFFF;
	_ =	strace $0x90000058  }
0xb1: {  	s29 =	simm.s32 $0x9;
	_ =	strace $0x8000005A  }
0xb2: {  	_ =	swait.ge [sflag:s29], $0x1  }
0xb3: {  	[sflag:s29] =	ssyncadd.s32 $0xFFFFFFFF  }
0xb4: {  	_ =	strace $0x9000005A  }
0xb5: {  	_ =	sfence  }
0xb6: {  	s30 =	sld [smem:$0x0];
	_ =	sdelay $0x2  }
0xb7: {  	s31 =	sshll.u32 s1, $0xD;
	s1 =	sshrl.u32 s1, $0x2  }
0xb8: {  	s3 =	sand.u32 $0x4000, s31;
	s1 =	sadd.s32 s1, s30  }
0xb9: {  	s0 =	sor.u32 s3, s0;
	s1 =	sshll.u32 s1, $0x11  }
0xba: {  	s0 =	sor.u32 s1, s0  }
0xbb: {  	s0 =	sadd.s32 $0x8F2B, s0  }
0xbc: {  	[sflag:s0] =	ssyncadd.remote.s32 $0x1  }
0xbd: {  	_ =	sfence.sel $0xFFFF  }
0xbe: {  	[dreg:$0x0] =	wrdreg $0xFFFFFFFF;
	(pc) =	sbr.abs _section_cstart, $3  }
0xbf: {  	[dreg:$0x1] =	wrdreg $0xFFFFFFFF  }
0xc0: {  	_ =	task.clear_ibuf [dreg:s6], $0x2FFFF;
	_ =	strace $0x9FFFFFFF  }
0xc1: {  	(tm) =	ssettm $0x7FFFFFFF  }
tec
execute0_lowered:
.L_overlay_start_1:
0x0: {  	(tag) =	ssettag $0x1  }
0x1: {  	s7 =	rddreg [dreg:$0x0]  }
0x2: {  	s1 =	srdreg.scid;
	s0 =	rddreg [dreg:$0x1]  }
0x3: {  	_ =	strace $0x80000059;
	s3 =	simm.s32 $0x1;
	s5 =	simm.s32 $0x2  }
0x4: {  	s9 =	simm.s32 $0x3;
	s11 =	simm.s32 $0x0;
	s2 =	sshll.u32 s1, $0x4  }
.Ltmp0:
0x5: {  	s1 =	stileid.u32;
	s4 =	sand.u32 $0x10, s2;
	(pc) =	sbr.rel .LBB2_1-.Ltmp0, $4  }
0x6: {  	p0 =	por $0x0, $0x0;
	[sflag:s3] =	ssyncpa.u1 $0x0;
	s4 =	sor.u32 s1, s4  }
0x7: {  	s6 =	sadd.s32 $0x41E00, s7;
	[sflag:s5] =	ssyncpa.u1 $0x0;
	s4 =	smul.u32 $0x50, s4  }
0x8: {  	s2 =	sadd.s32 $0x34D600, s7;
	s7 =	sadd.s32 $0x42000, s7;
	[sflag:s9] =	ssyncpa.u1 $0x0  }
0x9: {  	vm0 =	vmmov $0xff;
	s9 =	simm.s32 $0x0;
	s8 =	sadd.s32 $0x50, s4;
	s10 =	smov.u32 s4  }
.LBB2_4:
0xa: {  	_ =	sdelay $0x3  }
0xb: {  	[tilespmem:s15], [sflag:$0x1] =	stream.indirect_vreg.gather [hbm:s2], $0x80, v0, vm0, $0x38;
	[tilespmem:$0x14010] =	vst v63  }
0xc: {  	s13 =	sshrl.u32 s11, $0x3;
	s31 =	sshll.u32 s11, $0x4  }
0xd: {  	_ =	swait.ge [sflag:s3], $0xA000;
	s13 =	smul.u32 $0x1400, s13;
	s11 =	sand.u32 $0x70, s31  }
0xe: {  	[sflag:s3] =	ssyncset.done $0x0;
	s11 =	sadd.s32 s7, s11  }
0xf: {  	[sflag:s3] =	ssyncadd.s32 $0xFFFF6000;
	s11 =	sadd.s32 s13, s11  }
0x10: {  	[hbm:s11] =	stream.linear.scatter [tilespmem:s12], [sflag:$0x3], $0xA000, $0x38;
	[tilespmem:$0x14010] =	vst v63  }
.LBB2_5:
0x11: {  	p1 =	slt.u32 s9, $0x2;
	s11 =	sadd.s32 $0x8, s10  }
0x12: {  	s13 =	smov.u32 s4;
	s9 =	sadd.s32 $0x1, s9;
	p2 =	slt.s32 s11, s8  }
0x13: {  	s13 =	smov.u32 @p2 s11;
	p2 =	sne.s32 s9, $0xC  }
.Ltmp1:
0x14: {  	_ = 	snop;
	(pc) =	sbr.rel @!p2 .LBB2_6-.Ltmp1, $4  }
0x15: {  	s12 =	simm.s32 @!p1 $0x3  }
0x16: {  	_ =	swait.ge @!p1 [sflag:s12], $0xA000  }
0x17: {  	p0 =	por !p0, !p0;
	[sflag:s12] =	ssyncset.done @!p1 $0x0  }
0x18: {  	s11 =	smov.u32 s10;
	s10 =	smov.u32 s13;
	[sflag:s12] =	ssyncadd.s32 @!p1 $0xFFFF6000  }
.LBB2_1:
0x19: {  	p1 =	sgt.u32 s9, $0x9  }
0x1a: {  	s12 =	sxor.u32 @!p1 $0xFFFFFFFF, s9  }
0x1b: {  	s31 =	sadd.s32 $0xFFFFFFFF, s9;
	s13 =	sshrl.u32 @!p1 s10, $0x3;
	s12 =	sshll.u32 @!p1 s12, $0x3  }
0x1c: {  	s14 =	sand.u32 @!p1 $0x7, s10;
	s13 =	sadd.s32 @!p1 s6, s13;
	s12 =	sand.u32 @!p1 $0x8, s12  }
0x1d: {  	[tilespmem:s12], [sflag:$0x2] =	stream.linear.gather @!p1 [hbm4b:s13+s14], $0x8, $0x38;
	[tilespmem:$0x14010] =	vst v63  }
0x1e: {  	p1 =	sgt.u32 s31, $0x9  }
.Ltmp2:
0x1f: {  	_ = 	snop;
	(pc) =	sbr.rel @p1 .LBB2_5-.Ltmp2, $1  }
0x20: {  	_ =	sdelay $0x3  }
0x21: {  	_ =	swait.ge [sflag:s5], $0x8  }
0x22: {  	s12 =	sand.u32 $0x1, s9;
	[sflag:s5] =	ssyncset.done $0x0  }
0x23: {  	s13 =	sshll.u32 s12, $0x3;
	[sflag:s5] =	ssyncadd.s32 $0xFFFFFFF8  }
0x24: {  	v0 =	vld.msk [tilespmem:s13+$0x0 ss:$0x1], $0xff;
	_ =	sdelay $0x4  }
0x25: {  	vm1 =	vgt.s32 v0, $0x0  }
0x26: {  	v0 =	vnsel vm1, $0x0, v0  }
0x27: {  	v0 =	vmin.u32 v0, $0x13FF  }
0x28: {  	v1 =	vshrl.u32 v0, $0x3  }
0x29: {  	v0 =	vshll.u32 v0, $0x7;
	v1 =	vmul.u32 $0xA000, v1  }
0x2a: {  	s13 =	simm.s32 $0x1;
	v0 =	vand.u32 $0x380, v0  }
0x2b: {  	s13 =	simm.s32 @!p0 $0x0;
	v0 =	vor.u32 v0, v1  }
0x2c: {  	s13 =	smul.u32 $0x28000, s13;
	v0 =	vshrl.u32 v0, $0x3  }
0x2d: {  	s12 =	smul.u32 $0x28000, s12  }
0x2e: {  	s13 =	sshrl.u32 s13, $0x2  }
0x2f: {  	s12 =	sshrl.u32 s12, $0x2;
	s13 =	sor.u32 $0x10, s13  }
0x30: {  	s14 =	simm.s32 $0x1000;
	s12 =	sor.u32 $0x10, s12;
	s15 =	sadd.s32 $0x0, s13  }
.LBB2_3:
0x31: {  	[tilespmem:s15], [sflag:$0x1] =	stream.indirect_vreg.gather [hbm:s2], $0x80, v0, vm0, $0x38;
	[tilespmem:$0x14010] =	vst v63  }
0x32: {  	v0 =	vadd.s32 $0x80, v0;
	s15 =	smov.u32 s14;
	p1 =	sne.s32 s14, $0x27000  }
.Ltmp3:
0x33: {  	s14 =	sadd.s32 $0x1000, s14;
	(pc) =	sbr.rel @p1 .LBB2_3-.Ltmp3, $3  }
0x34: {  	_ =	sdelay $0x1  }
0x35: {  	s15 =	sshra.s32 s15, $0x2  }
0x36: {  	s15 =	sadd.s32 s15, s13  }
.Ltmp4:
0x37: {  	_ = 	snop;
	(pc) =	sbr.rel .LBB2_4-.Ltmp4, $1  }
0x38: {  	_ =	sdelay $0x3  }
.LBB2_6:
0x39: {  	_ =	sfence.sel $0x180000  }
0x3a: {  	s2 =	simm.s32 $0x2;
	[bflag:$0x0] =	sbarrier.arrive $0xFFFF  }
0x3b: {  	s30 =	simm.s32 $0x3;
	[sflag:s2] =	ssyncpa.u1 $0x1  }
0x3c: {  	s31 =	simm.s32 $0x1;
	[sflag:s30] =	ssyncpa.u1 $0x1  }
0x3d: {  	[sflag:s31] =	ssyncpa.u1 $0x1  }
0x3e: {  	p0 =	sne.s32 s1, $0x0;
	_ =	strace $0x90000059  }
0x3f: {  	s0 =	sadd.s32 @!p0 $0x100000, s0;
	[bflag:$0x2] =	sbarrier.arrive $0xFFFF  }
0x40: {  	[sflag:s0] =	ssyncadd.tile.s32 @!p0 $0x1;
	_ =	shalt  }
.Lfunc_end2:
_tile_overlayer_lowered:
.L_overlay_start_2:
0x41: {  	(tag) =	ssettag $0x2  }
0x42: {  	s0 =	rddreg [dreg:$0x0];
	s2 =	stileid.u32  }
0x43: {  	s1 =	rddreg [dreg:$0x1];
	p0 =	sne.s32 s2, $0x0  }
0x44: {  	s3 =	rddreg [dreg:$0x2];
	[bflag:$0x3] =	sbarrier.arrive $0xFFFF;
	s2 =	simm.s32 @!p0 $0x1C01  }
0x45: {  	[timem:s3], [sflag:s2] =	dma.local @!p0 [hbm:s0], s1  }
0x46: {  	s0 =	simm.s32 @!p0 $0x1  }
0x47: {  	_ =	swait.ge @!p0 [sflag:s0], s1  }
0x48: {  	s1 =	ssub.s32 @!p0 $0x0, s1;
	[sflag:s0] =	ssyncset.done @!p0 $0x0  }
0x49: {  	[sflag:s0] =	ssyncadd.s32 @!p0 s1  }
0x4a: {  	[bflag:$0x3] =	sbarrier.arrive $0xFFFF  }
0x4b: {  	_ =	shalt  }

// kernel: gather_offload_async_start.4
scs
__scs_entry_jumppad:
0x0: {  	(pc) =	sbr.rel $0x88, $3  }
0x1: {  	(tag) =	ssettag $0x0;
	lr =	simm.s32 $0x1  }
0x2: {  	[smem:$0x3F6E] =	sst lr;
	_ =	strace $0xD0000000  }
0x3: {  	_ = 	snop  }
0x4: {  	_ = 	snop  }
0x5: {  	_ = 	snop  }
0x6: {  	_ = 	snop  }
0x7: {  	_ = 	snop  }
__scs_overlays_trampoline_lowered:
0x8: {  	[smem:$0x3F7D] =	sst s0  }
0x9: {  	[smem:$0x3F7E] =	sst s1  }
0xa: {  	[smem:$0x3F7F] =	sst s2  }
0xb: {  	[smem:$0x3F80] =	sst s3  }
0xc: {  	[smem:$0x3F81] =	sst s4  }
0xd: {  	[smem:$0x3F82] =	sst s5  }
0xe: {  	[smem:$0x3F83] =	sst s6  }
0xf: {  	[smem:$0x3F84] =	sst s7  }
0x10: {  	[smem:$0x3F85] =	sst s8  }
0x11: {  	[smem:$0x3F86] =	sst s9;
	s0 =	simm.s32 @!p0 $0x0  }
0x12: {  	s1 =	sld [smem:$0x3F6C];
	s0 =	simm.s32 @p0 $0x1  }
0x13: {  	[smem:$0x3F87] =	sst s0;
	s0 =	simm.s32 @!p1 $0x0  }
0x14: {  	s2 =	sld [smem:$0x3F6B];
	s0 =	simm.s32 @p1 $0x1  }
0x15: {  	[smem:$0x3F88] =	sst s0;
	s0 =	simm.s32 @!p2 $0x0  }
0x16: {  	s3 =	sld [smem:$0x3FDB];
	s0 =	simm.s32 @p2 $0x1  }
0x17: {  	s4 =	simm.s32 $0x1BF5;
	[smem:$0x3F8A] =	sst s0  }
0x18: {  	s0 =	sld [smem:$0x3F6D];
	_ =	swait.ge [sflag:s4], $0x0  }
0x19: {  	s7 =	sld [smem:$0x3F6E]  }
0x1a: {  	s8 =	sadd.s32 $0xFFFFE003, lr  }
0x1b: {  	s9 =	sadd.s32 $0xFFFFFEF7, lr;
	s5 =	simm.s32 $0xFFFFFFFF;
	p2 =	slt.u32 s8, $0xFFFFF086  }
0x1c: {  	p1 =	slt.u32 s9, $0xF7A;
	s5 =	simm.s32 @!p2 $0x0  }
0x1d: {  	s5 =	simm.s32 @p1 $0x1;
	p0 =	seq.s32 s7, s2  }
0x1e: {  	s7 =	smul.u32 @!p0 $0xF7A, s2;
	p2 =	seq.s32 @!p0 s5, $0x0  }
0x1f: {  	s9 =	smul.u32 $0xF7A, s1;
	s8 =	simm.s32 @!p0 $0x1BF5;
	p2 =	por !p2, p0  }
0x20: {  	[sflag:s8] =	ssyncset.s32 @!p0 $0xFFFFF086;
	s6 =	sadd.s32 @!p0 s3, s7;
	s7 =	simm.s32 @!p0 $0x108  }
0x21: {  	s3 =	sadd.s32 s3, s9;
	s6 =	sadd.s32 @!p0 $0x88, s6;
	s7 =	simm.s32 @p2 $0x1082  }
0x22: {  	[simem:s7], [sflag:s8] =	dma.local @!p0 [hbm:s6], $0xF7A  }
0x23: {  	s9 =	sor.u32 $0xD0000000, s2;
	s6 =	simm.s32 $0x108;
	_ =	swait.ge @!p0 [sflag:s8], $0x0  }
0x24: {  	s3 =	sadd.s32 $0x88, s3;
	s6 =	simm.s32 @!p1 $0x1082;
	[sflag:s4] =	ssyncset.s32 $0xFFFFF086  }
0x25: {  	[simem:s6], [sflag:s4] =	dma.local [hbm:s3], $0xF7A  }
0x26: {  	[smem:$0x3F6E] =	sst s1;
	(tag) =	ssettag s2;
	_ =	strace s9  }
0x27: {  	s1 =	sld [smem:$0x3F7E]  }
0x28: {  	s2 =	sld [smem:$0x3F7F]  }
0x29: {  	s4 =	sld [smem:$0x3F81]  }
0x2a: {  	p0 =	seq.s32 s5, $0x0;
	s5 =	sld [smem:$0x3F82]  }
0x2b: {  	s6 =	sld [smem:$0x3F83]  }
0x2c: {  	s7 =	sld [smem:$0x3F84]  }
0x2d: {  	s3 =	simm.s32 $0x108;
	s8 =	sld [smem:$0x3F85]  }
0x2e: {  	s3 =	simm.s32 @!p0 $0x1082;
	s9 =	sld [smem:$0x3F86]  }
0x2f: {  	lr =	sadd.s32 s0, s3;
	s0 =	sld [smem:$0x3F7D]  }
0x30: {  	s3 =	sld [smem:$0x3F80]  }
0x31: {  	[smem:$0x3F89] =	sst s10  }
0x32: {  	s10 =	sld [smem:$0x3F87];
	_ =	sdelay $0x3  }
0x33: {  	p0 =	seq.s32 s10, $0x1;
	s10 =	sld [smem:$0x3F89];
	_ =	sdelay $0x3  }
0x34: {  	[smem:$0x3F89] =	sst s10  }
0x35: {  	s10 =	sld [smem:$0x3F88];
	_ =	sdelay $0x3  }
0x36: {  	p1 =	seq.s32 s10, $0x1;
	s10 =	sld [smem:$0x3F89];
	_ =	sdelay $0x3  }
0x37: {  	[smem:$0x3F89] =	sst s10  }
0x38: {  	s10 =	sld [smem:$0x3F8A]  }
0x39: {  	_ = 	snop;
	(pc) =	sbr.ind lr, $3  }
0x3a: {  	_ = 	snop  }
0x3b: {  	_ = 	snop  }
0x3c: {  	p2 =	seq.s32 s10, $0x1;
	s10 =	sld [smem:$0x3F89]  }
0x3d: {  	_ =	shalt  }
0x3e: {  	_ =	shalt  }
0x3f: {  	_ =	shalt  }
0x40: {  	_ =	shalt  }
0x41: {  	_ =	shalt  }
0x42: {  	_ =	shalt  }
0x43: {  	_ =	shalt  }
0x44: {  	_ =	shalt  }
0x45: {  	_ =	shalt  }
0x46: {  	_ =	shalt  }
0x47: {  	_ =	shalt  }
0x48: {  	_ =	shalt  }
0x49: {  	_ =	shalt  }
0x4a: {  	_ =	shalt  }
0x4b: {  	_ =	shalt  }
0x4c: {  	_ =	shalt  }
0x4d: {  	_ =	shalt  }
0x4e: {  	_ =	shalt  }
0x4f: {  	_ =	shalt  }
0x50: {  	_ =	shalt  }
0x51: {  	_ =	shalt  }
0x52: {  	_ =	shalt  }
0x53: {  	_ =	shalt  }
0x54: {  	_ =	shalt  }
0x55: {  	_ =	shalt  }
0x56: {  	_ =	shalt  }
0x57: {  	_ =	shalt  }
0x58: {  	_ =	shalt  }
0x59: {  	_ =	shalt  }
0x5a: {  	_ =	shalt  }
0x5b: {  	_ =	shalt  }
0x5c: {  	_ =	shalt  }
0x5d: {  	_ =	shalt  }
0x5e: {  	_ =	shalt  }
0x5f: {  	_ =	shalt  }
0x60: {  	_ =	shalt  }
0x61: {  	_ =	shalt  }
0x62: {  	_ =	shalt  }
0x63: {  	_ =	shalt  }
0x64: {  	_ =	shalt  }
0x65: {  	_ =	shalt  }
0x66: {  	_ =	shalt  }
0x67: {  	_ =	shalt  }
0x68: {  	_ =	shalt  }
0x69: {  	_ =	shalt  }
0x6a: {  	_ =	shalt  }
0x6b: {  	_ =	shalt  }
0x6c: {  	_ =	shalt  }
0x6d: {  	_ =	shalt  }
0x6e: {  	_ =	shalt  }
0x6f: {  	_ =	shalt  }
0x70: {  	_ =	shalt  }
0x71: {  	_ =	shalt  }
0x72: {  	_ =	shalt  }
0x73: {  	_ =	shalt  }
0x74: {  	_ =	shalt  }
0x75: {  	_ =	shalt  }
0x76: {  	_ =	shalt  }
0x77: {  	_ =	shalt  }
0x78: {  	_ =	shalt  }
0x79: {  	_ =	shalt  }
0x7a: {  	_ =	shalt  }
0x7b: {  	_ =	shalt  }
0x7c: {  	_ =	shalt  }
0x7d: {  	_ =	shalt  }
0x7e: {  	_ =	shalt  }
0x7f: {  	_ =	shalt  }
0x80: {  	_ =	shalt  }
0x81: {  	_ =	shalt  }
0x82: {  	_ =	shalt  }
0x83: {  	_ =	shalt  }
0x84: {  	_ =	shalt  }
0x85: {  	_ =	shalt  }
0x86: {  	_ =	shalt  }
0x87: {  	_ =	shalt  }
.Lfunc_end0:
.L_simem_size_0:
called_computation.8_lowered:
.L_overlay_start_0:
0x88: {  	s2 =	sld [smem:$0x3FD9]  }
0x89: {  	s3 =	sld [smem:$0x3FFE];
	_ =	sdelay $0x1  }
0x8a: {  	s1 =	srdreg.scid  }
0x8b: {  	s0 =	sand.u32 $0x1, s1  }
0x8c: {  	s16 =	sshll.u32 s0, $0xA;
	s2 =	sadd.s32 s3, s2  }
0x8d: {  	s2 =	sadd.s32 s2, s16  }
0x8e: {  	[smem:$0x3F95] =	sst s2  }
0x8f: {  	_ = 	snop  }
0x90: {  	(tm) =	ssettm $0x1  }
0x91: {  	s17 =	sld [smem:$0x3FFB];
	_ =	sdelay $0x3  }
0x92: {  	_ =	strace s17  }
0x93: {  	s2 =	sld [smem:$0x3FFC];
	_ =	sdelay $0x3  }
0x94: {  	_ =	strace s2  }
0x95: {  	s2 =	sld [smem:$0x3FFD];
	_ =	sdelay $0x3  }
0x96: {  	_ =	strace s2  }
0x97: {  	_ =	strace $0x8FFFFFFF  }
0x98: {  	s18 =	sld [smem:$0x3FDB];
	_ =	sdelay $0x1  }
0x99: {  	s19 =	simm.s32 $_scs_section_size  }
0x9a: {  	s4 =	simm.s32 $_size__tile_overlayer_lowered;
	s5 =	simm.s32 $_tile_overlayer_lowered  }
0x9b: {  	s22 =	simm.s32 $0x1BFF;
	s21 =	sshll.u32 s5, $0x1;
	s2 =	sadd.s32 s19, s18  }
0x9c: {  	s6 =	simm.s32 $0x0;
	s20 =	sshll.u32 s4, $0x1;
	s4 =	sadd.s32 s21, s2  }
0x9d: {  	[timem:s6], [sflag:s22] =	dma.local [hbm:s4], s20  }
0x9e: {  	_ =	swait.ge [sflag:s22], s20  }
0x9f: {  	s3 =	ssub.s32 $0x0, s20;
	[sflag:s22] =	ssyncset.done $0x0  }
0xa0: {  	[sflag:s22] =	ssyncadd.s32 s3;
	_ =	sdelay $0x1  }
0xa1: {  	s23 =	simm.s32 $0x1B8B  }
0xa2: {  	_ =	swait.ge [sflag:s23], $0x1  }
0xa3: {  	[sflag:s23] =	ssyncset.done $0x0  }
0xa4: {  	s25 =	simm.s32 $0x1B8E;
	s24 =	sld [smem:$0x3FFE];
	[sflag:s23] =	ssyncadd.s32 $0xFFFFFFFF  }
0xa5: {  	s26 =	simm.s32 $execute0_lowered;
	[smem:$0x3FD2] =	sst s25  }
0xa6: {  	s4 =	sshll.u32 s26, $0x1;
	_ =	strace $0x8000005E;
	[dreg:$0x1] =	wrdreg $0xFFFFFFFF  }
0xa7: {  	s28 =	simm.s32 $_size_execute0_lowered;
	s2 =	sadd.s32 s2, s4;
	[dreg:$0x0] =	wrdreg $0x0  }
0xa8: {  	s4 =	sshll.u32 s28, $0x1;
	[dreg:$0x2] =	wrdreg s2  }
0xa9: {  	[dreg:$0x3] =	wrdreg s4  }
0xaa: {  	[dreg:$0x4] =	wrdreg $0xC0  }
0xab: {  	_ =	task [dreg:s6], $0x5FFFF  }
0xac: {  	[dreg:$0x1] =	wrdreg $0xFFFFFFFF  }
0xad: {  	[dreg:$0x0] =	wrdreg $0x60  }
0xae: {  	[dreg:$0x2] =	wrdreg s24  }
0xaf: {  	[dreg:$0x3] =	wrdreg $0x9  }
0xb0: {  	_ =	task.clear_ibuf [dreg:s6], $0x4FFFF;
	_ =	strace $0x9000005E  }
0xb1: {  	s29 =	simm.s32 $0x9;
	_ =	strace $0x80000060  }
0xb2: {  	_ =	swait.ge [sflag:s29], $0x1  }
0xb3: {  	[sflag:s29] =	ssyncadd.s32 $0xFFFFFFFF  }
0xb4: {  	_ =	strace $0x90000060  }
0xb5: {  	_ =	sfence  }
0xb6: {  	s30 =	sld [smem:$0x0];
	_ =	sdelay $0x2  }
0xb7: {  	s31 =	sshll.u32 s1, $0xD;
	s1 =	sshrl.u32 s1, $0x2  }
0xb8: {  	s3 =	sand.u32 $0x4000, s31;
	s1 =	sadd.s32 s1, s30  }
0xb9: {  	s0 =	sor.u32 s3, s0;
	s1 =	sshll.u32 s1, $0x11  }
0xba: {  	s0 =	sor.u32 s1, s0  }
0xbb: {  	s0 =	sadd.s32 $0x8F2B, s0  }
0xbc: {  	[sflag:s0] =	ssyncadd.remote.s32 $0x1  }
0xbd: {  	_ =	sfence.sel $0xFFFF  }
0xbe: {  	[dreg:$0x0] =	wrdreg $0xFFFFFFFF;
	(pc) =	sbr.abs _section_cstart, $3  }
0xbf: {  	[dreg:$0x1] =	wrdreg $0xFFFFFFFF  }
0xc0: {  	_ =	task.clear_ibuf [dreg:s6], $0x2FFFF;
	_ =	strace $0x9FFFFFFF  }
0xc1: {  	(tm) =	ssettm $0x7FFFFFFF  }
tec
execute0_lowered:
.L_overlay_start_1:
0x0: {  	(tag) =	ssettag $0x1  }
0x1: {  	s7 =	rddreg [dreg:$0x0]  }
0x2: {  	s1 =	srdreg.scid;
	s0 =	rddreg [dreg:$0x1]  }
0x3: {  	_ =	strace $0x8000005F;
	s3 =	simm.s32 $0x1;
	s5 =	simm.s32 $0x2  }
0x4: {  	s9 =	simm.s32 $0x3;
	s11 =	simm.s32 $0x0;
	s2 =	sshll.u32 s1, $0x4  }
.Ltmp0:
0x5: {  	s1 =	stileid.u32;
	s4 =	sand.u32 $0x10, s2;
	(pc) =	sbr.rel .LBB2_1-.Ltmp0, $4  }
0x6: {  	p0 =	por $0x0, $0x0;
	[sflag:s3] =	ssyncpa.u1 $0x0;
	s4 =	sor.u32 s1, s4  }
0x7: {  	s6 =	sadd.s32 $0x41E00, s7;
	[sflag:s5] =	ssyncpa.u1 $0x0;
	s4 =	smul.u32 $0x50, s4  }
0x8: {  	s2 =	sadd.s32 $0x42000, s7;
	s7 =	sadd.s32 $0x1D2000, s7;
	[sflag:s9] =	ssyncpa.u1 $0x0  }
0x9: {  	vm0 =	vmmov $0xff;
	vm1 =	vcmask $0x3F20;
	s9 =	simm.s32 $0x0;
	s8 =	sadd.s32 $0x50, s4;
	s10 =	smov.u32 s4  }
.LBB2_4:
0xa: {  	_ =	sdelay $0x3  }
0xb: {  	[tilespmem:s16], [sflag:$0x1] =	stream.indirect_vreg.gather [hbm:s2], $0x80, v0, vm1, $0x38;
	[tilespmem:$0x14020] =	vst v63  }
0xc: {  	s14 =	sshrl.u32 s11, $0x3;
	s31 =	sshll.u32 s11, $0x4  }
0xd: {  	_ =	swait.ge [sflag:s3], $0xA000;
	s11 =	sand.u32 $0x70, s31;
	s14 =	smul.u32 $0xA00, s14  }
0xe: {  	[sflag:s3] =	ssyncset.done $0x0;
	s11 =	sadd.s32 s7, s11  }
0xf: {  	[sflag:s3] =	ssyncadd.s32 $0xFFFF6000;
	s11 =	sadd.s32 s14, s11  }
0x10: {  	[hbm:s11] =	stream.linear.scatter [tilespmem:s13], [sflag:$0x3], $0x5000, $0x38;
	[tilespmem:$0x14020] =	vst v63  }
0x11: {  	s12 =	sadd.s32 $0x5020, s12;
	s11 =	sadd.s32 $0xA00, s11  }
0x12: {  	[hbm:s11] =	stream.linear.scatter [tilespmem:s12], [sflag:$0x3], $0x5000, $0x38;
	[tilespmem:$0x14020] =	vst v63  }
.LBB2_5:
0x13: {  	p1 =	slt.u32 s9, $0x2;
	s11 =	sadd.s32 $0x10, s10  }
0x14: {  	s13 =	smov.u32 s4;
	s9 =	sadd.s32 $0x1, s9;
	p2 =	slt.s32 s11, s8  }
0x15: {  	s13 =	smov.u32 @p2 s11;
	p2 =	sne.s32 s9, $0x7  }
.Ltmp1:
0x16: {  	_ = 	snop;
	(pc) =	sbr.rel @!p2 .LBB2_6-.Ltmp1, $4  }
0x17: {  	s12 =	simm.s32 @!p1 $0x3  }
0x18: {  	_ =	swait.ge @!p1 [sflag:s12], $0xA000  }
0x19: {  	p0 =	por !p0, !p0;
	[sflag:s12] =	ssyncset.done @!p1 $0x0  }
0x1a: {  	s11 =	smov.u32 s10;
	s10 =	smov.u32 s13;
	[sflag:s12] =	ssyncadd.s32 @!p1 $0xFFFF6000  }
.LBB2_1:
0x1b: {  	p1 =	sgt.u32 s9, $0x4  }
0x1c: {  	s12 =	sxor.u32 @!p1 $0xFFFFFFFF, s9  }
0x1d: {  	s31 =	sadd.s32 $0xFFFFFFFF, s9;
	s13 =	sshrl.u32 @!p1 s10, $0x3;
	s12 =	sshll.u32 @!p1 s12, $0x4  }
0x1e: {  	s14 =	sand.u32 @!p1 $0x7, s10;
	s13 =	sadd.s32 @!p1 s6, s13;
	s12 =	sand.u32 @!p1 $0x10, s12  }
0x1f: {  	[tilespmem:s12], [sflag:$0x2] =	stream.linear.gather @!p1 [hbm4b:s13+s14], $0x10, $0x38;
	[tilespmem:$0x14020] =	vst v63  }
0x20: {  	p1 =	sgt.u32 s31, $0x4  }
.Ltmp2:
0x21: {  	_ = 	snop;
	(pc) =	sbr.rel @p1 .LBB2_5-.Ltmp2, $1  }
0x22: {  	_ =	sdelay $0x3  }
0x23: {  	_ =	swait.ge [sflag:s5], $0x10  }
0x24: {  	s12 =	sand.u32 $0x1, s9;
	[sflag:s5] =	ssyncset.done $0x0  }
0x25: {  	s13 =	sshll.u32 s12, $0x4;
	[sflag:s5] =	ssyncadd.s32 $0xFFFFFFF0  }
0x26: {  	v0 =	vld.msk [tilespmem:s13+$0x0 ss:$0x1], $0xffff;
	_ =	sdelay $0x4  }
0x27: {  	vm2 =	vgt.s32 v0, $0x0  }
0x28: {  	v0 =	vnsel vm2, $0x0, v0  }
0x29: {  	v0 =	vmin.u32 v0, $0x13FF  }
0x2a: {  	v1 =	vshrl.u32 v0, $0x3  }
0x2b: {  	v0 =	vshll.u32 v0, $0x7;
	v1 =	vmul.u32 $0x5000, v1  }
0x2c: {  	s13 =	simm.s32 $0x1;
	v0 =	vand.u32 $0x380, v0  }
0x2d: {  	s13 =	simm.s32 @!p0 $0x0;
	v0 =	vor.u32 v0, v1  }
0x2e: {  	s13 =	smul.u32 $0x28000, s13;
	v0 =	vshrl.u32 v0, $0x3;
	_ =	sdelay $0x1  }
0x2f: {  	s12 =	smul.u32 $0x28000, s12;
	s13 =	sshrl.u32 s13, $0x2  }
0x30: {  	s14 =	sor.u32 $0x20, s13  }
0x31: {  	s12 =	sshrl.u32 s12, $0x2;
	s16 =	sadd.s32 $0x0, s14  }
0x32: {  	[tilespmem:s16], [sflag:$0x1] =	stream.indirect_vreg.gather [hbm:s2], $0x80, v0, vm0, $0x38;
	[tilespmem:$0x14020] =	vst v63  }
0x33: {  	s15 =	simm.s32 $0x1000;
	s13 =	sor.u32 $0x20, s12;
	v1 =	vadd.s32 $0x80, v0;
	s16 =	sadd.s32 $0x5000, s16  }
.LBB2_3:
0x34: {  	[tilespmem:s16], [sflag:$0x1] =	stream.indirect_vreg.gather [hbm:s2], $0x80, v0, vm1, $0x38;
	[tilespmem:$0x14020] =	vst v63  }
0x35: {  	v0 =	vmov v1;
	s16 =	smov.u32 s15;
	p1 =	sne.s32 s15, $0x13000  }
.Ltmp3:
0x36: {  	s15 =	sadd.s32 $0x1000, s15;
	(pc) =	sbr.rel @p1 .LBB2_3-.Ltmp3, $4  }
0x37: {  	s16 =	sshra.s32 s16, $0x2  }
0x38: {  	s16 =	sadd.s32 s16, s14  }
0x39: {  	[tilespmem:s16], [sflag:$0x1] =	stream.indirect_vreg.gather [hbm:s2], $0x80, v1, vm0, $0x38;
	[tilespmem:$0x14020] =	vst v63  }
0x3a: {  	s16 =	sadd.s32 $0x5000, s16;
	v1 =	vadd.s32 $0x80, v1  }
.Ltmp4:
0x3b: {  	_ = 	snop;
	(pc) =	sbr.rel .LBB2_4-.Ltmp4, $1  }
0x3c: {  	_ =	sdelay $0x3  }
.LBB2_6:
0x3d: {  	_ =	sfence.sel $0x180000  }
0x3e: {  	s2 =	simm.s32 $0x2;
	[bflag:$0x0] =	sbarrier.arrive $0xFFFF  }
0x3f: {  	s30 =	simm.s32 $0x3;
	[sflag:s2] =	ssyncpa.u1 $0x1  }
0x40: {  	s31 =	simm.s32 $0x1;
	[sflag:s30] =	ssyncpa.u1 $0x1  }
0x41: {  	[sflag:s31] =	ssyncpa.u1 $0x1  }
0x42: {  	p0 =	sne.s32 s1, $0x0;
	_ =	strace $0x9000005F  }
0x43: {  	s0 =	sadd.s32 @!p0 $0x100000, s0;
	[bflag:$0x2] =	sbarrier.arrive $0xFFFF  }
0x44: {  	[sflag:s0] =	ssyncadd.tile.s32 @!p0 $0x1;
	_ =	shalt  }
.Lfunc_end2:
_tile_overlayer_lowered:
.L_overlay_start_2:
0x45: {  	(tag) =	ssettag $0x2  }
0x46: {  	s0 =	rddreg [dreg:$0x0];
	s2 =	stileid.u32  }
0x47: {  	s1 =	rddreg [dreg:$0x1];
	p0 =	sne.s32 s2, $0x0  }
0x48: {  	s3 =	rddreg [dreg:$0x2];
	[bflag:$0x3] =	sbarrier.arrive $0xFFFF;
	s2 =	simm.s32 @!p0 $0x1C01  }
0x49: {  	[timem:s3], [sflag:s2] =	dma.local @!p0 [hbm:s0], s1  }
0x4a: {  	s0 =	simm.s32 @!p0 $0x1  }
0x4b: {  	_ =	swait.ge @!p0 [sflag:s0], s1  }
0x4c: {  	s1 =	ssub.s32 @!p0 $0x0, s1;
	[sflag:s0] =	ssyncset.done @!p0 $0x0  }
0x4d: {  	[sflag:s0] =	ssyncadd.s32 @!p0 s1  }
0x4e: {  	[bflag:$0x3] =	sbarrier.arrive $0xFFFF  }
0x4f: {  	_ =	shalt  }

// kernel: gather_offload_async_start.5
scs
__scs_entry_jumppad:
0x0: {  	(pc) =	sbr.rel $0x88, $3  }
0x1: {  	(tag) =	ssettag $0x0;
	lr =	simm.s32 $0x1  }
0x2: {  	[smem:$0x3F6E] =	sst lr;
	_ =	strace $0xD0000000  }
0x3: {  	_ = 	snop  }
0x4: {  	_ = 	snop  }
0x5: {  	_ = 	snop  }
0x6: {  	_ = 	snop  }
0x7: {  	_ = 	snop  }
__scs_overlays_trampoline_lowered:
0x8: {  	[smem:$0x3F7D] =	sst s0  }
0x9: {  	[smem:$0x3F7E] =	sst s1  }
0xa: {  	[smem:$0x3F7F] =	sst s2  }
0xb: {  	[smem:$0x3F80] =	sst s3  }
0xc: {  	[smem:$0x3F81] =	sst s4  }
0xd: {  	[smem:$0x3F82] =	sst s5  }
0xe: {  	[smem:$0x3F83] =	sst s6  }
0xf: {  	[smem:$0x3F84] =	sst s7  }
0x10: {  	[smem:$0x3F85] =	sst s8  }
0x11: {  	[smem:$0x3F86] =	sst s9;
	s0 =	simm.s32 @!p0 $0x0  }
0x12: {  	s1 =	sld [smem:$0x3F6C];
	s0 =	simm.s32 @p0 $0x1  }
0x13: {  	[smem:$0x3F87] =	sst s0;
	s0 =	simm.s32 @!p1 $0x0  }
0x14: {  	s2 =	sld [smem:$0x3F6B];
	s0 =	simm.s32 @p1 $0x1  }
0x15: {  	[smem:$0x3F88] =	sst s0;
	s0 =	simm.s32 @!p2 $0x0  }
0x16: {  	s3 =	sld [smem:$0x3FDB];
	s0 =	simm.s32 @p2 $0x1  }
0x17: {  	s4 =	simm.s32 $0x1BF5;
	[smem:$0x3F8A] =	sst s0  }
0x18: {  	s0 =	sld [smem:$0x3F6D];
	_ =	swait.ge [sflag:s4], $0x0  }
0x19: {  	s7 =	sld [smem:$0x3F6E]  }
0x1a: {  	s8 =	sadd.s32 $0xFFFFE003, lr  }
0x1b: {  	s9 =	sadd.s32 $0xFFFFFEF7, lr;
	s5 =	simm.s32 $0xFFFFFFFF;
	p2 =	slt.u32 s8, $0xFFFFF086  }
0x1c: {  	p1 =	slt.u32 s9, $0xF7A;
	s5 =	simm.s32 @!p2 $0x0  }
0x1d: {  	s5 =	simm.s32 @p1 $0x1;
	p0 =	seq.s32 s7, s2  }
0x1e: {  	s7 =	smul.u32 @!p0 $0xF7A, s2;
	p2 =	seq.s32 @!p0 s5, $0x0  }
0x1f: {  	s9 =	smul.u32 $0xF7A, s1;
	s8 =	simm.s32 @!p0 $0x1BF5;
	p2 =	por !p2, p0  }
0x20: {  	[sflag:s8] =	ssyncset.s32 @!p0 $0xFFFFF086;
	s6 =	sadd.s32 @!p0 s3, s7;
	s7 =	simm.s32 @!p0 $0x108  }
0x21: {  	s3 =	sadd.s32 s3, s9;
	s6 =	sadd.s32 @!p0 $0x88, s6;
	s7 =	simm.s32 @p2 $0x1082  }
0x22: {  	[simem:s7], [sflag:s8] =	dma.local @!p0 [hbm:s6], $0xF7A  }
0x23: {  	s9 =	sor.u32 $0xD0000000, s2;
	s6 =	simm.s32 $0x108;
	_ =	swait.ge @!p0 [sflag:s8], $0x0  }
0x24: {  	s3 =	sadd.s32 $0x88, s3;
	s6 =	simm.s32 @!p1 $0x1082;
	[sflag:s4] =	ssyncset.s32 $0xFFFFF086  }
0x25: {  	[simem:s6], [sflag:s4] =	dma.local [hbm:s3], $0xF7A  }
0x26: {  	[smem:$0x3F6E] =	sst s1;
	(tag) =	ssettag s2;
	_ =	strace s9  }
0x27: {  	s1 =	sld [smem:$0x3F7E]  }
0x28: {  	s2 =	sld [smem:$0x3F7F]  }
0x29: {  	s4 =	sld [smem:$0x3F81]  }
0x2a: {  	p0 =	seq.s32 s5, $0x0;
	s5 =	sld [smem:$0x3F82]  }
0x2b: {  	s6 =	sld [smem:$0x3F83]  }
0x2c: {  	s7 =	sld [smem:$0x3F84]  }
0x2d: {  	s3 =	simm.s32 $0x108;
	s8 =	sld [smem:$0x3F85]  }
0x2e: {  	s3 =	simm.s32 @!p0 $0x1082;
	s9 =	sld [smem:$0x3F86]  }
0x2f: {  	lr =	sadd.s32 s0, s3;
	s0 =	sld [smem:$0x3F7D]  }
0x30: {  	s3 =	sld [smem:$0x3F80]  }
0x31: {  	[smem:$0x3F89] =	sst s10  }
0x32: {  	s10 =	sld [smem:$0x3F87];
	_ =	sdelay $0x3  }
0x33: {  	p0 =	seq.s32 s10, $0x1;
	s10 =	sld [smem:$0x3F89];
	_ =	sdelay $0x3  }
0x34: {  	[smem:$0x3F89] =	sst s10  }
0x35: {  	s10 =	sld [smem:$0x3F88];
	_ =	sdelay $0x3  }
0x36: {  	p1 =	seq.s32 s10, $0x1;
	s10 =	sld [smem:$0x3F89];
	_ =	sdelay $0x3  }
0x37: {  	[smem:$0x3F89] =	sst s10  }
0x38: {  	s10 =	sld [smem:$0x3F8A]  }
0x39: {  	_ = 	snop;
	(pc) =	sbr.ind lr, $3  }
0x3a: {  	_ = 	snop  }
0x3b: {  	_ = 	snop  }
0x3c: {  	p2 =	seq.s32 s10, $0x1;
	s10 =	sld [smem:$0x3F89]  }
0x3d: {  	_ =	shalt  }
0x3e: {  	_ =	shalt  }
0x3f: {  	_ =	shalt  }
0x40: {  	_ =	shalt  }
0x41: {  	_ =	shalt  }
0x42: {  	_ =	shalt  }
0x43: {  	_ =	shalt  }
0x44: {  	_ =	shalt  }
0x45: {  	_ =	shalt  }
0x46: {  	_ =	shalt  }
0x47: {  	_ =	shalt  }
0x48: {  	_ =	shalt  }
0x49: {  	_ =	shalt  }
0x4a: {  	_ =	shalt  }
0x4b: {  	_ =	shalt  }
0x4c: {  	_ =	shalt  }
0x4d: {  	_ =	shalt  }
0x4e: {  	_ =	shalt  }
0x4f: {  	_ =	shalt  }
0x50: {  	_ =	shalt  }
0x51: {  	_ =	shalt  }
0x52: {  	_ =	shalt  }
0x53: {  	_ =	shalt  }
0x54: {  	_ =	shalt  }
0x55: {  	_ =	shalt  }
0x56: {  	_ =	shalt  }
0x57: {  	_ =	shalt  }
0x58: {  	_ =	shalt  }
0x59: {  	_ =	shalt  }
0x5a: {  	_ =	shalt  }
0x5b: {  	_ =	shalt  }
0x5c: {  	_ =	shalt  }
0x5d: {  	_ =	shalt  }
0x5e: {  	_ =	shalt  }
0x5f: {  	_ =	shalt  }
0x60: {  	_ =	shalt  }
0x61: {  	_ =	shalt  }
0x62: {  	_ =	shalt  }
0x63: {  	_ =	shalt  }
0x64: {  	_ =	shalt  }
0x65: {  	_ =	shalt  }
0x66: {  	_ =	shalt  }
0x67: {  	_ =	shalt  }
0x68: {  	_ =	shalt  }
0x69: {  	_ =	shalt  }
0x6a: {  	_ =	shalt  }
0x6b: {  	_ =	shalt  }
0x6c: {  	_ =	shalt  }
0x6d: {  	_ =	shalt  }
0x6e: {  	_ =	shalt  }
0x6f: {  	_ =	shalt  }
0x70: {  	_ =	shalt  }
0x71: {  	_ =	shalt  }
0x72: {  	_ =	shalt  }
0x73: {  	_ =	shalt  }
0x74: {  	_ =	shalt  }
0x75: {  	_ =	shalt  }
0x76: {  	_ =	shalt  }
0x77: {  	_ =	shalt  }
0x78: {  	_ =	shalt  }
0x79: {  	_ =	shalt  }
0x7a: {  	_ =	shalt  }
0x7b: {  	_ =	shalt  }
0x7c: {  	_ =	shalt  }
0x7d: {  	_ =	shalt  }
0x7e: {  	_ =	shalt  }
0x7f: {  	_ =	shalt  }
0x80: {  	_ =	shalt  }
0x81: {  	_ =	shalt  }
0x82: {  	_ =	shalt  }
0x83: {  	_ =	shalt  }
0x84: {  	_ =	shalt  }
0x85: {  	_ =	shalt  }
0x86: {  	_ =	shalt  }
0x87: {  	_ =	shalt  }
.Lfunc_end0:
.L_simem_size_0:
called_computation.9_lowered:
.L_overlay_start_0:
0x88: {  	s2 =	sld [smem:$0x3FD9]  }
0x89: {  	s3 =	sld [smem:$0x3FFE];
	_ =	sdelay $0x1  }
0x8a: {  	s1 =	srdreg.scid  }
0x8b: {  	s0 =	sand.u32 $0x1, s1  }
0x8c: {  	s16 =	sshll.u32 s0, $0xA;
	s2 =	sadd.s32 s3, s2  }
0x8d: {  	s2 =	sadd.s32 s2, s16  }
0x8e: {  	[smem:$0x3F95] =	sst s2  }
0x8f: {  	_ = 	snop  }
0x90: {  	(tm) =	ssettm $0x1  }
0x91: {  	s17 =	sld [smem:$0x3FFB];
	_ =	sdelay $0x3  }
0x92: {  	_ =	strace s17  }
0x93: {  	s2 =	sld [smem:$0x3FFC];
	_ =	sdelay $0x3  }
0x94: {  	_ =	strace s2  }
0x95: {  	s2 =	sld [smem:$0x3FFD];
	_ =	sdelay $0x3  }
0x96: {  	_ =	strace s2  }
0x97: {  	_ =	strace $0x8FFFFFFF  }
0x98: {  	s18 =	sld [smem:$0x3FDB];
	_ =	sdelay $0x1  }
0x99: {  	s19 =	simm.s32 $_scs_section_size  }
0x9a: {  	s4 =	simm.s32 $_size__tile_overlayer_lowered;
	s5 =	simm.s32 $_tile_overlayer_lowered  }
0x9b: {  	s22 =	simm.s32 $0x1BFF;
	s21 =	sshll.u32 s5, $0x1;
	s2 =	sadd.s32 s19, s18  }
0x9c: {  	s6 =	simm.s32 $0x0;
	s20 =	sshll.u32 s4, $0x1;
	s4 =	sadd.s32 s21, s2  }
0x9d: {  	[timem:s6], [sflag:s22] =	dma.local [hbm:s4], s20  }
0x9e: {  	_ =	swait.ge [sflag:s22], s20  }
0x9f: {  	s3 =	ssub.s32 $0x0, s20;
	[sflag:s22] =	ssyncset.done $0x0  }
0xa0: {  	[sflag:s22] =	ssyncadd.s32 s3;
	_ =	sdelay $0x1  }
0xa1: {  	s23 =	simm.s32 $0x1B8B  }
0xa2: {  	_ =	swait.ge [sflag:s23], $0x1  }
0xa3: {  	[sflag:s23] =	ssyncset.done $0x0  }
0xa4: {  	s25 =	simm.s32 $0x1B8E;
	s24 =	sld [smem:$0x3FFE];
	[sflag:s23] =	ssyncadd.s32 $0xFFFFFFFF  }
0xa5: {  	s26 =	simm.s32 $execute0_lowered;
	[smem:$0x3FD2] =	sst s25  }
0xa6: {  	s4 =	sshll.u32 s26, $0x1;
	_ =	strace $0x80000061;
	[dreg:$0x1] =	wrdreg $0xFFFFFFFF  }
0xa7: {  	s28 =	simm.s32 $_size_execute0_lowered;
	s2 =	sadd.s32 s2, s4;
	[dreg:$0x0] =	wrdreg $0x0  }
0xa8: {  	s4 =	sshll.u32 s28, $0x1;
	[dreg:$0x2] =	wrdreg s2  }
0xa9: {  	[dreg:$0x3] =	wrdreg s4  }
0xaa: {  	[dreg:$0x4] =	wrdreg $0xC0  }
0xab: {  	_ =	task [dreg:s6], $0x5FFFF  }
0xac: {  	[dreg:$0x1] =	wrdreg $0xFFFFFFFF  }
0xad: {  	[dreg:$0x0] =	wrdreg $0x60  }
0xae: {  	[dreg:$0x2] =	wrdreg s24  }
0xaf: {  	[dreg:$0x3] =	wrdreg $0x9  }
0xb0: {  	_ =	task.clear_ibuf [dreg:s6], $0x4FFFF;
	_ =	strace $0x90000061  }
0xb1: {  	s29 =	simm.s32 $0x9;
	_ =	strace $0x80000063  }
0xb2: {  	_ =	swait.ge [sflag:s29], $0x1  }
0xb3: {  	[sflag:s29] =	ssyncadd.s32 $0xFFFFFFFF  }
0xb4: {  	_ =	strace $0x90000063  }
0xb5: {  	_ =	sfence  }
0xb6: {  	s30 =	sld [smem:$0x0];
	_ =	sdelay $0x2  }
0xb7: {  	s31 =	sshll.u32 s1, $0xD;
	s1 =	sshrl.u32 s1, $0x2  }
0xb8: {  	s3 =	sand.u32 $0x4000, s31;
	s1 =	sadd.s32 s1, s30  }
0xb9: {  	s0 =	sor.u32 s3, s0;
	s1 =	sshll.u32 s1, $0x11  }
0xba: {  	s0 =	sor.u32 s1, s0  }
0xbb: {  	s0 =	sadd.s32 $0x8F2B, s0  }
0xbc: {  	[sflag:s0] =	ssyncadd.remote.s32 $0x1  }
0xbd: {  	_ =	sfence.sel $0xFFFF  }
0xbe: {  	[dreg:$0x0] =	wrdreg $0xFFFFFFFF;
	(pc) =	sbr.abs _section_cstart, $3  }
0xbf: {  	[dreg:$0x1] =	wrdreg $0xFFFFFFFF  }
0xc0: {  	_ =	task.clear_ibuf [dreg:s6], $0x2FFFF;
	_ =	strace $0x9FFFFFFF  }
0xc1: {  	(tm) =	ssettm $0x7FFFFFFF  }
tec
execute0_lowered:
.L_overlay_start_1:
0x0: {  	(tag) =	ssettag $0x1  }
0x1: {  	s0 =	srdreg.scid  }
0x2: {  	s1 =	sshll.u32 s0, $0x4  }
0x3: {  	s0 =	stileid.u32;
	s1 =	sand.u32 $0x10, s1  }
0x4: {  	s2 =	sor.u32 s0, s1  }
0x5: {  	s9 =	rddreg [dreg:$0x0];
	s3 =	smin.u32 s2, $0x10  }
0x6: {  	s6 =	simm.s32 $0x1;
	s2 =	sshll.u32 s2, $0x5;
	s3 =	sshll.u32 s3, $0x4  }
0x7: {  	s7 =	simm.s32 $0x2;
	s1 =	sxor.u32 $0x30, s1;
	s2 =	sadd.s32 s2, s3  }
0x8: {  	s10 =	simm.s32 $0x3;
	s13 =	simm.s32 $0x0;
	s3 =	sadd.s32 s1, s2  }
0x9: {  	s12 =	simm.s32 $0x0;
	s4 =	sadd.s32 $0x41800, s9;
	s3 =	smin.u32 s3, $0x500  }
.Ltmp0:
0xa: {  	s5 =	sadd.s32 $0x2D000, s9;
	s8 =	ssub.s32 s3, s2;
	(pc) =	sbr.rel .LBB2_1-.Ltmp0, $4  }
0xb: {  	s1 =	rddreg [dreg:$0x1];
	_ =	strace $0x80000062;
	p0 =	sgt.s32 s8, $0x0  }
0xc: {  	s9 =	sadd.s32 $0x113C00, s9;
	[sflag:s6] =	ssyncpa.u1 $0x0;
	s8 =	simm.s32 @!p0 $0x0  }
0xd: {  	s11 =	smov.u32 s2;
	[sflag:s7] =	ssyncpa.u1 $0x0;
	s8 =	sshrl.u32 s8, $0x4  }
0xe: {  	vm0 =	vmmov $0xff;
	vm1 =	vcmask $0x3F20;
	[sflag:s10] =	ssyncpa.u1 $0x0;
	p0 =	por $0x0, $0x0;
	s10 =	sadd.s32 $0x1, s8  }
.LBB2_4:
0xf: {  	_ =	sdelay $0x3  }
0x10: {  	[tilespmem:s18], [sflag:$0x1] =	stream.indirect_vreg.gather [hbm:s4], $0x80, v0, vm1, $0x38;
	[tilespmem:$0x14020] =	vst v63  }
0x11: {  	s16 =	sshrl.u32 s13, $0x3;
	s31 =	sshll.u32 s13, $0x4  }
0x12: {  	_ =	swait.ge [sflag:s6], $0xA000;
	s13 =	sand.u32 $0x70, s31;
	s16 =	smul.u32 $0xA00, s16  }
0x13: {  	[sflag:s6] =	ssyncset.done $0x0;
	s13 =	sadd.s32 s9, s13  }
0x14: {  	[sflag:s6] =	ssyncadd.s32 $0xFFFF6000;
	s13 =	sadd.s32 s16, s13  }
0x15: {  	[hbm:s13] =	stream.linear.scatter [tilespmem:s15], [sflag:$0x3], $0x5000, $0x38;
	[tilespmem:$0x14020] =	vst v63  }
0x16: {  	s14 =	sadd.s32 $0x5020, s14;
	s13 =	sadd.s32 $0xA00, s13  }
0x17: {  	[hbm:s13] =	stream.linear.scatter [tilespmem:s14], [sflag:$0x3], $0x5000, $0x38;
	[tilespmem:$0x14020] =	vst v63  }
.LBB2_5:
0x18: {  	s13 =	sadd.s32 $0x10, s11  }
0x19: {  	s15 =	smov.u32 s2;
	p2 =	slt.s32 s13, s3  }
0x1a: {  	s15 =	smov.u32 @p2 s13;
	p2 =	sne.s32 s12, s10  }
.Ltmp1:
0x1b: {  	p1 =	slt.u32 s12, $0x2;
	(pc) =	sbr.rel @!p2 .LBB2_6-.Ltmp1, $4  }
0x1c: {  	s14 =	simm.s32 @!p1 $0x3  }
0x1d: {  	s16 =	sadd.s32 $0x1, s12;
	_ =	swait.ge @!p1 [sflag:s14], $0xA000  }
0x1e: {  	p0 =	por !p0, !p0;
	s13 =	smov.u32 s11;
	[sflag:s14] =	ssyncset.done @!p1 $0x0  }
0x1f: {  	s12 =	smov.u32 s16;
	s11 =	smov.u32 s15;
	[sflag:s14] =	ssyncadd.s32 @!p1 $0xFFFF6000  }
.LBB2_1:
0x20: {  	p1 =	sge.u32 s12, s8  }
0x21: {  	s14 =	sxor.u32 @!p1 $0xFFFFFFFF, s12  }
0x22: {  	s31 =	sadd.s32 $0xFFFFFFFF, s12;
	s15 =	sshrl.u32 @!p1 s11, $0x3;
	s14 =	sshll.u32 @!p1 s14, $0x4  }
0x23: {  	s16 =	sand.u32 @!p1 $0x7, s11;
	s15 =	sadd.s32 @!p1 s5, s15;
	s14 =	sand.u32 @!p1 $0x10, s14  }
0x24: {  	[tilespmem:s14], [sflag:$0x2] =	stream.linear.gather @!p1 [hbm4b:s15+s16], $0x10, $0x38;
	[tilespmem:$0x14020] =	vst v63  }
0x25: {  	p1 =	sge.u32 s31, s8  }
.Ltmp2:
0x26: {  	_ = 	snop;
	(pc) =	sbr.rel @p1 .LBB2_5-.Ltmp2, $1  }
0x27: {  	_ =	sdelay $0x3  }
0x28: {  	_ =	swait.ge [sflag:s7], $0x10  }
0x29: {  	s14 =	sand.u32 $0x1, s12;
	[sflag:s7] =	ssyncset.done $0x0  }
0x2a: {  	s15 =	sshll.u32 s14, $0x4;
	[sflag:s7] =	ssyncadd.s32 $0xFFFFFFF0  }
0x2b: {  	v0 =	vld.msk [tilespmem:s15+$0x0 ss:$0x1], $0xffff;
	_ =	sdelay $0x4  }
0x2c: {  	vm2 =	vgt.s32 v0, $0x0  }
0x2d: {  	v0 =	vnsel vm2, $0x0, v0  }
0x2e: {  	v0 =	vmin.u32 v0, $0x9FF  }
0x2f: {  	v1 =	vshrl.u32 v0, $0x3  }
0x30: {  	v0 =	vshll.u32 v0, $0x7;
	v1 =	vmul.u32 $0x5000, v1  }
0x31: {  	s15 =	simm.s32 $0x1;
	v0 =	vand.u32 $0x380, v0  }
0x32: {  	s15 =	simm.s32 @!p0 $0x0;
	v0 =	vor.u32 v0, v1  }
0x33: {  	s15 =	smul.u32 $0x28000, s15;
	v0 =	vshrl.u32 v0, $0x3;
	_ =	sdelay $0x1  }
0x34: {  	s14 =	smul.u32 $0x28000, s14;
	s15 =	sshrl.u32 s15, $0x2  }
0x35: {  	s16 =	sor.u32 $0x20, s15  }
0x36: {  	s14 =	sshrl.u32 s14, $0x2;
	s18 =	sadd.s32 $0x0, s16  }
0x37: {  	[tilespmem:s18], [sflag:$0x1] =	stream.indirect_vreg.gather [hbm:s4], $0x80, v0, vm0, $0x38;
	[tilespmem:$0x14020] =	vst v63  }
0x38: {  	s17 =	simm.s32 $0x1000;
	s15 =	sor.u32 $0x20, s14;
	v1 =	vadd.s32 $0x80, v0;
	s18 =	sadd.s32 $0x5000, s18  }
.LBB2_3:
0x39: {  	[tilespmem:s18], [sflag:$0x1] =	stream.indirect_vreg.gather [hbm:s4], $0x80, v0, vm1, $0x38;
	[tilespmem:$0x14020] =	vst v63  }
0x3a: {  	v0 =	vmov v1;
	s18 =	smov.u32 s17;
	p1 =	sne.s32 s17, $0x13000  }
.Ltmp3:
0x3b: {  	s17 =	sadd.s32 $0x1000, s17;
	(pc) =	sbr.rel @p1 .LBB2_3-.Ltmp3, $4  }
0x3c: {  	s18 =	sshra.s32 s18, $0x2  }
0x3d: {  	s18 =	sadd.s32 s18, s16  }
0x3e: {  	[tilespmem:s18], [sflag:$0x1] =	stream.indirect_vreg.gather [hbm:s4], $0x80, v1, vm0, $0x38;
	[tilespmem:$0x14020] =	vst v63  }
0x3f: {  	s18 =	sadd.s32 $0x5000, s18;
	v1 =	vadd.s32 $0x80, v1  }
.Ltmp4:
0x40: {  	_ = 	snop;
	(pc) =	sbr.rel .LBB2_4-.Ltmp4, $1  }
0x41: {  	_ =	sdelay $0x3  }
.LBB2_6:
0x42: {  	_ =	sfence.sel $0x180000  }
0x43: {  	s2 =	simm.s32 $0x2;
	[bflag:$0x0] =	sbarrier.arrive $0xFFFF  }
0x44: {  	s30 =	simm.s32 $0x3;
	[sflag:s2] =	ssyncpa.u1 $0x1  }
0x45: {  	s31 =	simm.s32 $0x1;
	[sflag:s30] =	ssyncpa.u1 $0x1  }
0x46: {  	[sflag:s31] =	ssyncpa.u1 $0x1  }
0x47: {  	p0 =	sne.s32 s0, $0x0;
	_ =	strace $0x90000062  }
0x48: {  	s0 =	sadd.s32 @!p0 $0x100000, s1;
	[bflag:$0x2] =	sbarrier.arrive $0xFFFF  }
0x49: {  	[sflag:s0] =	ssyncadd.tile.s32 @!p0 $0x1;
	_ =	shalt  }
.Lfunc_end2:
_tile_overlayer_lowered:
.L_overlay_start_2:
0x4a: {  	(tag) =	ssettag $0x2  }
0x4b: {  	s0 =	rddreg [dreg:$0x0];
	s2 =	stileid.u32  }
0x4c: {  	s1 =	rddreg [dreg:$0x1];
	p0 =	sne.s32 s2, $0x0  }
0x4d: {  	s3 =	rddreg [dreg:$0x2];
	[bflag:$0x3] =	sbarrier.arrive $0xFFFF;
	s2 =	simm.s32 @!p0 $0x1C01  }
0x4e: {  	[timem:s3], [sflag:s2] =	dma.local @!p0 [hbm:s0], s1  }
0x4f: {  	s0 =	simm.s32 @!p0 $0x1  }
0x50: {  	_ =	swait.ge @!p0 [sflag:s0], s1  }
0x51: {  	s1 =	ssub.s32 @!p0 $0x0, s1;
	[sflag:s0] =	ssyncset.done @!p0 $0x0  }
0x52: {  	[sflag:s0] =	ssyncadd.s32 @!p0 s1  }
0x53: {  	[bflag:$0x3] =	sbarrier.arrive $0xFFFF  }
0x54: {  	_ =	shalt  }

// kernel: gather_offload_async_start.6
scs
__scs_entry_jumppad:
0x0: {  	(pc) =	sbr.rel $0x88, $3  }
0x1: {  	(tag) =	ssettag $0x0;
	lr =	simm.s32 $0x1  }
0x2: {  	[smem:$0x3F6E] =	sst lr;
	_ =	strace $0xD0000000  }
0x3: {  	_ = 	snop  }
0x4: {  	_ = 	snop  }
0x5: {  	_ = 	snop  }
0x6: {  	_ = 	snop  }
0x7: {  	_ = 	snop  }
__scs_overlays_trampoline_lowered:
0x8: {  	[smem:$0x3F7D] =	sst s0  }
0x9: {  	[smem:$0x3F7E] =	sst s1  }
0xa: {  	[smem:$0x3F7F] =	sst s2  }
0xb: {  	[smem:$0x3F80] =	sst s3  }
0xc: {  	[smem:$0x3F81] =	sst s4  }
0xd: {  	[smem:$0x3F82] =	sst s5  }
0xe: {  	[smem:$0x3F83] =	sst s6  }
0xf: {  	[smem:$0x3F84] =	sst s7  }
0x10: {  	[smem:$0x3F85] =	sst s8  }
0x11: {  	[smem:$0x3F86] =	sst s9;
	s0 =	simm.s32 @!p0 $0x0  }
0x12: {  	s1 =	sld [smem:$0x3F6C];
	s0 =	simm.s32 @p0 $0x1  }
0x13: {  	[smem:$0x3F87] =	sst s0;
	s0 =	simm.s32 @!p1 $0x0  }
0x14: {  	s2 =	sld [smem:$0x3F6B];
	s0 =	simm.s32 @p1 $0x1  }
0x15: {  	[smem:$0x3F88] =	sst s0;
	s0 =	simm.s32 @!p2 $0x0  }
0x16: {  	s3 =	sld [smem:$0x3FDB];
	s0 =	simm.s32 @p2 $0x1  }
0x17: {  	s4 =	simm.s32 $0x1BF5;
	[smem:$0x3F8A] =	sst s0  }
0x18: {  	s0 =	sld [smem:$0x3F6D];
	_ =	swait.ge [sflag:s4], $0x0  }
0x19: {  	s7 =	sld [smem:$0x3F6E]  }
0x1a: {  	s8 =	sadd.s32 $0xFFFFE003, lr  }
0x1b: {  	s9 =	sadd.s32 $0xFFFFFEF7, lr;
	s5 =	simm.s32 $0xFFFFFFFF;
	p2 =	slt.u32 s8, $0xFFFFF086  }
0x1c: {  	p1 =	slt.u32 s9, $0xF7A;
	s5 =	simm.s32 @!p2 $0x0  }
0x1d: {  	s5 =	simm.s32 @p1 $0x1;
	p0 =	seq.s32 s7, s2  }
0x1e: {  	s7 =	smul.u32 @!p0 $0xF7A, s2;
	p2 =	seq.s32 @!p0 s5, $0x0  }
0x1f: {  	s9 =	smul.u32 $0xF7A, s1;
	s8 =	simm.s32 @!p0 $0x1BF5;
	p2 =	por !p2, p0  }
0x20: {  	[sflag:s8] =	ssyncset.s32 @!p0 $0xFFFFF086;
	s6 =	sadd.s32 @!p0 s3, s7;
	s7 =	simm.s32 @!p0 $0x108  }
0x21: {  	s3 =	sadd.s32 s3, s9;
	s6 =	sadd.s32 @!p0 $0x88, s6;
	s7 =	simm.s32 @p2 $0x1082  }
0x22: {  	[simem:s7], [sflag:s8] =	dma.local @!p0 [hbm:s6], $0xF7A  }
0x23: {  	s9 =	sor.u32 $0xD0000000, s2;
	s6 =	simm.s32 $0x108;
	_ =	swait.ge @!p0 [sflag:s8], $0x0  }
0x24: {  	s3 =	sadd.s32 $0x88, s3;
	s6 =	simm.s32 @!p1 $0x1082;
	[sflag:s4] =	ssyncset.s32 $0xFFFFF086  }
0x25: {  	[simem:s6], [sflag:s4] =	dma.local [hbm:s3], $0xF7A  }
0x26: {  	[smem:$0x3F6E] =	sst s1;
	(tag) =	ssettag s2;
	_ =	strace s9  }
0x27: {  	s1 =	sld [smem:$0x3F7E]  }
0x28: {  	s2 =	sld [smem:$0x3F7F]  }
0x29: {  	s4 =	sld [smem:$0x3F81]  }
0x2a: {  	p0 =	seq.s32 s5, $0x0;
	s5 =	sld [smem:$0x3F82]  }
0x2b: {  	s6 =	sld [smem:$0x3F83]  }
0x2c: {  	s7 =	sld [smem:$0x3F84]  }
0x2d: {  	s3 =	simm.s32 $0x108;
	s8 =	sld [smem:$0x3F85]  }
0x2e: {  	s3 =	simm.s32 @!p0 $0x1082;
	s9 =	sld [smem:$0x3F86]  }
0x2f: {  	lr =	sadd.s32 s0, s3;
	s0 =	sld [smem:$0x3F7D]  }
0x30: {  	s3 =	sld [smem:$0x3F80]  }
0x31: {  	[smem:$0x3F89] =	sst s10  }
0x32: {  	s10 =	sld [smem:$0x3F87];
	_ =	sdelay $0x3  }
0x33: {  	p0 =	seq.s32 s10, $0x1;
	s10 =	sld [smem:$0x3F89];
	_ =	sdelay $0x3  }
0x34: {  	[smem:$0x3F89] =	sst s10  }
0x35: {  	s10 =	sld [smem:$0x3F88];
	_ =	sdelay $0x3  }
0x36: {  	p1 =	seq.s32 s10, $0x1;
	s10 =	sld [smem:$0x3F89];
	_ =	sdelay $0x3  }
0x37: {  	[smem:$0x3F89] =	sst s10  }
0x38: {  	s10 =	sld [smem:$0x3F8A]  }
0x39: {  	_ = 	snop;
	(pc) =	sbr.ind lr, $3  }
0x3a: {  	_ = 	snop  }
0x3b: {  	_ = 	snop  }
0x3c: {  	p2 =	seq.s32 s10, $0x1;
	s10 =	sld [smem:$0x3F89]  }
0x3d: {  	_ =	shalt  }
0x3e: {  	_ =	shalt  }
0x3f: {  	_ =	shalt  }
0x40: {  	_ =	shalt  }
0x41: {  	_ =	shalt  }
0x42: {  	_ =	shalt  }
0x43: {  	_ =	shalt  }
0x44: {  	_ =	shalt  }
0x45: {  	_ =	shalt  }
0x46: {  	_ =	shalt  }
0x47: {  	_ =	shalt  }
0x48: {  	_ =	shalt  }
0x49: {  	_ =	shalt  }
0x4a: {  	_ =	shalt  }
0x4b: {  	_ =	shalt  }
0x4c: {  	_ =	shalt  }
0x4d: {  	_ =	shalt  }
0x4e: {  	_ =	shalt  }
0x4f: {  	_ =	shalt  }
0x50: {  	_ =	shalt  }
0x51: {  	_ =	shalt  }
0x52: {  	_ =	shalt  }
0x53: {  	_ =	shalt  }
0x54: {  	_ =	shalt  }
0x55: {  	_ =	shalt  }
0x56: {  	_ =	shalt  }
0x57: {  	_ =	shalt  }
0x58: {  	_ =	shalt  }
0x59: {  	_ =	shalt  }
0x5a: {  	_ =	shalt  }
0x5b: {  	_ =	shalt  }
0x5c: {  	_ =	shalt  }
0x5d: {  	_ =	shalt  }
0x5e: {  	_ =	shalt  }
0x5f: {  	_ =	shalt  }
0x60: {  	_ =	shalt  }
0x61: {  	_ =	shalt  }
0x62: {  	_ =	shalt  }
0x63: {  	_ =	shalt  }
0x64: {  	_ =	shalt  }
0x65: {  	_ =	shalt  }
0x66: {  	_ =	shalt  }
0x67: {  	_ =	shalt  }
0x68: {  	_ =	shalt  }
0x69: {  	_ =	shalt  }
0x6a: {  	_ =	shalt  }
0x6b: {  	_ =	shalt  }
0x6c: {  	_ =	shalt  }
0x6d: {  	_ =	shalt  }
0x6e: {  	_ =	shalt  }
0x6f: {  	_ =	shalt  }
0x70: {  	_ =	shalt  }
0x71: {  	_ =	shalt  }
0x72: {  	_ =	shalt  }
0x73: {  	_ =	shalt  }
0x74: {  	_ =	shalt  }
0x75: {  	_ =	shalt  }
0x76: {  	_ =	shalt  }
0x77: {  	_ =	shalt  }
0x78: {  	_ =	shalt  }
0x79: {  	_ =	shalt  }
0x7a: {  	_ =	shalt  }
0x7b: {  	_ =	shalt  }
0x7c: {  	_ =	shalt  }
0x7d: {  	_ =	shalt  }
0x7e: {  	_ =	shalt  }
0x7f: {  	_ =	shalt  }
0x80: {  	_ =	shalt  }
0x81: {  	_ =	shalt  }
0x82: {  	_ =	shalt  }
0x83: {  	_ =	shalt  }
0x84: {  	_ =	shalt  }
0x85: {  	_ =	shalt  }
0x86: {  	_ =	shalt  }
0x87: {  	_ =	shalt  }
.Lfunc_end0:
.L_simem_size_0:
called_computation.10_lowered:
.L_overlay_start_0:
0x88: {  	s2 =	sld [smem:$0x3FD9]  }
0x89: {  	s3 =	sld [smem:$0x3FFE];
	_ =	sdelay $0x1  }
0x8a: {  	s1 =	srdreg.scid  }
0x8b: {  	s0 =	sand.u32 $0x1, s1  }
0x8c: {  	s16 =	sshll.u32 s0, $0xA;
	s2 =	sadd.s32 s3, s2  }
0x8d: {  	s2 =	sadd.s32 s2, s16  }
0x8e: {  	[smem:$0x3F95] =	sst s2  }
0x8f: {  	_ = 	snop  }
0x90: {  	(tm) =	ssettm $0x1  }
0x91: {  	s17 =	sld [smem:$0x3FFB];
	_ =	sdelay $0x3  }
0x92: {  	_ =	strace s17  }
0x93: {  	s2 =	sld [smem:$0x3FFC];
	_ =	sdelay $0x3  }
0x94: {  	_ =	strace s2  }
0x95: {  	s2 =	sld [smem:$0x3FFD];
	_ =	sdelay $0x3  }
0x96: {  	_ =	strace s2  }
0x97: {  	_ =	strace $0x8FFFFFFF  }
0x98: {  	s18 =	sld [smem:$0x3FDB];
	_ =	sdelay $0x1  }
0x99: {  	s19 =	simm.s32 $_scs_section_size  }
0x9a: {  	s4 =	simm.s32 $_size__tile_overlayer_lowered;
	s5 =	simm.s32 $_tile_overlayer_lowered  }
0x9b: {  	s22 =	simm.s32 $0x1BFF;
	s21 =	sshll.u32 s5, $0x1;
	s2 =	sadd.s32 s19, s18  }
0x9c: {  	s6 =	simm.s32 $0x0;
	s20 =	sshll.u32 s4, $0x1;
	s4 =	sadd.s32 s21, s2  }
0x9d: {  	[timem:s6], [sflag:s22] =	dma.local [hbm:s4], s20  }
0x9e: {  	_ =	swait.ge [sflag:s22], s20  }
0x9f: {  	s3 =	ssub.s32 $0x0, s20;
	[sflag:s22] =	ssyncset.done $0x0  }
0xa0: {  	[sflag:s22] =	ssyncadd.s32 s3;
	_ =	sdelay $0x1  }
0xa1: {  	s23 =	simm.s32 $0x1B8B  }
0xa2: {  	_ =	swait.ge [sflag:s23], $0x1  }
0xa3: {  	[sflag:s23] =	ssyncset.done $0x0  }
0xa4: {  	s25 =	simm.s32 $0x1B8E;
	s24 =	sld [smem:$0x3FFE];
	[sflag:s23] =	ssyncadd.s32 $0xFFFFFFFF  }
0xa5: {  	s26 =	simm.s32 $execute0_lowered;
	[smem:$0x3FD2] =	sst s25  }
0xa6: {  	s4 =	sshll.u32 s26, $0x1;
	_ =	strace $0x80000064;
	[dreg:$0x1] =	wrdreg $0xFFFFFFFF  }
0xa7: {  	s28 =	simm.s32 $_size_execute0_lowered;
	s2 =	sadd.s32 s2, s4;
	[dreg:$0x0] =	wrdreg $0x0  }
0xa8: {  	s4 =	sshll.u32 s28, $0x1;
	[dreg:$0x2] =	wrdreg s2  }
0xa9: {  	[dreg:$0x3] =	wrdreg s4  }
0xaa: {  	[dreg:$0x4] =	wrdreg $0xC0  }
0xab: {  	_ =	task [dreg:s6], $0x5FFFF  }
0xac: {  	[dreg:$0x1] =	wrdreg $0xFFFFFFFF  }
0xad: {  	[dreg:$0x0] =	wrdreg $0x60  }
0xae: {  	[dreg:$0x2] =	wrdreg s24  }
0xaf: {  	[dreg:$0x3] =	wrdreg $0x9  }
0xb0: {  	_ =	task.clear_ibuf [dreg:s6], $0x4FFFF;
	_ =	strace $0x90000064  }
0xb1: {  	s29 =	simm.s32 $0x9;
	_ =	strace $0x80000066  }
0xb2: {  	_ =	swait.ge [sflag:s29], $0x1  }
0xb3: {  	[sflag:s29] =	ssyncadd.s32 $0xFFFFFFFF  }
0xb4: {  	_ =	strace $0x90000066  }
0xb5: {  	_ =	sfence  }
0xb6: {  	s30 =	sld [smem:$0x0];
	_ =	sdelay $0x2  }
0xb7: {  	s31 =	sshll.u32 s1, $0xD;
	s1 =	sshrl.u32 s1, $0x2  }
0xb8: {  	s3 =	sand.u32 $0x4000, s31;
	s1 =	sadd.s32 s1, s30  }
0xb9: {  	s0 =	sor.u32 s3, s0;
	s1 =	sshll.u32 s1, $0x11  }
0xba: {  	s0 =	sor.u32 s1, s0  }
0xbb: {  	s0 =	sadd.s32 $0x8F2B, s0  }
0xbc: {  	[sflag:s0] =	ssyncadd.remote.s32 $0x1  }
0xbd: {  	_ =	sfence.sel $0xFFFF  }
0xbe: {  	[dreg:$0x0] =	wrdreg $0xFFFFFFFF;
	(pc) =	sbr.abs _section_cstart, $3  }
0xbf: {  	[dreg:$0x1] =	wrdreg $0xFFFFFFFF  }
0xc0: {  	_ =	task.clear_ibuf [dreg:s6], $0x2FFFF;
	_ =	strace $0x9FFFFFFF  }
0xc1: {  	(tm) =	ssettm $0x7FFFFFFF  }
tec
execute0_lowered:
.L_overlay_start_1:
0x0: {  	(tag) =	ssettag $0x1  }
0x1: {  	s0 =	srdreg.scid  }
0x2: {  	s1 =	sshll.u32 s0, $0x4  }
0x3: {  	s0 =	stileid.u32;
	s1 =	sand.u32 $0x10, s1  }
0x4: {  	s1 =	sor.u32 s0, s1  }
0x5: {  	s9 =	rddreg [dreg:$0x0];
	s6 =	simm.s32 $0x1;
	s2 =	smin.u32 s1, $0x8  }
0x6: {  	p0 =	slt.u32 s1, $0x8;
	s2 =	sadd.s32 s1, s2;
	s1 =	simm.s32 $0x40  }
0x7: {  	s7 =	simm.s32 $0x2;
	s2 =	sshll.u32 s2, $0x5;
	s1 =	simm.s32 @!p0 $0x20  }
0x8: {  	s10 =	simm.s32 $0x3;
	s13 =	simm.s32 $0x0;
	s3 =	sadd.s32 s1, s2  }
0x9: {  	s12 =	simm.s32 $0x0;
	s4 =	sadd.s32 $0x113C00, s9;
	s3 =	smin.u32 s3, $0x500  }
.Ltmp0:
0xa: {  	s5 =	sadd.s32 $0x2D000, s9;
	s8 =	ssub.s32 s3, s2;
	(pc) =	sbr.rel .LBB2_1-.Ltmp0, $4  }
0xb: {  	s1 =	rddreg [dreg:$0x1];
	_ =	strace $0x80000065;
	p0 =	sgt.s32 s8, $0x0  }
0xc: {  	s9 =	sadd.s32 $0x178200, s9;
	[sflag:s6] =	ssyncpa.u1 $0x0;
	s8 =	simm.s32 @!p0 $0x0  }
0xd: {  	s11 =	smov.u32 s2;
	[sflag:s7] =	ssyncpa.u1 $0x0;
	s8 =	sshrl.u32 s8, $0x5  }
0xe: {  	vm0 =	vmmov $0xff;
	vm1 =	vcmask $0x3F20;
	[sflag:s10] =	ssyncpa.u1 $0x0;
	p0 =	por $0x0, $0x0;
	s10 =	sadd.s32 $0x1, s8  }
.LBB2_9:
0xf: {  	s13 =	sadd.s32 $0x20, s11  }
0x10: {  	s15 =	smov.u32 s2;
	p2 =	slt.s32 s13, s3  }
0x11: {  	s15 =	smov.u32 @p2 s13;
	p2 =	sne.s32 s12, s10  }
.Ltmp1:
0x12: {  	p1 =	slt.u32 s12, $0x2;
	(pc) =	sbr.rel @!p2 .LBB2_10-.Ltmp1, $4  }
0x13: {  	s14 =	simm.s32 @!p1 $0x3  }
0x14: {  	s16 =	sadd.s32 $0x1, s12;
	_ =	swait.ge @!p1 [sflag:s14], $0xA000  }
0x15: {  	p0 =	por !p0, !p0;
	s13 =	smov.u32 s11;
	[sflag:s14] =	ssyncset.done @!p1 $0x0  }
0x16: {  	s12 =	smov.u32 s16;
	s11 =	smov.u32 s15;
	[sflag:s14] =	ssyncadd.s32 @!p1 $0xFFFF6000  }
.LBB2_1:
0x17: {  	p1 =	sge.u32 s12, s8  }
0x18: {  	s14 =	sxor.u32 @!p1 $0xFFFFFFFF, s12  }
0x19: {  	s31 =	sadd.s32 $0xFFFFFFFF, s12;
	s15 =	sshrl.u32 @!p1 s11, $0x3;
	s14 =	sshll.u32 @!p1 s14, $0x5  }
0x1a: {  	s16 =	sand.u32 @!p1 $0x7, s11;
	s15 =	sadd.s32 @!p1 s5, s15;
	s14 =	sand.u32 @!p1 $0x20, s14  }
0x1b: {  	[tilespmem:s14], [sflag:$0x2] =	stream.linear.gather @!p1 [hbm4b:s15+s16], $0x20, $0x38;
	[tilespmem:$0x14040] =	vst v63  }
0x1c: {  	p1 =	sge.u32 s31, s8  }
.Ltmp2:
0x1d: {  	_ = 	snop;
	(pc) =	sbr.rel @p1 .LBB2_9-.Ltmp2, $1  }
0x1e: {  	_ =	sdelay $0x3  }
0x1f: {  	s14 =	simm.s32 $0x1  }
0x20: {  	s14 =	simm.s32 @!p0 $0x0  }
0x21: {  	_ =	swait.ge [sflag:s7], $0x20;
	s14 =	smul.u32 $0x28000, s14  }
0x22: {  	s15 =	sand.u32 $0x1, s12;
	s17 =	simm.s32 $0x0;
	p2 =	por $0x1, $0x1  }
0x23: {  	[sflag:s7] =	ssyncset.done $0x0;
	s15 =	sshll.u32 s15, $0x5;
	s16 =	sshrl.u32 s14, $0x2  }
0x24: {  	[sflag:s7] =	ssyncadd.s32 $0xFFFFFFE0;
	s14 =	sor.u32 $0x40, s16;
	s16 =	sadd.s32 $0x40, s16  }
.LBB2_3:
0x25: {  	s18 =	sshll.u32 s17, $0x4  }
0x26: {  	s18 =	sand.u32 $0x3FFFFFF0, s18  }
0x27: {  	s18 =	sadd.s32 s18, s15  }
0x28: {  	v0 =	vld.msk [tilespmem:s18+$0x0 ss:$0x1], $0xffff;
	_ =	sdelay $0x4  }
0x29: {  	vm2 =	vgt.s32 v0, $0x0  }
0x2a: {  	v0 =	vnsel vm2, $0x0, v0  }
0x2b: {  	v0 =	vmin.u32 v0, $0x9FF  }
0x2c: {  	v1 =	vshrl.u32 v0, $0x3  }
0x2d: {  	v0 =	vshll.u32 v0, $0x7;
	v1 =	vmul.u32 $0x2800, v1  }
0x2e: {  	v0 =	vand.u32 $0x380, v0  }
0x2f: {  	v0 =	vor.u32 v0, v1  }
0x30: {  	s31 =	smul.u32 $0x14000, s17;
	v0 =	vshrl.u32 v0, $0x3;
	_ =	sdelay $0x1  }
0x31: {  	s17 =	sshra.s32 s31, $0x2  }
0x32: {  	s17 =	sadd.s32 s17, s16  }
0x33: {  	s19 =	sadd.s32 $0x0, s17  }
0x34: {  	[tilespmem:s19], [sflag:$0x1] =	stream.indirect_vreg.gather [hbm:s4], $0x80, v0, vm0, $0x38;
	[tilespmem:$0x14040] =	vst v63  }
0x35: {  	p1 =	por p2, p2;
	s18 =	simm.s32 $0x1000;
	v1 =	vadd.s32 $0x80, v0;
	s19 =	sadd.s32 $0x2800, s19  }
.LBB2_4:
0x36: {  	[tilespmem:s19], [sflag:$0x1] =	stream.indirect_vreg.gather [hbm:s4], $0x80, v0, vm1, $0x38;
	[tilespmem:$0x14040] =	vst v63  }
0x37: {  	v0 =	vmov v1;
	s19 =	smov.u32 s18;
	p2 =	sne.s32 s18, $0x9000  }
.Ltmp3:
0x38: {  	s18 =	sadd.s32 $0x1000, s18;
	(pc) =	sbr.rel @p2 .LBB2_4-.Ltmp3, $4  }
0x39: {  	s19 =	sshra.s32 s19, $0x2  }
0x3a: {  	s19 =	sadd.s32 s19, s17  }
0x3b: {  	[tilespmem:s19], [sflag:$0x1] =	stream.indirect_vreg.gather [hbm:s4], $0x80, v1, vm0, $0x38;
	[tilespmem:$0x14040] =	vst v63  }
0x3c: {  	s19 =	sadd.s32 $0x2800, s19;
	v1 =	vadd.s32 $0x80, v1  }
0x3d: {  	_ = 	snop  }
.Ltmp4:
0x3e: {  	_ = 	snop;
	(pc) =	sbr.rel @p1 .LBB2_3-.Ltmp4, $3  }
0x3f: {  	_ =	sdelay $0x1  }
0x40: {  	[tilespmem:s19], [sflag:$0x1] =	stream.indirect_vreg.gather [hbm:s4], $0x80, v0, vm1, $0x38;
	[tilespmem:$0x14040] =	vst v63  }
0x41: {  	s17 =	simm.s32 $0x1;
	p2 =	por $0x0, $0x0  }
0x42: {  	s15 =	sshrl.u32 s13, $0x3  }
0x43: {  	s15 =	smul.u32 $0x500, s15  }
0x44: {  	s31 =	sshll.u32 s13, $0x4  }
0x45: {  	_ =	swait.ge [sflag:s6], $0xA000;
	s13 =	sand.u32 $0x70, s31;
	s15 =	sadd.s32 s15, s9  }
0x46: {  	s16 =	sadd.s32 $0x2800, s14;
	[sflag:s6] =	ssyncset.done $0x0;
	s13 =	sadd.s32 s13, s15  }
0x47: {  	[sflag:s6] =	ssyncadd.s32 $0xFFFF6000;
	s15 =	simm.s32 $0x500;
	s17 =	sadd.s32 $0x0, s13  }
.LBB2_7:
0x48: {  	[hbm:s17] =	stream.linear.scatter [tilespmem:s14], [sflag:$0x3], $0x2800, $0x38;
	[tilespmem:$0x14040] =	vst v63  }
0x49: {  	s17 =	smov.u32 s15;
	s14 =	smov.u32 s16;
	p1 =	sne.s32 s15, $0xF00  }
.Ltmp5:
0x4a: {  	s15 =	sadd.s32 $0x500, s15;
	(pc) =	sbr.rel @p1 .LBB2_7-.Ltmp5, $2  }
0x4b: {  	_ =	sdelay $0x2  }
0x4c: {  	s16 =	sadd.s32 $0x2800, s16;
	s17 =	sadd.s32 s17, s13  }
.Ltmp6:
0x4d: {  	(pc) =	sbr.rel .LBB2_9-.Ltmp6, $2  }
0x4e: {  	_ =	sdelay $0x2  }
0x4f: {  	[hbm:s17] =	stream.linear.scatter [tilespmem:s14], [sflag:$0x3], $0x2800, $0x38;
	[tilespmem:$0x14040] =	vst v63  }
.LBB2_10:
0x50: {  	_ =	sfence.sel $0x180000  }
0x51: {  	s2 =	simm.s32 $0x2;
	[bflag:$0x0] =	sbarrier.arrive $0xFFFF  }
0x52: {  	s30 =	simm.s32 $0x3;
	[sflag:s2] =	ssyncpa.u1 $0x1  }
0x53: {  	s31 =	simm.s32 $0x1;
	[sflag:s30] =	ssyncpa.u1 $0x1  }
0x54: {  	[sflag:s31] =	ssyncpa.u1 $0x1  }
0x55: {  	p0 =	sne.s32 s0, $0x0;
	_ =	strace $0x90000065  }
0x56: {  	s0 =	sadd.s32 @!p0 $0x100000, s1;
	[bflag:$0x2] =	sbarrier.arrive $0xFFFF  }
0x57: {  	[sflag:s0] =	ssyncadd.tile.s32 @!p0 $0x1;
	_ =	shalt  }
.Lfunc_end2:
_tile_overlayer_lowered:
.L_overlay_start_2:
0x58: {  	(tag) =	ssettag $0x2  }
0x59: {  	s0 =	rddreg [dreg:$0x0];
	s2 =	stileid.u32  }
0x5a: {  	s1 =	rddreg [dreg:$0x1];
	p0 =	sne.s32 s2, $0x0  }
0x5b: {  	s3 =	rddreg [dreg:$0x2];
	[bflag:$0x3] =	sbarrier.arrive $0xFFFF;
	s2 =	simm.s32 @!p0 $0x1C01  }
0x5c: {  	[timem:s3], [sflag:s2] =	dma.local @!p0 [hbm:s0], s1  }
0x5d: {  	s0 =	simm.s32 @!p0 $0x1  }
0x5e: {  	_ =	swait.ge @!p0 [sflag:s0], s1  }
0x5f: {  	s1 =	ssub.s32 @!p0 $0x0, s1;
	[sflag:s0] =	ssyncset.done @!p0 $0x0  }
0x60: {  	[sflag:s0] =	ssyncadd.s32 @!p0 s1  }
0x61: {  	[bflag:$0x3] =	sbarrier.arrive $0xFFFF  }
0x62: {  	_ =	shalt  }

// kernel: gather_offload_async_start
scs
__scs_entry_jumppad:
0x0: {  	(pc) =	sbr.rel $0x88, $3  }
0x1: {  	(tag) =	ssettag $0x0;
	lr =	simm.s32 $0x1  }
0x2: {  	[smem:$0x3F6E] =	sst lr;
	_ =	strace $0xD0000000  }
0x3: {  	_ = 	snop  }
0x4: {  	_ = 	snop  }
0x5: {  	_ = 	snop  }
0x6: {  	_ = 	snop  }
0x7: {  	_ = 	snop  }
__scs_overlays_trampoline_lowered:
0x8: {  	[smem:$0x3F7D] =	sst s0  }
0x9: {  	[smem:$0x3F7E] =	sst s1  }
0xa: {  	[smem:$0x3F7F] =	sst s2  }
0xb: {  	[smem:$0x3F80] =	sst s3  }
0xc: {  	[smem:$0x3F81] =	sst s4  }
0xd: {  	[smem:$0x3F82] =	sst s5  }
0xe: {  	[smem:$0x3F83] =	sst s6  }
0xf: {  	[smem:$0x3F84] =	sst s7  }
0x10: {  	[smem:$0x3F85] =	sst s8  }
0x11: {  	[smem:$0x3F86] =	sst s9;
	s0 =	simm.s32 @!p0 $0x0  }
0x12: {  	s1 =	sld [smem:$0x3F6C];
	s0 =	simm.s32 @p0 $0x1  }
0x13: {  	[smem:$0x3F87] =	sst s0;
	s0 =	simm.s32 @!p1 $0x0  }
0x14: {  	s2 =	sld [smem:$0x3F6B];
	s0 =	simm.s32 @p1 $0x1  }
0x15: {  	[smem:$0x3F88] =	sst s0;
	s0 =	simm.s32 @!p2 $0x0  }
0x16: {  	s3 =	sld [smem:$0x3FDB];
	s0 =	simm.s32 @p2 $0x1  }
0x17: {  	s4 =	simm.s32 $0x1BF5;
	[smem:$0x3F8A] =	sst s0  }
0x18: {  	s0 =	sld [smem:$0x3F6D];
	_ =	swait.ge [sflag:s4], $0x0  }
0x19: {  	s7 =	sld [smem:$0x3F6E]  }
0x1a: {  	s8 =	sadd.s32 $0xFFFFE003, lr  }
0x1b: {  	s9 =	sadd.s32 $0xFFFFFEF7, lr;
	s5 =	simm.s32 $0xFFFFFFFF;
	p2 =	slt.u32 s8, $0xFFFFF086  }
0x1c: {  	p1 =	slt.u32 s9, $0xF7A;
	s5 =	simm.s32 @!p2 $0x0  }
0x1d: {  	s5 =	simm.s32 @p1 $0x1;
	p0 =	seq.s32 s7, s2  }
0x1e: {  	s7 =	smul.u32 @!p0 $0xF7A, s2;
	p2 =	seq.s32 @!p0 s5, $0x0  }
0x1f: {  	s9 =	smul.u32 $0xF7A, s1;
	s8 =	simm.s32 @!p0 $0x1BF5;
	p2 =	por !p2, p0  }
0x20: {  	[sflag:s8] =	ssyncset.s32 @!p0 $0xFFFFF086;
	s6 =	sadd.s32 @!p0 s3, s7;
	s7 =	simm.s32 @!p0 $0x108  }
0x21: {  	s3 =	sadd.s32 s3, s9;
	s6 =	sadd.s32 @!p0 $0x88, s6;
	s7 =	simm.s32 @p2 $0x1082  }
0x22: {  	[simem:s7], [sflag:s8] =	dma.local @!p0 [hbm:s6], $0xF7A  }
0x23: {  	s9 =	sor.u32 $0xD0000000, s2;
	s6 =	simm.s32 $0x108;
	_ =	swait.ge @!p0 [sflag:s8], $0x0  }
0x24: {  	s3 =	sadd.s32 $0x88, s3;
	s6 =	simm.s32 @!p1 $0x1082;
	[sflag:s4] =	ssyncset.s32 $0xFFFFF086  }
0x25: {  	[simem:s6], [sflag:s4] =	dma.local [hbm:s3], $0xF7A  }
0x26: {  	[smem:$0x3F6E] =	sst s1;
	(tag) =	ssettag s2;
	_ =	strace s9  }
0x27: {  	s1 =	sld [smem:$0x3F7E]  }
0x28: {  	s2 =	sld [smem:$0x3F7F]  }
0x29: {  	s4 =	sld [smem:$0x3F81]  }
0x2a: {  	p0 =	seq.s32 s5, $0x0;
	s5 =	sld [smem:$0x3F82]  }
0x2b: {  	s6 =	sld [smem:$0x3F83]  }
0x2c: {  	s7 =	sld [smem:$0x3F84]  }
0x2d: {  	s3 =	simm.s32 $0x108;
	s8 =	sld [smem:$0x3F85]  }
0x2e: {  	s3 =	simm.s32 @!p0 $0x1082;
	s9 =	sld [smem:$0x3F86]  }
0x2f: {  	lr =	sadd.s32 s0, s3;
	s0 =	sld [smem:$0x3F7D]  }
0x30: {  	s3 =	sld [smem:$0x3F80]  }
0x31: {  	[smem:$0x3F89] =	sst s10  }
0x32: {  	s10 =	sld [smem:$0x3F87];
	_ =	sdelay $0x3  }
0x33: {  	p0 =	seq.s32 s10, $0x1;
	s10 =	sld [smem:$0x3F89];
	_ =	sdelay $0x3  }
0x34: {  	[smem:$0x3F89] =	sst s10  }
0x35: {  	s10 =	sld [smem:$0x3F88];
	_ =	sdelay $0x3  }
0x36: {  	p1 =	seq.s32 s10, $0x1;
	s10 =	sld [smem:$0x3F89];
	_ =	sdelay $0x3  }
0x37: {  	[smem:$0x3F89] =	sst s10  }
0x38: {  	s10 =	sld [smem:$0x3F8A]  }
0x39: {  	_ = 	snop;
	(pc) =	sbr.ind lr, $3  }
0x3a: {  	_ = 	snop  }
0x3b: {  	_ = 	snop  }
0x3c: {  	p2 =	seq.s32 s10, $0x1;
	s10 =	sld [smem:$0x3F89]  }
0x3d: {  	_ =	shalt  }
0x3e: {  	_ =	shalt  }
0x3f: {  	_ =	shalt  }
0x40: {  	_ =	shalt  }
0x41: {  	_ =	shalt  }
0x42: {  	_ =	shalt  }
0x43: {  	_ =	shalt  }
0x44: {  	_ =	shalt  }
0x45: {  	_ =	shalt  }
0x46: {  	_ =	shalt  }
0x47: {  	_ =	shalt  }
0x48: {  	_ =	shalt  }
0x49: {  	_ =	shalt  }
0x4a: {  	_ =	shalt  }
0x4b: {  	_ =	shalt  }
0x4c: {  	_ =	shalt  }
0x4d: {  	_ =	shalt  }
0x4e: {  	_ =	shalt  }
0x4f: {  	_ =	shalt  }
0x50: {  	_ =	shalt  }
0x51: {  	_ =	shalt  }
0x52: {  	_ =	shalt  }
0x53: {  	_ =	shalt  }
0x54: {  	_ =	shalt  }
0x55: {  	_ =	shalt  }
0x56: {  	_ =	shalt  }
0x57: {  	_ =	shalt  }
0x58: {  	_ =	shalt  }
0x59: {  	_ =	shalt  }
0x5a: {  	_ =	shalt  }
0x5b: {  	_ =	shalt  }
0x5c: {  	_ =	shalt  }
0x5d: {  	_ =	shalt  }
0x5e: {  	_ =	shalt  }
0x5f: {  	_ =	shalt  }
0x60: {  	_ =	shalt  }
0x61: {  	_ =	shalt  }
0x62: {  	_ =	shalt  }
0x63: {  	_ =	shalt  }
0x64: {  	_ =	shalt  }
0x65: {  	_ =	shalt  }
0x66: {  	_ =	shalt  }
0x67: {  	_ =	shalt  }
0x68: {  	_ =	shalt  }
0x69: {  	_ =	shalt  }
0x6a: {  	_ =	shalt  }
0x6b: {  	_ =	shalt  }
0x6c: {  	_ =	shalt  }
0x6d: {  	_ =	shalt  }
0x6e: {  	_ =	shalt  }
0x6f: {  	_ =	shalt  }
0x70: {  	_ =	shalt  }
0x71: {  	_ =	shalt  }
0x72: {  	_ =	shalt  }
0x73: {  	_ =	shalt  }
0x74: {  	_ =	shalt  }
0x75: {  	_ =	shalt  }
0x76: {  	_ =	shalt  }
0x77: {  	_ =	shalt  }
0x78: {  	_ =	shalt  }
0x79: {  	_ =	shalt  }
0x7a: {  	_ =	shalt  }
0x7b: {  	_ =	shalt  }
0x7c: {  	_ =	shalt  }
0x7d: {  	_ =	shalt  }
0x7e: {  	_ =	shalt  }
0x7f: {  	_ =	shalt  }
0x80: {  	_ =	shalt  }
0x81: {  	_ =	shalt  }
0x82: {  	_ =	shalt  }
0x83: {  	_ =	shalt  }
0x84: {  	_ =	shalt  }
0x85: {  	_ =	shalt  }
0x86: {  	_ =	shalt  }
0x87: {  	_ =	shalt  }
.Lfunc_end0:
.L_simem_size_0:
called_computation.4_lowered:
.L_overlay_start_0:
0x88: {  	s0 =	sld [smem:$0x3FD9]  }
0x89: {  	s1 =	sld [smem:$0x3FFE];
	_ =	sdelay $0x3  }
0x8a: {  	s0 =	sadd.s32 s1, s0  }
0x8b: {  	[smem:$0x3F95] =	sst s0  }
0x8c: {  	_ = 	snop  }
0x8d: {  	(tm) =	ssettm $0x1  }
0x8e: {  	s15 =	sld [smem:$0x3FFB];
	_ =	sdelay $0x3  }
0x8f: {  	_ =	strace s15  }
0x90: {  	s0 =	sld [smem:$0x3FFC];
	_ =	sdelay $0x3  }
0x91: {  	_ =	strace s0  }
0x92: {  	s0 =	sld [smem:$0x3FFD];
	_ =	sdelay $0x3  }
0x93: {  	_ =	strace s0  }
0x94: {  	_ =	strace $0x8FFFFFFF  }
0x95: {  	s16 =	sld [smem:$0x3FDB];
	_ =	sdelay $0x1  }
0x96: {  	s17 =	simm.s32 $_scs_section_size  }
0x97: {  	s2 =	simm.s32 $_size__tile_overlayer_lowered;
	s3 =	simm.s32 $_tile_overlayer_lowered  }
0x98: {  	s20 =	simm.s32 $0x1BFF;
	s19 =	sshll.u32 s3, $0x1;
	s0 =	sadd.s32 s17, s16  }
0x99: {  	s4 =	simm.s32 $0x0;
	s18 =	sshll.u32 s2, $0x1;
	s2 =	sadd.s32 s19, s0  }
0x9a: {  	[timem:s4], [sflag:s20] =	dma.local [hbm:s2], s18  }
0x9b: {  	_ =	swait.ge [sflag:s20], s18  }
0x9c: {  	s1 =	ssub.s32 $0x0, s18;
	[sflag:s20] =	ssyncset.done $0x0  }
0x9d: {  	[sflag:s20] =	ssyncadd.s32 s1;
	_ =	sdelay $0x1  }
0x9e: {  	s21 =	simm.s32 $0x1B8B  }
0x9f: {  	_ =	swait.ge [sflag:s21], $0x1  }
0xa0: {  	[sflag:s21] =	ssyncset.done $0x0  }
0xa1: {  	s23 =	simm.s32 $0x1B8E;
	s22 =	sld [smem:$0x3FFE];
	[sflag:s21] =	ssyncadd.s32 $0xFFFFFFFF  }
0xa2: {  	s24 =	simm.s32 $execute0_lowered;
	[smem:$0x3FD2] =	sst s23  }
0xa3: {  	s2 =	sshll.u32 s24, $0x1;
	_ =	strace $0x80000052;
	[dreg:$0x1] =	wrdreg $0xFFFFFFFF  }
0xa4: {  	s25 =	simm.s32 $_size_execute0_lowered;
	s0 =	sadd.s32 s0, s2;
	[dreg:$0x0] =	wrdreg $0x0  }
0xa5: {  	s2 =	sshll.u32 s25, $0x1;
	[dreg:$0x2] =	wrdreg s0  }
0xa6: {  	[dreg:$0x3] =	wrdreg s2  }
0xa7: {  	[dreg:$0x4] =	wrdreg $0xC0  }
0xa8: {  	_ =	task [dreg:s4], $0x5FFFF  }
0xa9: {  	[dreg:$0x1] =	wrdreg $0xFFFFFFFF  }
0xaa: {  	[dreg:$0x0] =	wrdreg $0x60  }
0xab: {  	[dreg:$0x2] =	wrdreg s22  }
0xac: {  	[dreg:$0x3] =	wrdreg $0x9  }
0xad: {  	_ =	task.clear_ibuf [dreg:s4], $0x4FFFF;
	_ =	strace $0x90000052  }
0xae: {  	s26 =	simm.s32 $0x9;
	_ =	strace $0x80000054  }
0xaf: {  	_ =	swait.ge [sflag:s26], $0x1  }
0xb0: {  	[sflag:s26] =	ssyncadd.s32 $0xFFFFFFFF  }
0xb1: {  	_ =	strace $0x90000054  }
0xb2: {  	_ =	sfence  }
0xb3: {  	s28 =	sld [smem:$0x0];
	_ =	sdelay $0x1  }
0xb4: {  	s29 =	srdreg.scid  }
0xb5: {  	s30 =	sshll.u32 s29, $0xD;
	s31 =	sshrl.u32 s29, $0x2  }
0xb6: {  	s1 =	sand.u32 $0x1, s29;
	s2 =	sand.u32 $0x4000, s30;
	s0 =	sadd.s32 s31, s28  }
0xb7: {  	s1 =	sor.u32 s2, s1;
	s0 =	sshll.u32 s0, $0x11  }
0xb8: {  	s0 =	sor.u32 s0, s1  }
0xb9: {  	s0 =	sadd.s32 $0x8F2B, s0  }
0xba: {  	[sflag:s0] =	ssyncadd.remote.s32 $0x1  }
0xbb: {  	_ =	sfence.sel $0xFFFF  }
0xbc: {  	[dreg:$0x0] =	wrdreg $0xFFFFFFFF;
	(pc) =	sbr.abs _section_cstart, $3  }
0xbd: {  	[dreg:$0x1] =	wrdreg $0xFFFFFFFF  }
0xbe: {  	_ =	task.clear_ibuf [dreg:s4], $0x2FFFF;
	_ =	strace $0x9FFFFFFF  }
0xbf: {  	(tm) =	ssettm $0x7FFFFFFF  }
tec
execute0_lowered:
.L_overlay_start_1:
0x0: {  	(tag) =	ssettag $0x1  }
0x1: {  	s0 =	stileid.u32  }
0x2: {  	s1 =	smin.u32 s0, $0x9  }
0x3: {  	s1 =	sadd.s32 s0, s1  }
0x4: {  	s2 =	simm.s32 $0x190;
	p0 =	slt.u32 s0, $0x9;
	s1 =	smul.u32 $0xC8, s1  }
0x5: {  	s2 =	simm.s32 @!p0 $0xC8  }
0x6: {  	s2 =	sadd.s32 s2, s1  }
0x7: {  	s3 =	smin.u32 s2, $0x1388  }
0x8: {  	s7 =	ssub.s32 s3, s1  }
0x9: {  	p0 =	sgt.s32 s7, $0x0  }
0xa: {  	s7 =	simm.s32 @!p0 $0x0  }
0xb: {  	s31 =	sand.u32 $0xFFF8, s7  }
0xc: {  	s2 =	sshrl.u32 s31, $0x3  }
0xd: {  	s4 =	smul.u32 $0x147B, s2  }
0xe: {  	s9 =	rddreg [dreg:$0x0];
	s6 =	simm.s32 $0x1;
	s11 =	simm.s32 $0x3  }
0xf: {  	s13 =	simm.s32 $0x0;
	s12 =	simm.s32 $0x0;
	s8 =	sshrl.u32 s4, $0x11  }
0x10: {  	s2 =	rddreg [dreg:$0x1];
	_ =	strace $0x80000053;
	s10 =	smul.u32 $0xC8, s8  }
.Ltmp0:
0x11: {  	s5 =	sadd.s32 $0x9B5000, s9;
	[sflag:s6] =	ssyncpa.u1 $0x0;
	(pc) =	sbr.rel .LBB2_1-.Ltmp0, $4  }
0x12: {  	s4 =	sadd.s32 $0x98DE00, s9;
	p0 =	sne.s32 s7, s10;
	s10 =	simm.s32 $0x1  }
0x13: {  	s9 =	sadd.s32 $0x9B5400, s9;
	s7 =	simm.s32 $0x2;
	s10 =	simm.s32 @!p0 $0x0  }
0x14: {  	[sflag:s7] =	ssyncpa.u1 $0x0;
	p0 =	por $0x0, $0x0;
	s8 =	sadd.s32 s8, s10  }
0x15: {  	vm0 =	vmmov $0xff;
	vm1 =	vcmask $0x3F20;
	[sflag:s11] =	ssyncpa.u1 $0x0;
	s11 =	smov.u32 s1;
	s10 =	sadd.s32 $0x1, s8  }
.LBB2_6:
0x16: {  	[hbm:s17] =	stream.linear.scatter [tilespmem:s14], [sflag:$0x3], $0x400, $0x38;
	[tilespmem:$0xC990] =	vst v63  }
.LBB2_7:
0x17: {  	s13 =	sadd.s32 $0xC8, s11  }
0x18: {  	s15 =	smov.u32 s1;
	p2 =	slt.s32 s13, s3  }
0x19: {  	s15 =	smov.u32 @p2 s13;
	p2 =	sne.s32 s12, s10  }
.Ltmp1:
0x1a: {  	p1 =	slt.u32 s12, $0x2;
	(pc) =	sbr.rel @!p2 .LBB2_8-.Ltmp1, $4  }
0x1b: {  	s14 =	simm.s32 @!p1 $0x3  }
0x1c: {  	s16 =	sadd.s32 $0x1, s12;
	_ =	swait.ge @!p1 [sflag:s14], $0x6400  }
0x1d: {  	p0 =	por !p0, !p0;
	s13 =	smov.u32 s11;
	[sflag:s14] =	ssyncset.done @!p1 $0x0  }
0x1e: {  	s12 =	smov.u32 s16;
	s11 =	smov.u32 s15;
	[sflag:s14] =	ssyncadd.s32 @!p1 $0xFFFF9C00  }
.LBB2_1:
0x1f: {  	p1 =	sge.u32 s12, s8  }
0x20: {  	s14 =	sxor.u32 @!p1 $0xFFFFFFFF, s12  }
0x21: {  	s14 =	sand.u32 @!p1 $0x1, s14  }
0x22: {  	s14 =	smul.u32 @!p1 $0x320, s14  }
0x23: {  	s31 =	sadd.s32 $0xFFFFFFFF, s12;
	s15 =	sshrl.u32 @!p1 s11, $0x3  }
0x24: {  	s16 =	sand.u32 @!p1 $0x7, s11;
	s15 =	sadd.s32 @!p1 s5, s15;
	s14 =	sshrl.u32 @!p1 s14, $0x2  }
0x25: {  	[tilespmem:s14], [sflag:$0x2] =	stream.linear.gather @!p1 [hbm4b:s15+s16], $0xC8, $0x38;
	[tilespmem:$0xC990] =	vst v63  }
0x26: {  	p1 =	sge.u32 s31, s8  }
.Ltmp2:
0x27: {  	_ = 	snop;
	(pc) =	sbr.rel @p1 .LBB2_7-.Ltmp2, $1  }
0x28: {  	_ =	sdelay $0x3  }
0x29: {  	s14 =	simm.s32 $0x1  }
0x2a: {  	s14 =	simm.s32 @!p0 $0x0  }
0x2b: {  	s15 =	smul.u32 $0x320, s14  }
0x2c: {  	_ =	swait.ge [sflag:s7], $0xC8  }
0x2d: {  	[sflag:s7] =	ssyncset.done $0x0;
	s16 =	sshrl.u32 s15, $0x2  }
0x2e: {  	[sflag:s7] =	ssyncadd.s32 $0xFFFFFF38;
	s15 =	sadd.s32 $0x0, s16  }
0x2f: {  	v0 =	vld.msk [tilespmem:s15+$0x0 ss:$0x1], $0xffff;
	_ =	sdelay $0x4  }
0x30: {  	vm2 =	vgt.s32 v0, $0x0  }
0x31: {  	v0 =	vnsel vm2, $0x0, v0  }
0x32: {  	v0 =	vmin.u32 v0, $0x270F  }
0x33: {  	v0 =	vshll.u32 v0, $0x4  }
0x34: {  	s14 =	smul.u32 $0x19000, s14  }
0x35: {  	s31 =	sand.u32 $0x1, s12  }
0x36: {  	s17 =	smul.u32 $0x320, s31;
	s14 =	sshrl.u32 s14, $0x2  }
0x37: {  	s19 =	smul.u32 $0x19000, s31;
	s14 =	sor.u32 $0x190, s14  }
0x38: {  	[tilespmem:s14], [sflag:$0x1] =	stream.indirect_vreg.gather [hbm:s4], $0x80, v0, vm0, $0x38;
	[tilespmem:$0xC990] =	vst v63  }
0x39: {  	s18 =	sshrl.u32 s17, $0x2;
	s20 =	sadd.s32 $0x10, s16;
	s15 =	sadd.s32 $0x400, s14  }
0x3a: {  	[tilespmem:s15], [sflag:$0x1] =	stream.indirect_vreg.gather [hbm:s4], $0x80, v0, vm1, $0x38;
	[tilespmem:$0xC990] =	vst v63  }
0x3b: {  	s17 =	sshrl.u32 s19, $0x2;
	s19 =	smov.u32 s14;
	v0 =	vld.msk [tilespmem:s20+$0x0 ss:$0x1], $0xffff;
	s20 =	simm.s32 $0x80  }
.LBB2_3:
0x3c: {  	p1 =	sne.s32 s20, $0x2C0;
	_ =	sdelay $0x4  }
0x3d: {  	vm2 =	vgt.s32 v0, $0x0  }
0x3e: {  	v0 =	vnsel vm2, $0x0, v0  }
0x3f: {  	v0 =	vmin.u32 v0, $0x270F  }
0x40: {  	v0 =	vshll.u32 v0, $0x4;
	_ =	sdelay $0x3  }
.Ltmp3:
0x41: {  	s21 =	sshra.s32 s20, $0x2;
	s19 =	sadd.s32 $0x800, s19;
	(pc) =	sbr.rel @p1 .LBB2_3-.Ltmp3, $4  }
0x42: {  	[tilespmem:s19], [sflag:$0x1] =	stream.indirect_vreg.gather [hbm:s4], $0x80, v0, vm0, $0x38;
	[tilespmem:$0xC990] =	vst v63  }
0x43: {  	s21 =	sadd.s32 s21, s16;
	s22 =	sadd.s32 $0x400, s19  }
0x44: {  	[tilespmem:s22], [sflag:$0x1] =	stream.indirect_vreg.gather [hbm:s4], $0x80, v0, vm1, $0x38;
	[tilespmem:$0xC990] =	vst v63  }
0x45: {  	s20 =	sadd.s32 $0x40, s20;
	v0 =	vld.msk [tilespmem:s21+$0x0 ss:$0x1], $0xffff  }
0x46: {  	_ =	sdelay $0x3  }
0x47: {  	vm2 =	vgt.s32 v0, $0x0  }
0x48: {  	v0 =	vnsel vm2, $0x0, v0  }
0x49: {  	v0 =	vmin.u32 v0, $0x270F  }
0x4a: {  	v0 =	vshll.u32 v0, $0x4;
	_ =	sdelay $0x3  }
0x4b: {  	s16 =	sadd.s32 $0x800, s19  }
0x4c: {  	[tilespmem:s16], [sflag:$0x1] =	stream.indirect_vreg.gather [hbm:s4], $0x80, v0, vm0, $0x38;
	[tilespmem:$0xC990] =	vst v63  }
0x4d: {  	s16 =	sadd.s32 $0x400, s16  }
0x4e: {  	[tilespmem:s16], [sflag:$0x1] =	stream.indirect_vreg.gather [hbm:s4], $0x80, v0, vm1, $0x38;
	[tilespmem:$0xC990] =	vst v63  }
0x4f: {  	v0 =	vld.msk [tilespmem:s18+$0xC0 ss:$0x1], $0xff;
	_ =	sdelay $0x4  }
0x50: {  	vm2 =	vgt.s32 v0, $0x0  }
0x51: {  	v0 =	vnsel vm2, $0x0, v0  }
0x52: {  	v0 =	vmin.u32 v0, $0x270F  }
0x53: {  	v0 =	vshll.u32 v0, $0x4;
	_ =	sdelay $0x3  }
0x54: {  	s31 =	sadd.s32 $0x6190, s17  }
0x55: {  	[tilespmem:s31], [sflag:$0x1] =	stream.indirect_vreg.gather [hbm:s4], $0x80, v0, vm0, $0x38;
	[tilespmem:$0xC990] =	vst v63  }
0x56: {  	s13 =	sshll.u32 s13, $0x4;
	_ =	swait.ge [sflag:s6], $0x6400  }
0x57: {  	s13 =	sadd.s32 s13, s9;
	[sflag:s6] =	ssyncset.done $0x0  }
0x58: {  	s17 =	sadd.s32 $0x0, s13;
	s16 =	simm.s32 $0x80;
	[sflag:s6] =	ssyncadd.s32 $0xFFFF9C00  }
.LBB2_5:
0x59: {  	[hbm:s17] =	stream.linear.scatter [tilespmem:s14], [sflag:$0x3], $0x400, $0x38;
	[tilespmem:$0xC990] =	vst v63  }
0x5a: {  	s17 =	smov.u32 s16;
	s14 =	smov.u32 s15;
	p1 =	sne.s32 s16, $0xC00  }
.Ltmp4:
0x5b: {  	s16 =	sadd.s32 $0x80, s16;
	(pc) =	sbr.rel @p1 .LBB2_5-.Ltmp4, $2  }
0x5c: {  	_ =	sdelay $0x2  }
0x5d: {  	s15 =	sadd.s32 $0x400, s15;
	s17 =	sadd.s32 s17, s13  }
.Ltmp5:
0x5e: {  	_ = 	snop;
	(pc) =	sbr.rel .LBB2_6-.Ltmp5, $1  }
0x5f: {  	_ =	sdelay $0x3  }
.LBB2_8:
0x60: {  	_ =	sfence.sel $0x180000  }
0x61: {  	s1 =	simm.s32 $0x2;
	[bflag:$0x0] =	sbarrier.arrive $0xFFFF  }
0x62: {  	s30 =	simm.s32 $0x3;
	[sflag:s1] =	ssyncpa.u1 $0x1  }
0x63: {  	s31 =	simm.s32 $0x1;
	[sflag:s30] =	ssyncpa.u1 $0x1  }
0x64: {  	[sflag:s31] =	ssyncpa.u1 $0x1  }
0x65: {  	p0 =	sne.s32 s0, $0x0;
	_ =	strace $0x90000053  }
0x66: {  	s0 =	sadd.s32 @!p0 $0x100000, s2;
	[bflag:$0x2] =	sbarrier.arrive $0xFFFF  }
0x67: {  	[sflag:s0] =	ssyncadd.tile.s32 @!p0 $0x1;
	_ =	shalt  }
.Lfunc_end2:
_tile_overlayer_lowered:
.L_overlay_start_2:
0x68: {  	(tag) =	ssettag $0x2  }
0x69: {  	s0 =	rddreg [dreg:$0x0];
	s2 =	stileid.u32  }
0x6a: {  	s1 =	rddreg [dreg:$0x1];
	p0 =	sne.s32 s2, $0x0  }
0x6b: {  	s3 =	rddreg [dreg:$0x2];
	[bflag:$0x3] =	sbarrier.arrive $0xFFFF;
	s2 =	simm.s32 @!p0 $0x1C01  }
0x6c: {  	[timem:s3], [sflag:s2] =	dma.local @!p0 [hbm:s0], s1  }
0x6d: {  	s0 =	simm.s32 @!p0 $0x1  }
0x6e: {  	_ =	swait.ge @!p0 [sflag:s0], s1  }
0x6f: {  	s1 =	ssub.s32 @!p0 $0x0, s1;
	[sflag:s0] =	ssyncset.done @!p0 $0x0  }
0x70: {  	[sflag:s0] =	ssyncadd.s32 @!p0 s1  }
0x71: {  	[bflag:$0x3] =	sbarrier.arrive $0xFFFF  }
0x72: {  	_ =	shalt  }

// kernel: scatter_offload_async_start
scs
__scs_entry_jumppad:
0x0: {  	(pc) =	sbr.rel $0x88, $3  }
0x1: {  	(tag) =	ssettag $0x0;
	lr =	simm.s32 $0x1  }
0x2: {  	[smem:$0x3F6E] =	sst lr;
	_ =	strace $0xD0000000  }
0x3: {  	_ = 	snop  }
0x4: {  	_ = 	snop  }
0x5: {  	_ = 	snop  }
0x6: {  	_ = 	snop  }
0x7: {  	_ = 	snop  }
__scs_overlays_trampoline_lowered:
0x8: {  	[smem:$0x3F7D] =	sst s0  }
0x9: {  	[smem:$0x3F7E] =	sst s1  }
0xa: {  	[smem:$0x3F7F] =	sst s2  }
0xb: {  	[smem:$0x3F80] =	sst s3  }
0xc: {  	[smem:$0x3F81] =	sst s4  }
0xd: {  	[smem:$0x3F82] =	sst s5  }
0xe: {  	[smem:$0x3F83] =	sst s6  }
0xf: {  	[smem:$0x3F84] =	sst s7  }
0x10: {  	[smem:$0x3F85] =	sst s8  }
0x11: {  	[smem:$0x3F86] =	sst s9;
	s0 =	simm.s32 @!p0 $0x0  }
0x12: {  	s1 =	sld [smem:$0x3F6C];
	s0 =	simm.s32 @p0 $0x1  }
0x13: {  	[smem:$0x3F87] =	sst s0;
	s0 =	simm.s32 @!p1 $0x0  }
0x14: {  	s2 =	sld [smem:$0x3F6B];
	s0 =	simm.s32 @p1 $0x1  }
0x15: {  	[smem:$0x3F88] =	sst s0;
	s0 =	simm.s32 @!p2 $0x0  }
0x16: {  	s3 =	sld [smem:$0x3FDB];
	s0 =	simm.s32 @p2 $0x1  }
0x17: {  	s4 =	simm.s32 $0x1BF5;
	[smem:$0x3F8A] =	sst s0  }
0x18: {  	s0 =	sld [smem:$0x3F6D];
	_ =	swait.ge [sflag:s4], $0x0  }
0x19: {  	s7 =	sld [smem:$0x3F6E]  }
0x1a: {  	s8 =	sadd.s32 $0xFFFFE003, lr  }
0x1b: {  	s9 =	sadd.s32 $0xFFFFFEF7, lr;
	s5 =	simm.s32 $0xFFFFFFFF;
	p2 =	slt.u32 s8, $0xFFFFF086  }
0x1c: {  	p1 =	slt.u32 s9, $0xF7A;
	s5 =	simm.s32 @!p2 $0x0  }
0x1d: {  	s5 =	simm.s32 @p1 $0x1;
	p0 =	seq.s32 s7, s2  }
0x1e: {  	s7 =	smul.u32 @!p0 $0xF7A, s2;
	p2 =	seq.s32 @!p0 s5, $0x0  }
0x1f: {  	s9 =	smul.u32 $0xF7A, s1;
	s8 =	simm.s32 @!p0 $0x1BF5;
	p2 =	por !p2, p0  }
0x20: {  	[sflag:s8] =	ssyncset.s32 @!p0 $0xFFFFF086;
	s6 =	sadd.s32 @!p0 s3, s7;
	s7 =	simm.s32 @!p0 $0x108  }
0x21: {  	s3 =	sadd.s32 s3, s9;
	s6 =	sadd.s32 @!p0 $0x88, s6;
	s7 =	simm.s32 @p2 $0x1082  }
0x22: {  	[simem:s7], [sflag:s8] =	dma.local @!p0 [hbm:s6], $0xF7A  }
0x23: {  	s9 =	sor.u32 $0xD0000000, s2;
	s6 =	simm.s32 $0x108;
	_ =	swait.ge @!p0 [sflag:s8], $0x0  }
0x24: {  	s3 =	sadd.s32 $0x88, s3;
	s6 =	simm.s32 @!p1 $0x1082;
	[sflag:s4] =	ssyncset.s32 $0xFFFFF086  }
0x25: {  	[simem:s6], [sflag:s4] =	dma.local [hbm:s3], $0xF7A  }
0x26: {  	[smem:$0x3F6E] =	sst s1;
	(tag) =	ssettag s2;
	_ =	strace s9  }
0x27: {  	s1 =	sld [smem:$0x3F7E]  }
0x28: {  	s2 =	sld [smem:$0x3F7F]  }
0x29: {  	s4 =	sld [smem:$0x3F81]  }
0x2a: {  	p0 =	seq.s32 s5, $0x0;
	s5 =	sld [smem:$0x3F82]  }
0x2b: {  	s6 =	sld [smem:$0x3F83]  }
0x2c: {  	s7 =	sld [smem:$0x3F84]  }
0x2d: {  	s3 =	simm.s32 $0x108;
	s8 =	sld [smem:$0x3F85]  }
0x2e: {  	s3 =	simm.s32 @!p0 $0x1082;
	s9 =	sld [smem:$0x3F86]  }
0x2f: {  	lr =	sadd.s32 s0, s3;
	s0 =	sld [smem:$0x3F7D]  }
0x30: {  	s3 =	sld [smem:$0x3F80]  }
0x31: {  	[smem:$0x3F89] =	sst s10  }
0x32: {  	s10 =	sld [smem:$0x3F87];
	_ =	sdelay $0x3  }
0x33: {  	p0 =	seq.s32 s10, $0x1;
	s10 =	sld [smem:$0x3F89];
	_ =	sdelay $0x3  }
0x34: {  	[smem:$0x3F89] =	sst s10  }
0x35: {  	s10 =	sld [smem:$0x3F88];
	_ =	sdelay $0x3  }
0x36: {  	p1 =	seq.s32 s10, $0x1;
	s10 =	sld [smem:$0x3F89];
	_ =	sdelay $0x3  }
0x37: {  	[smem:$0x3F89] =	sst s10  }
0x38: {  	s10 =	sld [smem:$0x3F8A]  }
0x39: {  	_ = 	snop;
	(pc) =	sbr.ind lr, $3  }
0x3a: {  	_ = 	snop  }
0x3b: {  	_ = 	snop  }
0x3c: {  	p2 =	seq.s32 s10, $0x1;
	s10 =	sld [smem:$0x3F89]  }
0x3d: {  	_ =	shalt  }
0x3e: {  	_ =	shalt  }
0x3f: {  	_ =	shalt  }
0x40: {  	_ =	shalt  }
0x41: {  	_ =	shalt  }
0x42: {  	_ =	shalt  }
0x43: {  	_ =	shalt  }
0x44: {  	_ =	shalt  }
0x45: {  	_ =	shalt  }
0x46: {  	_ =	shalt  }
0x47: {  	_ =	shalt  }
0x48: {  	_ =	shalt  }
0x49: {  	_ =	shalt  }
0x4a: {  	_ =	shalt  }
0x4b: {  	_ =	shalt  }
0x4c: {  	_ =	shalt  }
0x4d: {  	_ =	shalt  }
0x4e: {  	_ =	shalt  }
0x4f: {  	_ =	shalt  }
0x50: {  	_ =	shalt  }
0x51: {  	_ =	shalt  }
0x52: {  	_ =	shalt  }
0x53: {  	_ =	shalt  }
0x54: {  	_ =	shalt  }
0x55: {  	_ =	shalt  }
0x56: {  	_ =	shalt  }
0x57: {  	_ =	shalt  }
0x58: {  	_ =	shalt  }
0x59: {  	_ =	shalt  }
0x5a: {  	_ =	shalt  }
0x5b: {  	_ =	shalt  }
0x5c: {  	_ =	shalt  }
0x5d: {  	_ =	shalt  }
0x5e: {  	_ =	shalt  }
0x5f: {  	_ =	shalt  }
0x60: {  	_ =	shalt  }
0x61: {  	_ =	shalt  }
0x62: {  	_ =	shalt  }
0x63: {  	_ =	shalt  }
0x64: {  	_ =	shalt  }
0x65: {  	_ =	shalt  }
0x66: {  	_ =	shalt  }
0x67: {  	_ =	shalt  }
0x68: {  	_ =	shalt  }
0x69: {  	_ =	shalt  }
0x6a: {  	_ =	shalt  }
0x6b: {  	_ =	shalt  }
0x6c: {  	_ =	shalt  }
0x6d: {  	_ =	shalt  }
0x6e: {  	_ =	shalt  }
0x6f: {  	_ =	shalt  }
0x70: {  	_ =	shalt  }
0x71: {  	_ =	shalt  }
0x72: {  	_ =	shalt  }
0x73: {  	_ =	shalt  }
0x74: {  	_ =	shalt  }
0x75: {  	_ =	shalt  }
0x76: {  	_ =	shalt  }
0x77: {  	_ =	shalt  }
0x78: {  	_ =	shalt  }
0x79: {  	_ =	shalt  }
0x7a: {  	_ =	shalt  }
0x7b: {  	_ =	shalt  }
0x7c: {  	_ =	shalt  }
0x7d: {  	_ =	shalt  }
0x7e: {  	_ =	shalt  }
0x7f: {  	_ =	shalt  }
0x80: {  	_ =	shalt  }
0x81: {  	_ =	shalt  }
0x82: {  	_ =	shalt  }
0x83: {  	_ =	shalt  }
0x84: {  	_ =	shalt  }
0x85: {  	_ =	shalt  }
0x86: {  	_ =	shalt  }
0x87: {  	_ =	shalt  }
.Lfunc_end0:
.L_simem_size_0:
called_computation_lowered:
.L_overlay_start_0:
0x88: {  	s0 =	sld [smem:$0x3FD9]  }
0x89: {  	s1 =	sld [smem:$0x3FFE];
	_ =	sdelay $0x3  }
0x8a: {  	s0 =	sadd.s32 s1, s0  }
0x8b: {  	[smem:$0x3F95] =	sst s0  }
0x8c: {  	_ = 	snop  }
0x8d: {  	(tm) =	ssettm $0x1  }
0x8e: {  	s15 =	sld [smem:$0x3FFB];
	_ =	sdelay $0x3  }
0x8f: {  	_ =	strace s15  }
0x90: {  	s0 =	sld [smem:$0x3FFC];
	_ =	sdelay $0x3  }
0x91: {  	_ =	strace s0  }
0x92: {  	s0 =	sld [smem:$0x3FFD];
	_ =	sdelay $0x3  }
0x93: {  	_ =	strace s0  }
0x94: {  	_ =	strace $0x8FFFFFFF  }
0x95: {  	s16 =	sld [smem:$0x3FDB];
	_ =	sdelay $0x1  }
0x96: {  	s17 =	simm.s32 $_scs_section_size  }
0x97: {  	s2 =	simm.s32 $_size__tile_overlayer_lowered;
	s3 =	simm.s32 $_tile_overlayer_lowered  }
0x98: {  	s20 =	simm.s32 $0x1BFF;
	s19 =	sshll.u32 s3, $0x1;
	s0 =	sadd.s32 s17, s16  }
0x99: {  	s4 =	simm.s32 $0x0;
	s18 =	sshll.u32 s2, $0x1;
	s2 =	sadd.s32 s19, s0  }
0x9a: {  	[timem:s4], [sflag:s20] =	dma.local [hbm:s2], s18  }
0x9b: {  	_ =	swait.ge [sflag:s20], s18  }
0x9c: {  	s1 =	ssub.s32 $0x0, s18;
	[sflag:s20] =	ssyncset.done $0x0  }
0x9d: {  	[sflag:s20] =	ssyncadd.s32 s1;
	_ =	sdelay $0x1  }
0x9e: {  	s21 =	simm.s32 $0x1B8B  }
0x9f: {  	_ =	swait.ge [sflag:s21], $0x1  }
0xa0: {  	[sflag:s21] =	ssyncset.done $0x0  }
0xa1: {  	s23 =	simm.s32 $0x1B8E;
	s22 =	sld [smem:$0x3FFE];
	[sflag:s21] =	ssyncadd.s32 $0xFFFFFFFF  }
0xa2: {  	s24 =	simm.s32 $execute0_lowered;
	[smem:$0x3FD2] =	sst s23  }
0xa3: {  	s2 =	sshll.u32 s24, $0x1;
	_ =	strace $0x80000046;
	[dreg:$0x1] =	wrdreg $0xFFFFFFFF  }
0xa4: {  	s25 =	simm.s32 $_size_execute0_lowered;
	s0 =	sadd.s32 s0, s2;
	[dreg:$0x0] =	wrdreg $0x0  }
0xa5: {  	s2 =	sshll.u32 s25, $0x1;
	[dreg:$0x2] =	wrdreg s0  }
0xa6: {  	[dreg:$0x3] =	wrdreg s2  }
0xa7: {  	[dreg:$0x4] =	wrdreg $0xC0  }
0xa8: {  	_ =	task [dreg:s4], $0x5FFFF  }
0xa9: {  	[dreg:$0x1] =	wrdreg $0xFFFFFFFF  }
0xaa: {  	[dreg:$0x0] =	wrdreg $0x60  }
0xab: {  	[dreg:$0x2] =	wrdreg s22  }
0xac: {  	[dreg:$0x3] =	wrdreg $0x9  }
0xad: {  	_ =	task.clear_ibuf [dreg:s4], $0x4FFFF;
	_ =	strace $0x90000046  }
0xae: {  	s26 =	simm.s32 $0x9;
	_ =	strace $0x80000048  }
0xaf: {  	_ =	swait.ge [sflag:s26], $0x1  }
0xb0: {  	[sflag:s26] =	ssyncadd.s32 $0xFFFFFFFF  }
0xb1: {  	_ =	strace $0x90000048  }
0xb2: {  	_ =	sfence  }
0xb3: {  	s28 =	sld [smem:$0x0];
	_ =	sdelay $0x1  }
0xb4: {  	s29 =	srdreg.scid  }
0xb5: {  	s30 =	sshll.u32 s29, $0xD;
	s31 =	sshrl.u32 s29, $0x2  }
0xb6: {  	s1 =	sand.u32 $0x1, s29;
	s2 =	sand.u32 $0x4000, s30;
	s0 =	sadd.s32 s31, s28  }
0xb7: {  	s1 =	sor.u32 s2, s1;
	s0 =	sshll.u32 s0, $0x11  }
0xb8: {  	s0 =	sor.u32 s0, s1  }
0xb9: {  	s0 =	sadd.s32 $0x8F2B, s0  }
0xba: {  	[sflag:s0] =	ssyncadd.remote.s32 $0x1  }
0xbb: {  	_ =	sfence.sel $0xFFFF  }
0xbc: {  	[dreg:$0x0] =	wrdreg $0xFFFFFFFF;
	(pc) =	sbr.abs _section_cstart, $3  }
0xbd: {  	[dreg:$0x1] =	wrdreg $0xFFFFFFFF  }
0xbe: {  	_ =	task.clear_ibuf [dreg:s4], $0x2FFFF;
	_ =	strace $0x9FFFFFFF  }
0xbf: {  	(tm) =	ssettm $0x7FFFFFFF  }
tec
execute0_lowered:
.L_overlay_start_1:
0x0: {  	(tag) =	ssettag $0x1  }
0x1: {  	s0 =	rddreg [dreg:$0x0];
	_ =	strace $0x80000047;
	s15 =	stileid.u32  }
0x2: {  	s2 =	simm.s32 $0x1;
	s1 =	smin.u32 s15, $0x8;
	s3 =	sshll.u32 s15, $0x1  }
0x3: {  	v1 =	vimm.s32 $0xFFFFFFFF;
	[sflag:s2] =	ssyncpa.u1 $0x0;
	s1 =	sadd.s32 s1, s3  }
0x4: {  	p0 =	slt.u32 s15, $0x8;
	[tilespmem:$0x10] =	vst v1;
	s4 =	smul.u32 $0x1F40, s1;
	s1 =	simm.s32 $0x5DC0  }
0x5: {  	v0 =	vimm.f32 $0.0e+00;
	[tilespmem:$0x20] =	vst v1;
	s1 =	simm.s32 @!p0 $0x3E80  }
0x6: {  	[tilespmem:$0x30] =	vst v0;
	s1 =	sadd.s32 s1, s4  }
0x7: {  	[tilespmem:$0x40] =	vst v0;
	s5 =	smin.u32 s1, $0x4E200  }
0x8: {  	s7 =	simm.s32 $0x2;
	s8 =	simm.s32 $0x8;
	[tilespmem:$0x50] =	vst v0;
	s9 =	ssub.s32 s5, s4  }
0x9: {  	s31 =	simm.s32 $0x9;
	s16 =	simm.s32 $0x0;
	[tilespmem:$0x60] =	vst v1;
	p0 =	sgt.s32 s9, $0x0  }
0xa: {  	s17 =	simm.s32 $0xF0;
	s18 =	simm.s32 $0xFFFFFFFF;
	[tilespmem:$0x70] =	vst v1;
	s9 =	simm.s32 @!p0 $0x0  }
0xb: {  	s19 =	simm.s32 $0xFFFFC280;
	s20 =	simm.s32 $0xFFFFFFFE;
	[tilespmem:$0x80] =	vst v1;
	s30 =	smulhi.u32 $0x10624DD3, s9  }
0xc: {  	s21 =	simm.s32 $0xF;
	s25 =	simm.s32 $0x0;
	s24 =	simm.s32 $0x0;
	v1 =	vimm.s32 $0x0;
	[tilespmem:$0xB0] =	vst v0  }
0xd: {  	s6 =	sadd.s32 $0xE400, s0;
	s15 =	sshllo.u32 s15, $0x1;
	[tilespmem:$0x90] =	vst v1;
	s10 =	sshrl.u32 s30, $0x9  }
0xe: {  	[tilespmem:$0xA0] =	vst v1;
	[sflag:s7] =	ssyncpa.u1 $0x0;
	s7 =	simm.s32 $0x7;
	s11 =	smul.u32 $0x1F40, s10  }
.Ltmp0:
0xf: {  	s13 =	sor.u32 $0x80, s3;
	[sflag:s7] =	ssyncpa.u1 $0x0;
	(pc) =	sbr.rel .LBB2_1-.Ltmp0, $4  }
0x10: {  	s14 =	sor.u32 $0x81, s3;
	[sflag:s8] =	ssyncpa.u1 $0x0;
	p0 =	sne.s32 s9, s11  }
0x11: {  	s23 =	smov.u32 s4;
	s1 =	sadd.s32 $0x40200, s0;
	s2 =	simm.s32 @!p0 $0x0  }
0x12: {  	vm0 =	vmmov $0xffff;
	v2 =	vlaneseq.u32;
	[sflag:s31] =	ssyncpa.u1 $0x0;
	s9 =	sadd.s32 $0x4600, s0;
	s10 =	sadd.s32 s2, s10  }
0x13: {  	vm1 =	vmxor vm1, vm1;
	vm2 =	vmmov $0x1;
	vm3 =	vcmask $0x3F3C;
	p0 =	por $0x0, $0x0;
	s11 =	sadd.s32 $0x1, s10;
	s12 =	sadd.s32 $0x2, s10  }
.LBB2_9:
0x14: {  	p1 =	slt.u32 s24, $0x3  }
0x15: {  	s0 =	simm.s32 @!p1 $0x2  }
0x16: {  	_ =	swait.ge @!p1 [sflag:s0], $0x1F40  }
0x17: {  	[sflag:s0] =	ssyncset.done @!p1 $0x0  }
0x18: {  	[sflag:s0] =	ssyncadd.s32 @!p1 $0xFFFFE0C0;
	s0 =	simm.s32 @!p1 $0x9  }
0x19: {  	_ =	swait.ge @!p1 [sflag:s0], $0x10  }
0x1a: {  	[sflag:s0] =	ssyncset.done @!p1 $0x0  }
0x1b: {  	[sflag:s0] =	ssyncadd.s32 @!p1 $0xFFFFFFF0;
	p1 =	sne.s32 s24, s12  }
.Ltmp1:
0x1c: {  	s2 =	sadd.s32 $0x1F40, s23;
	(pc) =	sbr.rel @!p1 .LBB2_10-.Ltmp1, $4  }
0x1d: {  	s22 =	smov.u32 s4;
	s31 =	sadd.s32 $0x1, s24;
	s17 =	sadd.s32 $0x1F40, s17  }
0x1e: {  	s18 =	sadd.s32 $0x1, s18;
	s25 =	smov.u32 s23;
	p2 =	slt.s32 s2, s5  }
0x1f: {  	p0 =	por !p0, !p0;
	s19 =	sadd.s32 $0x1F40, s19;
	s22 =	smov.u32 @p2 s2  }
0x20: {  	s20 =	sadd.s32 $0x1, s20;
	s23 =	smov.u32 s22;
	s24 =	smov.u32 s31  }
.LBB2_1:
0x21: {  	p1 =	sge.u32 s24, s10  }
0x22: {  	s0 =	smulhi.u32 @!p1 $0xAAAAAAAB, s24;
	_ =	sdelay $0x1  }
0x23: {  	s0 =	sshrl.u32 @!p1 s0, $0x1  }
0x24: {  	s0 =	smul.u32 @!p1 $0x3, s0;
	_ =	sdelay $0x1  }
0x25: {  	s0 =	ssub.s32 @!p1 s24, s0  }
0x26: {  	s0 =	smul.u32 @!p1 $0x7D00, s0;
	_ =	sdelay $0x1  }
0x27: {  	s2 =	sshrl.u32 @!p1 s23, $0x3;
	s0 =	sshrl.u32 @!p1 s0, $0x2  }
0x28: {  	s22 =	sand.u32 @!p1 $0x7, s23;
	s2 =	sadd.s32 @!p1 s6, s2;
	s0 =	sadd.s32 @!p1 $0x100, s0  }
0x29: {  	[tilespmem:s0], [sflag:$0x7] =	stream.linear.gather @!p1 [hbm4b:s2+s22], $0x1F40, $0x38;
	[tilespmem:$0x11A60] =	vst v63  }
0x2a: {  	s0 =	sadd.s32 $0xFFFFFFFF, s24  }
0x2b: {  	p1 =	sge.u32 s0, s10  }
.Ltmp2:
0x2c: {  	_ = 	snop;
	(pc) =	sbr.rel @p1 .LBB2_5-.Ltmp2, $1  }
0x2d: {  	_ =	sdelay $0x3  }
0x2e: {  	s2 =	smulhi.u32 $0xAAAAAAAB, s0;
	_ =	sdelay $0x1  }
0x2f: {  	s2 =	sshrl.u32 s2, $0x1  }
0x30: {  	s2 =	smul.u32 $0x3, s2;
	_ =	sdelay $0x1  }
0x31: {  	s2 =	ssub.s32 s0, s2  }
0x32: {  	s2 =	smul.u32 $0x7D00, s2  }
0x33: {  	_ =	swait.ge [sflag:s7], $0x1F40  }
0x34: {  	[sflag:s7] =	ssyncset.done $0x0;
	s2 =	sshrl.u32 s2, $0x2  }
0x35: {  	[sflag:s7] =	ssyncadd.s32 $0xFFFFE0C0;
	(ifvalue) =	ssetifvalue $0xFFFFFFFF;
	v3 =	vld.msk [tilespmem:s2+$0x100 ss:$0x1], $0xffff;
	_ =	sdelay $0x2  }
0x36: {  	s30 =	smulhi.u32 $0xAAAAAAAB, s18;
	p1 =	sne.s32 s24, $0x1  }
0x37: {  	v4 =	vimm.s32 @!p1 $0x0  }
0x38: {  	s2 =	sshrl.u32 s30, $0x1;
	v4 =	vperm.xlane @!p1 v3, v4  }
0x39: {  	s22 =	sshll.u32 s24, $0x4;
	s2 =	smul.u32 $0xFFFE8900, s2;
	vm4 =	vlt.u32 v3, $0x6400000  }
0x3a: {  	s22 =	sand.u32 $0x10, s22;
	v3 =	vnsel vm4, $0xFFFFFFFE, v3;
	vm4 =	vlt.u32 @!p1 v4, $0x6400000  }
0x3b: {  	s2 =	sshra.s32 s2, $0x2;
	[tilespmem:s22+$0x60] =	vst v3;
	v3 =	vnsel @!p1 vm4, $0xFFFFFFFE, v4  }
0x3c: {  	s28 =	sadd.s32 s2, s17;
	[tilespmem:$0x80] =	vst @!p1 v3  }
0x3d: {  	v3 =	vld.msk [tilespmem:s28+$0x0 ss:$0x1], $0xffff;
	_ =	sdelay $0x4  }
0x3e: {  	(xrf1) =	vunique.msk.u32 $0xffff, v3;
	_ =	sdelay $0xd  }
0x3f: {  	v4 =	vimm.s32 $0xFFFFFFFF;
	v5, _, _ =	vpop (xrf1)  }
0x40: {  	vm5 =	vne.s32 v3, v4;
	vm4 =	veq.s32 v5, v2  }
0x41: {  	vm6 =	vlt.u32 v3, $0x6400000;
	vm4 =	vmand vm5, vm4  }
0x42: {  	vm4 =	vmand vm6, vm4  }
0x43: {  	v4 =	vnsel vm4, $0xFFFFFFFF, v3  }
0x44: {  	s31 =	sand.u32 $0x1, s0  }
0x45: {  	s0 =	simm.s32 $0x1F40;
	p1 =	seq.s32 s31, $0x1  }
0x46: {  	s0 =	simm.s32 @!p1 $0x0  }
0x47: {  	s26 =	sadd.s32 $0x7DF0, s0;
	(ifvalue) =	ssetifvalue $0xFFFFFFFF  }
0x48: {  	v3 =	vperm.xlane v3, v1;
	[tilespmem:s26], [sflag:$0x8] =	stream.indirect_vreg.gather [hbm4b:s1+s16], $0x1, v4, vm0, $0x4038;
	v4 =	vnsel vm6, $0xFFFFFFFE, v4;
	[tilespmem:$0x11A60] =	vst v63  }
0x49: {  	s2 =	simm.s32 $0x0;
	s22 =	sadd.s32 $0xFFFFFFF0, s28;
	[tilespmem:s28+$0x0] =	vst v4  }
.LBB2_3:
0x4a: {  	v4 =	vld.msk [tilespmem:s22+$0x0 ss:$0x1], $0xffff;
	s2 =	sadd.s32 $0x10, s2;
	v5 =	vmov v3;
	s28 =	smov.u32 s22  }
0x4b: {  	p1 =	slt.u32 s2, $0x1F30;
	_ =	sdelay $0x4  }
0x4c: {  	v3 =	vperm.xlane v4, v1;
	(xrf1) =	vunique.msk.u32 $0xffff, v4;
	_ =	sdelay $0xd  }
0x4d: {  	v6, _, _ =	vpop (xrf1)  }
0x4e: {  	vm5 =	vne.s32 v4, v5;
	vm4 =	veq.s32 v6, v2  }
0x4f: {  	vm6 =	vlt.u32 v4, $0x6400000;
	vm4 =	vmand vm5, vm4  }
0x50: {  	vm4 =	vmand vm6, vm4  }
0x51: {  	v4 =	vnsel vm4, $0xFFFFFFFF, v4  }
.Ltmp3:
0x52: {  	v5 =	vnsel vm6, $0xFFFFFFFE, v4;
	(pc) =	sbr.rel @p1 .LBB2_3-.Ltmp3, $3  }
0x53: {  	_ =	sdelay $0x1  }
0x54: {  	s22 =	sadd.s32 $0xFFFFFFF0, s22;
	s26 =	sadd.s32 $0xFFFFFFF0, s26;
	(ifvalue) =	ssetifvalue $0xFFFFFFFF  }
0x55: {  	[tilespmem:s26], [sflag:$0x8] =	stream.indirect_vreg.gather [hbm4b:s1+s16], $0x1, v4, vm0, $0x4038;
	[tilespmem:s28+$0x0] =	vst v5  }
0x56: {  	s2 =	sshrl.u32 s25, $0x3  }
0x57: {  	s0 =	sadd.s32 $0x9D40, s0;
	s2 =	sadd.s32 s9, s2  }
0x58: {  	[tilespmem:s0], [sflag:$0x8] =	stream.linear.gather [hbm:s2], $0x1F40, $0x38;
	[tilespmem:$0x11A60] =	vst v63  }
.LBB2_5:
0x59: {  	p1 =	slt.u32 s24, $0x2  }
0x5a: {  	p2 =	sge.u32 @!p1 s24, s12  }
0x5b: {  	p1 =	por p1, p2  }
.Ltmp4:
0x5c: {  	_ = 	snop;
	(pc) =	sbr.rel @p1 .LBB2_9-.Ltmp4, $1  }
0x5d: {  	_ =	sdelay $0x3  }
0x5e: {  	s0 =	sadd.s32 $0xFFFFFFFE, s24  }
0x5f: {  	s2 =	smulhi.u32 $0xAAAAAAAB, s0;
	_ =	sdelay $0x1  }
0x60: {  	s2 =	sshrl.u32 s2, $0x1  }
0x61: {  	s2 =	smul.u32 $0x3, s2;
	_ =	sdelay $0x1  }
0x62: {  	s0 =	ssub.s32 s0, s2  }
0x63: {  	_ =	swait.ge [sflag:s8], $0x3E80;
	s0 =	smul.u32 $0x1F40, s0  }
0x64: {  	p1 =	sne.s32 s24, s11;
	[sflag:s8] =	ssyncset.done $0x0  }
0x65: {  	[sflag:s8] =	ssyncadd.s32 $0xFFFFC180;
	s2 =	sadd.s32 @!p1 $0x203F, s0  }
0x66: {  	[spmem:s14] =	stream.linear.scatter @!p1 [tilespmem:s2], [sflag:$0x1], $0x1, $0x38;
	[tilespmem:$0x11A60] =	vst v63  }
0x67: {  	s2 =	simm.s32 @!p1 $0x1  }
0x68: {  	_ =	swait.ge @!p1 [sflag:s2], $0x1  }
0x69: {  	s22 =	sshll.u32 s24, $0x4;
	[sflag:s2] =	ssyncset.done @!p1 $0x0  }
0x6a: {  	s25 =	sand.u32 $0x10, s22;
	[sflag:s2] =	ssyncadd.s32 @!p1 $0xFFFFFFFF  }
0x6b: {  	s2 =	sxor.u32 $0x10, s25;
	v4 =	vld [tilespmem:s25+$0x10]  }
0x6c: {  	v5 =	vld [tilespmem:s2+$0x60]  }
0x6d: {  	v3 =	vld [tilespmem:$0x80];
	_ =	sdelay $0x2  }
0x6e: {  	(v2sf) =	vpush v4, $0x0  }
0x6f: {  	(v2sf) =	vpush v5, $0x0  }
0x70: {  	(v2sf) =	vpush v3, $0x0;
	_ =	sdelay $0xc  }
0x71: {  	s22 =	spop (v2sf)  }
0x72: {  	s26 =	spop (v2sf)  }
0x73: {  	s28 =	spop (v2sf)  }
0x74: {  	p2 =	seq.s32 s22, s26;
	p3 =	seq.s32 s28, s22  }
0x75: {  	p3 =	por p2, p3  }
0x76: {  	s26 =	sand.u32 $0x1, s24;
	v4 =	vpsel p3, $0xFFFFFFFF, v4  }
0x77: {  	s29 =	smul.u32 $0x1F40, s26;
	[tilespmem:s25+$0x10] =	vst.msk $0x1, v4  }
0x78: {  	v4 =	vld [tilespmem:$0x30]  }
0x79: {  	v5 =	vld [tilespmem:s29+$0x9D40]  }
0x7a: {  	v6 =	vld [tilespmem:s25+$0x40];
	_ =	sdelay $0x3  }
0x7b: {  	vm4 =	vmmov vm1;
	v5 =	vadd.f32 v5, v4  }
0x7c: {  	vm5 =	vmmov vm2;
	vm4 =	vmmov @p2 vm2;
	s22 =	sshll.u32 s26, $0x4;
	v4 =	vadd.f32 v6, v4  }
0x7d: {  	s26 =	sor.u32 $0x11A40, s22;
	vm5 =	vmmov @p3 vm1;
	[tilespmem:s29+$0x9D40] =	vst.msk vm4, v5  }
0x7e: {  	[tilespmem:s26+$0x0] =	vst.msk vm5, v4  }
0x7f: {  	v4 =	vld [tilespmem:s29+$0x7DF0];
	_ =	sdelay $0x3  }
0x80: {  	v5 =	vimm.f32 $0.0e+00  }
0x81: {  	v4 =	vshift.insert v4, v5, s21  }
0x82: {  	s22 =	sor.u32 $0x40, s2  }
0x83: {  	[tilespmem:s22+$0x0] =	vst.msk $0x1, v4  }
0x84: {  	[tilespmem:s29+$0x7DFF] =	vst.msk $0x1, v5  }
0x85: {  	v4 =	vld [tilespmem:s0+$0x2030];
	_ =	sdelay $0x1  }
0x86: {  	s22 =	smulhi.u32 $0xAAAAAAAB, s20;
	s0 =	simm.s32 $0x1  }
0x87: {  	s0 =	simm.s32 @!p0 $0x0  }
0x88: {  	s22 =	sshrl.u32 s22, $0x1;
	s0 =	smul.u32 $0x7D00, s0  }
0x89: {  	s22 =	smul.u32 $0xFFFE8900, s22;
	v4 =	vshift.insert v4, v1, s21  }
0x8a: {  	s0 =	sshrl.u32 s0, $0x2  }
0x8b: {  	s22 =	sshra.s32 s22, $0x2;
	s30 =	sadd.s32 $0x9D40, s0;
	[tilespmem:s2+$0x10] =	vst.msk $0x1, v4  }
0x8c: {  	s22 =	sadd.s32 s22, s19;
	v6 =	vld [tilespmem:s30+$0x0]  }
0x8d: {  	v7 =	vld [tilespmem:s22+$0x0];
	_ =	sdelay $0x3  }
0x8e: {  	v5 =	vadd.f32 v6, v5  }
0x8f: {  	vm4 =	vne.s32 v7, $0xFFFFFFFF  }
0x90: {  	(xrf2) =	vadd.seg.scan.f32 vm4, v5;
	_ =	sdelay $0x3  }
0x91: {  	s31 =	sadd.s32 $0x5EC0, s0;
	v5 =	vperm.xlane v4, v1  }
0x92: {  	v6 =	vld [tilespmem:s31+$0x0]  }
0x93: {  	vm5 =	veq.s32 v7, v3;
	vm6 =	veq.s32 v7, v5  }
0x94: {  	vm7 =	vgt.u32 v7, $0xFFFFFFFD;
	vm6 =	vmor vm6, vm5  }
0x95: {  	vm6 =	vmor vm6, vm7  }
0x96: {  	v9 =	vld [tilespmem:$0xA0];
	v7 =	vsel vm6, $0xFFFFFFFF, v7  }
0x97: {  	v10 =	vld [tilespmem:$0x90];
	v6 =	vsel vm5, $0x0, v6;
	v8, _, _ =	vpop (xrf2)  }
0x98: {  	v6 =	vadd.f32 v8, v6  }
0x99: {  	s0 =	sadd.s32 $0xDBC0, s0  }
0x9a: {  	vm4 =	vmand vm4, vm3;
	[tilespmem:s0+$0x0] =	vst v6;
	(ifvalue) =	ssetifvalue $0xFFFFFFFF  }
0x9b: {  	vm6 =	veq.s32 v9, $0x1;
	[hbm4b:s1+s16] =	stream.indirect_vreg.scatter [tilespmem:s0], [sflag:$0x2], $0x1, v7, vm0, $0x4038;
	v7 =	vsel vm4, $0x0, v8;
	[tilespmem:$0x11A60] =	vst v63  }
0x9c: {  	s2 =	simm.s32 $0x0;
	s22 =	sadd.s32 $0x10, s22;
	vm4 =	vmor vm6, vm5;
	v6 =	vsel vm5, v8, v10;
	v7 =	vshift.insert v7, v0, s21  }
.LBB2_7:
0x9d: {  	v8 =	vld [tilespmem:s22+$0x0];
	s30 =	sadd.s32 $0x10, s30  }
0x9e: {  	s31 =	sadd.s32 $0x10, s31;
	v9 =	vld [tilespmem:s30+$0x0]  }
0x9f: {  	s2 =	sadd.s32 $0x10, s2;
	v10 =	vld [tilespmem:s31+$0x0]  }
0xa0: {  	p2 =	slt.u32 s2, $0x1F30;
	_ =	sdelay $0x2  }
0xa1: {  	v7 =	vadd.f32 v9, v7  }
0xa2: {  	vm5 =	vne.s32 v8, $0xFFFFFFFF  }
0xa3: {  	vm6 =	vmand vm5, vm3;
	(xrf2) =	vadd.seg.scan.f32 vm5, v7;
	_ =	sdelay $0x5  }
0xa4: {  	vm7 =	veq.s32 v8, v5;
	vm5 =	veq.s32 v8, v3  }
0xa5: {  	vm8 =	vgt.u32 v8, $0xFFFFFFFD;
	vm4 =	vmor vm4, vm5;
	vm7 =	vmor vm7, vm5  }
0xa6: {  	vm7 =	vmor vm7, vm8  }
0xa7: {  	v8 =	vsel vm7, $0xFFFFFFFF, v8  }
.Ltmp5:
0xa8: {  	v7 =	vsel vm5, $0x0, v10;
	v9, _, _ =	vpop (xrf2);
	(pc) =	sbr.rel @p2 .LBB2_7-.Ltmp5, $4  }
0xa9: {  	v6 =	vsel vm5, v9, v6;
	v10 =	vadd.f32 v9, v7;
	v7 =	vsel vm6, $0x0, v9  }
0xaa: {  	s0 =	sadd.s32 $0x10, s0;
	v7 =	vshift.insert v7, v0, s21  }
0xab: {  	s22 =	sadd.s32 $0x10, s22;
	[tilespmem:s0+$0x0] =	vst v10;
	(ifvalue) =	ssetifvalue $0xFFFFFFFF  }
0xac: {  	[hbm4b:s1+s16] =	stream.indirect_vreg.scatter [tilespmem:s0], [sflag:$0x2], $0x1, v8, vm0, $0x4038;
	[tilespmem:$0x11A60] =	vst v63  }
0xad: {  	v3 =	vld [tilespmem:s29+$0xFAF0];
	_ =	sdelay $0x4  }
0xae: {  	v3 =	vshift.insert v3, v0, s21  }
0xaf: {  	s0 =	simm.s32 $0x30  }
0xb0: {  	[tilespmem:s0+$0x0] =	vst.msk $0x1, v3  }
0xb1: {  	v3 =	vsel vm4, $0x1, v1;
	[tilespmem:$0x90] =	vst v6  }
0xb2: {  	s0 =	sadd.s32 @!p1 $0xFAFF, s29;
	[tilespmem:$0xA0] =	vst v3  }
0xb3: {  	[spmem:s15] =	stream.linear.scatter @!p1 [tilespmem:s0], [sflag:$0x1], $0x1, $0x38;
	[tilespmem:$0x11A60] =	vst v63  }
0xb4: {  	s0 =	simm.s32 @!p1 $0x1  }
0xb5: {  	v3 =	vmctz.xlane @!p1 vm4;
	_ =	swait.ge @!p1 [sflag:s0], $0x1  }
0xb6: {  	(v2sf) =	vpush @!p1 v4, $0x0  }
0xb7: {  	(v2sf) =	vpush @!p1 v3, $0x0;
	_ =	sdelay $0xd  }
0xb8: {  	s2 =	spop @!p1 (v2sf)  }
0xb9: {  	s22 =	spop @!p1 (v2sf)  }
0xba: {  	p2 =	sne.s32 @!p1 s28, s2;
	p3 =	slt.s32 @!p1 s22, $0xF  }
0xbb: {  	[sflag:s0] =	ssyncset.done @!p1 $0x0;
	p2 =	por p2, p1;
	p3 =	por !p3, p1  }
0xbc: {  	[sflag:s0] =	ssyncadd.s32 @!p1 $0xFFFFFFFF;
	v3 =	vimm.s32 @!p2 $0xFFFFFFFF;
	s22 =	simm.s32 @p3 $0xF  }
0xbd: {  	[tilespmem:$0x80] =	vst @!p2 v3;
	s2 =	sadd.s32 @!p1 $0x90, s22  }
0xbe: {  	[spmem:s3] =	stream.linear.scatter @!p1 [tilespmem:s2], [sflag:$0x1], $0x1, $0x38;
	[tilespmem:$0x11A60] =	vst v63  }
0xbf: {  	_ =	swait.ge @!p1 [sflag:s0], $0x1  }
0xc0: {  	[sflag:s0] =	ssyncset.done @!p1 $0x0  }
0xc1: {  	s2 =	simm.s32 @!p1 $0x80;
	[sflag:s0] =	ssyncadd.s32 @!p1 $0xFFFFFFFF  }
0xc2: {  	[spmem:s13] =	stream.linear.scatter @!p1 [tilespmem:s2], [sflag:$0x1], $0x1, $0x38;
	[tilespmem:$0x11A60] =	vst v63  }
0xc3: {  	_ =	swait.ge @!p1 [sflag:s0], $0x1  }
0xc4: {  	[sflag:s0] =	ssyncset.done @!p1 $0x0  }
0xc5: {  	[sflag:s0] =	ssyncadd.s32 @!p1 $0xFFFFFFFF;
	(ifvalue) =	ssetifvalue $0xFFFFFFFF;
	v3 =	vld [tilespmem:s25+$0x10];
	_ =	sdelay $0x3  }
.Ltmp6:
0xc6: {  	_ = 	snop;
	(pc) =	sbr.rel .LBB2_9-.Ltmp6, $3  }
0xc7: {  	_ =	sdelay $0x1  }
0xc8: {  	(ifvalue) =	ssetifvalue $0xFFFFFFFF  }
0xc9: {  	[hbm4b:s1+s16] =	stream.indirect_vreg.scatter [tilespmem:s26], [sflag:$0x9], $0x1, v3, vm0, $0x4038;
	[tilespmem:$0x11A60] =	vst v63  }
.LBB2_10:
0xca: {  	_ =	sfence.sel $0x180000  }
0xcb: {  	s0 =	simm.s32 $0x7;
	[bflag:$0x0] =	sbarrier.arrive $0xFFFF  }
0xcc: {  	s26 =	simm.s32 $0x8;
	[sflag:s0] =	ssyncpa.u1 $0x1  }
0xcd: {  	s28 =	simm.s32 $0x9;
	[sflag:s26] =	ssyncpa.u1 $0x1  }
0xce: {  	[sflag:s28] =	ssyncpa.u1 $0x1  }
0xcf: {  	_ =	sfence.stream.spmem  }
0xd0: {  	s29 =	simm.s32 $0x3;
	[bflag:$0x0] =	sbarrier.arrive $0xFFFF  }
0xd1: {  	s30 =	simm.s32 $0x4;
	[sflag:s29] =	ssyncpa.u1 $0x1  }
0xd2: {  	s31 =	simm.s32 $0x3C;
	s2 =	stileid.u32;
	[sflag:s30] =	ssyncpa.u1 $0x1  }
0xd3: {  	p0 =	sne.s32 s2, $0x0;
	[sflag:s31] =	ssyncpa.u1 $0x1  }
0xd4: {  	s0 =	simm.s32 @p0 $0x1;
	_ =	sfence @p0  }
0xd5: {  	[sflag:s0] =	ssyncpa.u1 @p0 $0x1;
	s0 =	simm.s32 @p0 $0x2  }
0xd6: {  	[sflag:s0] =	ssyncpa.u1 @p0 $0x1  }
0xd7: {  	_ =	strace @p0 $0x90000047  }
0xd8: {  	[bflag:$0x2] =	sbarrier.arrive @p0 $0xFFFF  }
0xd9: {  	_ =	shalt @p0  }
.LBB2_11:
0xda: {  	_ =	sfence.stream.spmem;
	s0 =	simm.s32 $0x5  }
0xdb: {  	s2 =	simm.s32 $0x80;
	s3 =	simm.s32 $0xC0;
	[sflag:s0] =	ssyncpa.u1 $0x0  }
0xdc: {  	[tilespmem:s3], [sflag:$0x5] =	stream.linear.gather [spmem:s2], $0x20, $0x38;
	[tilespmem:$0x11A60] =	vst v63  }
0xdd: {  	s2 =	simm.s32 $0x0;
	s3 =	simm.s32 $0xE0  }
0xde: {  	[tilespmem:s3], [sflag:$0x5] =	stream.linear.gather [spmem:s2], $0x20, $0x38;
	[tilespmem:$0x11A60] =	vst v63  }
.Ltmp7:
0xdf: {  	_ = 	snop;
	(pc) =	sbr.rel .LBB2_12-.Ltmp7, $4  }
0xe0: {  	_ =	swait.ge [sflag:s0], $0x40  }
0xe1: {  	[sflag:s0] =	ssyncset.done $0x0  }
0xe2: {  	s31 =	simm.s32 $0x6;
	[sflag:s0] =	ssyncadd.s32 $0xFFFFFFC0  }
0xe3: {  	s4 =	simm.s32 $0x0;
	[sflag:s31] =	ssyncpa.u1 $0x0  }
.LBB2_17:
0xe4: {  	p0 =	sgt.u32 s5, $0x63FFFFF  }
0xe5: {  	s0 =	sshrl.u32 @!p0 s5, $0x3  }
0xe6: {  	s5 =	sand.u32 @!p0 $0x7, s5;
	s6 =	simm.s32 @!p0 $0xB0;
	s0 =	sadd.s32 @!p0 s1, s0  }
0xe7: {  	[tilespmem:s6], [sflag:$0x6] =	stream.linear.gather @!p0 [hbm4b:s0+s5], $0x1, $0x38;
	[tilespmem:$0x11A60] =	vst v63  }
0xe8: {  	s0 =	simm.s32 @!p0 $0x6  }
0xe9: {  	_ =	swait.ge @!p0 [sflag:s0], $0x1  }
0xea: {  	[sflag:s0] =	ssyncset.done @!p0 $0x0  }
0xeb: {  	[sflag:s0] =	ssyncadd.s32 @!p0 $0xFFFFFFFF  }
0xec: {  	v2 =	vmov @!p0 s4;
	v1 =	vld.msk @!p0 [tilespmem:$0xB0], $0x1;
	_ =	sdelay $0x3  }
0xed: {  	s0 =	simm.s32 @!p0 $0xE0  }
0xee: {  	[tilespmem:v2+s0+$0x0], v1 =	vst.idx.ret.add.f32.msk @!p0 $0x1, v1  }
0xef: {  	[tilespmem:s2+$0xC0] =	vst.msk $0x1, v0  }
0xf0: {  	v0 =	vld.msk [tilespmem:s4+$0xE0], $0x1;
	_ =	sdelay $0x4  }
0xf1: {  	[tilespmem:s2+$0xE0] =	vst.msk $0x1, v0;
	s2 =	sadd.s32 $0x1, s2  }
.LBB2_19:
0xf2: {  	s4 =	sadd.s32 $0x1, s4  }
0xf3: {  	p0 =	sne.s32 s4, $0x20  }
.Ltmp8:
0xf4: {  	_ = 	snop;
	(pc) =	sbr.rel @!p0 .LBB2_20-.Ltmp8, $1  }
0xf5: {  	_ =	sdelay $0x3  }
.LBB2_12:
0xf6: {  	v0 =	vld.msk [tilespmem:s4+$0xC0], $0x1;
	_ =	sdelay $0x4  }
0xf7: {  	(v2sf) =	vpush v0, $0x0;
	_ =	sdelay $0xe  }
0xf8: {  	s5 =	spop (v2sf)  }
0xf9: {  	p0 =	seq.s32 s5, $0xFFFFFFFF  }
.Ltmp9:
0xfa: {  	_ = 	snop;
	(pc) =	sbr.rel @p0 .LBB2_19-.Ltmp9, $1  }
0xfb: {  	_ =	sdelay $0x3  }
0xfc: {  	p0 =	slt.s32 s2, $0x1  }
.Ltmp10:
0xfd: {  	_ = 	snop;
	(pc) =	sbr.rel @p0 .LBB2_17-.Ltmp10, $1  }
0xfe: {  	_ =	sdelay $0x3  }
0xff: {  	s0 =	simm.s32 $0xC0;
	p0 =	por $0x0, $0x0  }
0x100: {  	v1 =	vld.msk @!p0 [tilespmem:s0+$0x0], $0x1;
	_ =	sdelay $0x4  }
0x101: {  	(v2sf) =	vpush @!p0 v1, $0x0;
	_ =	sdelay $0xd  }
0x102: {  	p2 =	sne.s32 s2, $0x1  }
.Ltmp11:
0x103: {  	s6 =	spop @!p0 (v2sf);
	(pc) =	sbr.rel @!p2 .LBB2_16-.Ltmp11, $4  }
0x104: {  	p1 =	seq.s32 @!p0 s5, s6  }
0x105: {  	s6 =	simm.s32 $0x0;
	p1 =	por !p1, p0  }
0x106: {  	s8 =	simm.s32 $0xFFFFFFFF;
	s6 =	simm.s32 @p1 $0xFFFFFFFF  }
0x107: {  	s7 =	simm.s32 $0x1;
	s6 =	smov.u32 @p0 s8  }
.LBB2_15:
0x108: {  	s8 =	smov.u32 s6;
	p0 =	sne.s32 s6, $0xFFFFFFFF  }
0x109: {  	s0 =	sadd.s32 $0x1, s0;
	s6 =	smov.u32 s7;
	s7 =	sadd.s32 $0x1, s7  }
0x10a: {  	p1 =	sne.s32 s2, s7;
	v1 =	vld.msk @!p0 [tilespmem:s0+$0x0], $0x1;
	_ =	sdelay $0x4  }
0x10b: {  	(v2sf) =	vpush @!p0 v1, $0x0;
	_ =	sdelay $0xe  }
.Ltmp12:
0x10c: {  	s9 =	spop @!p0 (v2sf);
	(pc) =	sbr.rel @p1 .LBB2_15-.Ltmp12, $4  }
0x10d: {  	p2 =	seq.s32 @!p0 s5, s9  }
0x10e: {  	p2 =	por !p2, p0  }
0x10f: {  	s6 =	simm.s32 @p2 $0xFFFFFFFF  }
0x110: {  	s6 =	smov.u32 @p0 s8  }
.LBB2_16:
0x111: {  	p0 =	sne.s32 s6, $0xFFFFFFFF  }
.Ltmp13:
0x112: {  	_ = 	snop;
	(pc) =	sbr.rel @!p0 .LBB2_17-.Ltmp13, $1  }
0x113: {  	_ =	sdelay $0x3  }
0x114: {  	v0 =	vld.msk [tilespmem:s4+$0xE0], $0x1;
	v1 =	vmov s6  }
.Ltmp14:
0x115: {  	_ = 	snop;
	(pc) =	sbr.rel .LBB2_19-.Ltmp14, $2  }
0x116: {  	_ =	sdelay $0x2  }
0x117: {  	[tilespmem:v1+s3+$0x0], v0 =	vst.idx.ret.add.f32.msk $0x1, v0  }
.LBB2_20:
0x118: {  	p0 =	slt.s32 s2, $0x1  }
.Ltmp15:
0x119: {  	_ = 	snop;
	(pc) =	sbr.rel @p0 .LBB2_24-.Ltmp15, $3  }
0x11a: {  	_ =	sdelay $0x1  }
0x11b: {  	s0 =	simm.s32 $0x6  }
0x11c: {  	s3 =	simm.s32 $0x0;
	[sflag:s0] =	ssyncpa.u1 $0x1  }
0x11d: {  	s0 =	simm.s32 $0xC0  }
0x11e: {  	v0 =	vld.msk [tilespmem:s0+$0x0], $0x1;
	_ =	sdelay $0x4  }
0x11f: {  	(v2sf) =	vpush v0, $0x0;
	_ =	sdelay $0xe  }
0x120: {  	s2 =	sadd.s32 $0xFFFFFFFF, s2;
	s4 =	spop (v2sf)  }
0x121: {  	p1 =	sne.s32 s2, $0x0;
	p0 =	sgt.u32 s4, $0x63FFFFF  }
.Ltmp16:
0x122: {  	s5 =	sshrl.u32 @!p0 s4, $0x3;
	(pc) =	sbr.rel @!p1 .LBB2_23-.Ltmp16, $4  }
0x123: {  	s0 =	simm.s32 $0xE0;
	s4 =	sand.u32 @!p0 $0x7, s4;
	s5 =	sadd.s32 @!p0 s1, s5  }
0x124: {  	[hbm4b:s5+s4] =	stream.linear.scatter @!p0 [tilespmem:s0], [sflag:$0x5], $0x1, $0x38;
	[tilespmem:$0x11A60] =	vst v63  }
0x125: {  	s5 =	simm.s32 $0x0  }
0x126: {  	s4 =	simm.s32 $0xC1;
	s5 =	simm.s32 @!p0 $0x4  }
.LBB2_22:
0x127: {  	v0 =	vld.msk [tilespmem:s4+$0x0], $0x1;
	s2 =	sadd.s32 $0xFFFFFFFF, s2;
	s3 =	sadd.s32 s3, s5  }
0x128: {  	p0 =	sne.s32 s2, $0x0;
	_ =	sdelay $0x3  }
0x129: {  	(v2sf) =	vpush v0, $0x0;
	_ =	sdelay $0xe  }
.Ltmp17:
0x12a: {  	s6 =	spop (v2sf);
	(pc) =	sbr.rel @p0 .LBB2_22-.Ltmp17, $4  }
0x12b: {  	s5 =	simm.s32 $0x0;
	p1 =	sgt.u32 s6, $0x63FFFFF  }
0x12c: {  	s0 =	sadd.s32 $0x1, s0;
	s5 =	simm.s32 @!p1 $0x4;
	s7 =	sshrl.u32 @!p1 s6, $0x3  }
0x12d: {  	s4 =	sadd.s32 $0x1, s4;
	s6 =	sand.u32 @!p1 $0x7, s6;
	s7 =	sadd.s32 @!p1 s1, s7  }
0x12e: {  	[hbm4b:s7+s6] =	stream.linear.scatter @!p1 [tilespmem:s0], [sflag:$0x5], $0x1, $0x38;
	[tilespmem:$0x11A60] =	vst v63  }
.LBB2_23:
0x12f: {  	s0 =	sadd.s32 s3, s5  }
0x130: {  	s3 =	sshrl.u32 s0, $0x2  }
.LBB2_24:
0x131: {  	s0 =	simm.s32 $0x5  }
0x132: {  	_ =	swait.ge [sflag:s0], s3  }
0x133: {  	s1 =	ssub.s32 $0x0, s3;
	[sflag:s0] =	ssyncset.done $0x0  }
0x134: {  	[sflag:s0] =	ssyncadd.s32 s1  }
0x135: {  	[sflag:s0] =	ssyncpa.u1 $0x1  }
0x136: {  	s29 =	simm.s32 $0x1;
	_ =	sfence  }
0x137: {  	s30 =	simm.s32 $0x2;
	[sflag:s29] =	ssyncpa.u1 $0x1  }
0x138: {  	[sflag:s30] =	ssyncpa.u1 $0x1  }
0x139: {  	_ =	strace $0x90000047  }
0x13a: {  	[bflag:$0x2] =	sbarrier.arrive $0xFFFF  }
0x13b: {  	s31 =	rddreg [dreg:$0x1]  }
0x13c: {  	s0 =	sadd.s32 $0x100000, s31  }
0x13d: {  	[sflag:s0] =	ssyncadd.tile.s32 $0x1;
	_ =	shalt  }
.Lfunc_end2:
_tile_overlayer_lowered:
.L_overlay_start_2:
0x13e: {  	(tag) =	ssettag $0x2  }
0x13f: {  	s0 =	rddreg [dreg:$0x0];
	s2 =	stileid.u32  }
0x140: {  	s1 =	rddreg [dreg:$0x1];
	p0 =	sne.s32 s2, $0x0  }
0x141: {  	s3 =	rddreg [dreg:$0x2];
	[bflag:$0x3] =	sbarrier.arrive $0xFFFF;
	s2 =	simm.s32 @!p0 $0x1C01  }
0x142: {  	[timem:s3], [sflag:s2] =	dma.local @!p0 [hbm:s0], s1  }
0x143: {  	s0 =	simm.s32 @!p0 $0x1  }
0x144: {  	_ =	swait.ge @!p0 [sflag:s0], s1  }
0x145: {  	s1 =	ssub.s32 @!p0 $0x0, s1;
	[sflag:s0] =	ssyncset.done @!p0 $0x0  }
0x146: {  	[sflag:s0] =	ssyncadd.s32 @!p0 s1  }
0x147: {  	[bflag:$0x3] =	sbarrier.arrive $0xFFFF  }
0x148: {  	_ =	shalt  }

// kernel: sparse-core-data-format-call.1.cloned.1.call-start
scs
called_computation.2_lowered:
.L_overlay_start_0:
0x0: {  	s2 =	sld [smem:$0x3FD9]  }
0x1: {  	s3 =	sld [smem:$0x3FFE];
	_ =	sdelay $0x1  }
0x2: {  	s1 =	srdreg.scid  }
0x3: {  	s0 =	sand.u32 $0x1, s1  }
0x4: {  	s18 =	sshll.u32 s0, $0xA;
	s2 =	sadd.s32 s3, s2  }
0x5: {  	s2 =	sadd.s32 s2, s18  }
0x6: {  	[smem:$0x3F95] =	sst s2  }
0x7: {  	_ = 	snop  }
0x8: {  	(tm) =	ssettm $0x1  }
0x9: {  	s19 =	sld [smem:$0x3FFB];
	_ =	sdelay $0x3  }
0xa: {  	_ =	strace s19  }
0xb: {  	s2 =	sld [smem:$0x3FFC];
	_ =	sdelay $0x3  }
0xc: {  	_ =	strace s2  }
0xd: {  	s2 =	sld [smem:$0x3FFD];
	_ =	sdelay $0x3  }
0xe: {  	_ =	strace s2  }
0xf: {  	_ =	strace $0x8FFFFFFF  }
0x10: {  	s20 =	sld [smem:$0x3FDB];
	_ =	sdelay $0x1  }
0x11: {  	s21 =	simm.s32 $_scs_section_size  }
0x12: {  	s4 =	simm.s32 $_size__tile_overlayer_lowered;
	s5 =	simm.s32 $_tile_overlayer_lowered  }
0x13: {  	s6 =	simm.s32 $0x1BFF;
	s22 =	sshll.u32 s5, $0x1;
	s3 =	sadd.s32 s21, s20  }
0x14: {  	s23 =	simm.s32 $0x0;
	s4 =	sshll.u32 s4, $0x1;
	s5 =	sadd.s32 s22, s3  }
0x15: {  	[timem:s23], [sflag:s6] =	dma.local [hbm:s5], s4  }
0x16: {  	_ =	swait.ge [sflag:s6], s4  }
0x17: {  	s4 =	ssub.s32 $0x0, s4;
	[sflag:s6] =	ssyncset.done $0x0  }
0x18: {  	[sflag:s6] =	ssyncadd.s32 s4;
	_ =	sdelay $0x1  }
0x19: {  	s24 =	simm.s32 $0x1B8B  }
0x1a: {  	_ =	swait.ge [sflag:s24], $0x1  }
0x1b: {  	[sflag:s24] =	ssyncset.done $0x0  }
0x1c: {  	[sflag:s24] =	ssyncadd.s32 $0xFFFFFFFF  }
0x1d: {  	s4 =	sld [smem:$0x0]  }
0x1e: {  	s5 =	sand.u32 $0xFFFFFFFE, s1  }
0x1f: {  	p0 =	sne.s32 s1, s5  }
0x20: {  	s5 =	sshll.u32 @p0 s5, $0xE  }
0x21: {  	s5 =	sadd.s32 @p0 $0x11B8D, s5;
	s6 =	sshll.u32 @p0 s4, $0x11  }
0x22: {  	s5 =	sor.u32 @p0 s6, s5  }
0x23: {  	[sflag:s5] =	ssyncadd.remote.s32 @p0 $0x1;
	_ =	sdelay $0x1  }
0x24: {  	s5 =	simm.s32 @p0 $0x1B8D  }
0x25: {  	_ =	swait.eq @p0 [sflag:s5], $0x1  }
0x26: {  	[sflag:s5] =	ssyncadd.s32 @p0 $0xFFFFFFFF  }
0x27: {  	s6 =	sshll.u32 @!p0 s1, $0xE  }
0x28: {  	s6 =	sor.u32 @!p0 $0x4000, s6;
	s5 =	simm.s32 @!p0 $0x1B8D  }
0x29: {  	s4 =	sshll.u32 @!p0 s4, $0x11;
	s6 =	sadd.s32 @!p0 $0x11B8D, s6;
	_ =	swait.eq @!p0 [sflag:s5], $0x1  }
0x2a: {  	s4 =	sor.u32 @!p0 s4, s6;
	[sflag:s5] =	ssyncadd.s32 @!p0 $0xFFFFFFFF  }
0x2b: {  	s26 =	simm.s32 $0x1B8E;
	s25 =	sld [smem:$0x3FFE];
	[sflag:s4] =	ssyncadd.remote.s32 @!p0 $0x1  }
0x2c: {  	s27 =	simm.s32 $execute0_lowered;
	[smem:$0x3FD2] =	sst s26  }
0x2d: {  	s5 =	sshll.u32 s27, $0x1;
	_ =	strace $0x80000055;
	[dreg:$0x1] =	wrdreg $0xFFFFFFFF  }
0x2e: {  	s28 =	simm.s32 $_size_execute0_lowered;
	s3 =	sadd.s32 s3, s5;
	[dreg:$0x0] =	wrdreg $0x0  }
0x2f: {  	s5 =	sshll.u32 s28, $0x1;
	[dreg:$0x2] =	wrdreg s3  }
0x30: {  	[dreg:$0x3] =	wrdreg s5  }
0x31: {  	[dreg:$0x4] =	wrdreg $0xC0  }
0x32: {  	_ =	task [dreg:s23], $0x5FFFF  }
0x33: {  	[dreg:$0x1] =	wrdreg $0xFFFFFFFF  }
0x34: {  	[dreg:$0x0] =	wrdreg $0x60  }
0x35: {  	[dreg:$0x2] =	wrdreg s25  }
0x36: {  	[dreg:$0x3] =	wrdreg $0xA  }
0x37: {  	_ =	task.clear_ibuf [dreg:s23], $0x4FFFF;
	_ =	strace $0x90000055  }
0x38: {  	s29 =	simm.s32 $0xA;
	_ =	strace $0x80000057  }
0x39: {  	_ =	swait.ge [sflag:s29], $0x1  }
0x3a: {  	[sflag:s29] =	ssyncadd.s32 $0xFFFFFFFF  }
0x3b: {  	_ =	strace $0x90000057  }
0x3c: {  	_ =	sfence  }
0x3d: {  	s30 =	sld [smem:$0x0];
	_ =	sdelay $0x2  }
0x3e: {  	s31 =	sshll.u32 s1, $0xD;
	s1 =	sshrl.u32 s1, $0x2  }
0x3f: {  	s4 =	sand.u32 $0x4000, s31;
	s1 =	sadd.s32 s1, s30  }
0x40: {  	s0 =	sor.u32 s4, s0;
	s1 =	sshll.u32 s1, $0x11  }
0x41: {  	s0 =	sor.u32 s1, s0  }
0x42: {  	s0 =	sadd.s32 $0x8F2B, s0  }
0x43: {  	[sflag:s0] =	ssyncadd.remote.s32 $0x1  }
0x44: {  	_ =	sfence.sel $0xFFFF  }
0x45: {  	[dreg:$0x0] =	wrdreg $0xFFFFFFFF;
	(pc) =	sbr.abs _section_cstart, $3  }
0x46: {  	[dreg:$0x1] =	wrdreg $0xFFFFFFFF  }
0x47: {  	_ =	task.clear_ibuf [dreg:s23], $0x2FFFF;
	_ =	strace $0x9FFFFFFF  }
0x48: {  	(tm) =	ssettm $0x7FFFFFFF  }
0x49: {  	_ =	shalt  }
tec
execute0_lowered:
.L_overlay_start_1:
0x0: {  	(tag) =	ssettag $0x1  }
0x1: {  	s0 =	srdreg.scid  }
0x2: {  	s1 =	sshll.u32 s0, $0x4  }
0x3: {  	s0 =	stileid.u32;
	s1 =	sand.u32 $0x10, s1  }
0x4: {  	s1 =	sor.u32 s0, s1  }
0x5: {  	s6 =	rddreg [dreg:$0x0];
	s7 =	simm.s32 $0x2;
	s2 =	sshll.u32 s1, $0x7  }
0x6: {  	s12 =	simm.s32 $0x0;
	s8 =	simm.s32 $0xA000;
	s1 =	ssub.s32 $0x1400, s2  }
0x7: {  	s13 =	simm.s32 $0x0;
	s9 =	simm.s32 $0x0;
	s3 =	sand.u32 $0xF80, s1  }
0x8: {  	s11 =	simm.s32 $0x0;
	p0 =	sne.s32 s3, $0x0;
	s3 =	simm.s32 $0x1  }
.Ltmp0:
0x9: {  	s4 =	sshrl.u32 s1, $0xC;
	s3 =	simm.s32 @!p0 $0x0;
	(pc) =	sbr.rel .LBB1_1-.Ltmp0, $4  }
0xa: {  	s5 =	sadd.s32 $0x66DE00, s6;
	s1 =	rddreg [dreg:$0x1];
	s4 =	sadd.s32 s3, s4  }
0xb: {  	_ =	strace $0x80000056;
	s3 =	simm.s32 $0x1;
	s4 =	smul.u32 $0x28, s4  }
0xc: {  	s6 =	sadd.s32 $0x2D600, s6;
	s10 =	smov.u32 s2;
	[sflag:s3] =	ssyncpa.u1 $0x0  }
0xd: {  	p0 =	por $0x0, $0x0;
	[sflag:s7] =	ssyncpa.u1 $0x0;
	s7 =	sor.u32 $0x1, s4  }
.LBB1_4:
0xe: {  	s19 =	sshrl.u32 s12, $0x3  }
0xf: {  	s20 =	sshll.u32 s13, $0x3;
	s24 =	sshll.u32 s12, $0x7;
	s19 =	smul.u32 $0xA000, s19  }
0x10: {  	s25 =	sand.u32 $0x7F, s13;
	s20 =	sand.u32 $0xFFFFFC00, s20;
	s12 =	sand.u32 $0x380, s24  }
0x11: {  	v5 =	vld [tilespmem:s16+$0xFFFFFFD0];
	[tilespmem:s17+$0x2040 ss:$0x81] =	vst.msk $0xffff, v3;
	s12 =	sor.u32 s25, s12;
	s19 =	sadd.s32 s20, s19  }
0x12: {  	v58 =	vld [tilespmem:s16+$0xFFFFFFE0];
	[tilespmem:s17+$0x2850 ss:$0x81] =	vst.msk $0xffff, v4;
	s12 =	sor.u32 s19, s12;
	s26 =	smulhi.u32 $0xCCCCCCCD, s19  }
0x13: {  	s18 =	sshra.s32 s18, $0x2;
	v59 =	vld [tilespmem:s16+$0xFFFFFFF0];
	[tilespmem:s17+$0x3060 ss:$0x81] =	vst.msk $0xffff, v2;
	s27 =	smulhi.u32 $0xCCCCCCCD, s12  }
0x14: {  	v60 =	vld [tilespmem:s16+$0x0];
	[tilespmem:s17+$0x0 ss:$0x81] =	vst.msk $0xffff, v0;
	s15 =	sadd.s32 s18, s15;
	s13 =	sshrl.u32 s26, $0xC  }
0x15: {  	v61 =	vld [tilespmem:s16+$0x10];
	[tilespmem:s15+$0x3870 ss:$0x81] =	vst.msk $0xffff, v1;
	s28 =	sshrl.u32 s27, $0xC;
	s29 =	smulhi.u32 $0xCCCCD, s13  }
0x16: {  	v62 =	vld [tilespmem:s16+$0x20];
	[tilespmem:s15+$0x810 ss:$0x81] =	vst.msk $0xffff, v5;
	s17 =	smul.u32 $0x1400, s28  }
0x17: {  	v63 =	vld [tilespmem:s16+$0xFFFFFFC0];
	[tilespmem:s15+$0x1020 ss:$0x81] =	vst.msk $0xffff, v58;
	s30 =	smul.u32 $0x1400, s29  }
0x18: {  	[tilespmem:s15+$0x1830 ss:$0x81] =	vst.msk $0xffff, v59  }
0x19: {  	[tilespmem:s15+$0x2040 ss:$0x81] =	vst.msk $0xffff, v60;
	s12 =	ssub.s32 s12, s17;
	s13 =	ssub.s32 s13, s30  }
0x1a: {  	[tilespmem:s15+$0x2850 ss:$0x81] =	vst.msk $0xffff, v61;
	s31 =	sshrl.u32 s12, $0x3;
	s12 =	sand.u32 $0x7, s12;
	s13 =	smul.u32 $0x280, s13  }
0x1b: {  	[tilespmem:s15+$0x3060 ss:$0x81] =	vst.msk $0xffff, v62;
	s16 =	sadd.s32 s6, s31;
	s12 =	sshll.u32 s12, $0x12  }
0x1c: {  	[tilespmem:s15+$0x0 ss:$0x81] =	vst.msk $0xffff, v63;
	s12 =	sor.u32 $0x400, s12;
	s13 =	sadd.s32 s13, s16  }
0x1d: {  	[hbm4b:s13+s12] =	stream.strided.scatter [tilespmem:s14], [sflag:$0x2], $0x4000, s8, s12, $0x20;
	[tilespmem:$0x10100] =	vst v63  }
.LBB1_5:
0x1e: {  	s14 =	sadd.s32 $0x80, s9  }
0x1f: {  	s12 =	sadd.s32 $0x1000, s10;
	s16 =	smov.u32 s10;
	p2 =	sgt.s32 s14, $0x13FF  }
0x20: {  	s16 =	smov.u32 @p2 s12  }
0x21: {  	s14 =	simm.s32 @p2 $0x0;
	p2 =	sgt.s32 s16, $0x13FF  }
0x22: {  	s16 =	smov.u32 @p2 s2;
	p2 =	sne.s32 s11, s7  }
.Ltmp1:
0x23: {  	p1 =	slt.u32 s11, $0x2;
	(pc) =	sbr.rel @!p2 .LBB1_6-.Ltmp1, $4  }
0x24: {  	s15 =	simm.s32 @!p1 $0x2  }
0x25: {  	s13 =	smov.u32 s10;
	p0 =	por !p0, !p0;
	_ =	swait.ge @!p1 [sflag:s15], $0x4000  }
0x26: {  	s12 =	smov.u32 s9;
	[sflag:s15] =	ssyncset.done @!p1 $0x0;
	s9 =	smov.u32 s14  }
0x27: {  	s11 =	sadd.s32 $0x1, s11;
	[sflag:s15] =	ssyncadd.s32 @!p1 $0xFFFFC000;
	s10 =	smov.u32 s16  }
.LBB1_1:
0x28: {  	p1 =	sge.u32 s11, s4  }
0x29: {  	s14 =	sshrl.u32 @!p1 s10, $0x3  }
0x2a: {  	s15 =	sshll.u32 @!p1 s9, $0x3;
	s16 =	sshll.u32 @!p1 s10, $0x7;
	s14 =	smul.u32 @!p1 $0xA000, s14  }
0x2b: {  	s17 =	sand.u32 @!p1 $0x7F, s9;
	s15 =	sand.u32 @!p1 $0xFFFFFC00, s15;
	s16 =	sand.u32 @!p1 $0x380, s16  }
0x2c: {  	s14 =	sadd.s32 @!p1 s14, s15;
	s15 =	sor.u32 @!p1 s17, s16  }
0x2d: {  	s15 =	sor.u32 @!p1 s14, s15;
	s14 =	smulhi.u32 @!p1 $0xCCCCCCCD, s14  }
0x2e: {  	s16 =	smulhi.u32 @!p1 $0xCCCCCCCD, s15  }
0x2f: {  	s14 =	sshrl.u32 @!p1 s14, $0xC  }
0x30: {  	s16 =	sshrl.u32 @!p1 s16, $0xC;
	s17 =	smulhi.u32 @!p1 $0xCCCCD, s14  }
0x31: {  	s16 =	smul.u32 @!p1 $0x1400, s16  }
0x32: {  	s17 =	smul.u32 @!p1 $0x1400, s17  }
0x33: {  	s31 =	sadd.s32 $0xFFFFFFFF, s11;
	s18 =	sxor.u32 @!p1 $0xFFFFFFFF, s11  }
0x34: {  	s15 =	ssub.s32 @!p1 s15, s16;
	s16 =	sshll.u32 @!p1 s18, $0xE;
	s14 =	ssub.s32 @!p1 s14, s17  }
0x35: {  	s17 =	sshrl.u32 @!p1 s15, $0x3;
	s15 =	sand.u32 @!p1 $0x7, s15;
	s14 =	smul.u32 @!p1 $0x280, s14  }
0x36: {  	s16 =	sand.u32 @!p1 $0x4000, s16;
	s17 =	sadd.s32 @!p1 s5, s17;
	s15 =	sshll.u32 @!p1 s15, $0x12  }
0x37: {  	s15 =	sor.u32 @!p1 $0x400, s15;
	s14 =	sadd.s32 @!p1 s14, s17;
	s17 =	simm.s32 @!p1 $0xA000  }
0x38: {  	[tilespmem:s16], [sflag:$0x1] =	stream.strided.gather @!p1 [hbm4b:s14+s15], $0x4000, s17, s15, $0x38;
	[tilespmem:$0x10100] =	vst v63  }
0x39: {  	p1 =	sge.u32 s31, s4  }
.Ltmp2:
0x3a: {  	_ = 	snop;
	(pc) =	sbr.rel @p1 .LBB1_5-.Ltmp2, $1  }
0x3b: {  	_ =	sdelay $0x3  }
0x3c: {  	s14 =	simm.s32 $0x1  }
0x3d: {  	_ =	swait.ge [sflag:s3], $0x4000;
	s14 =	simm.s32 @!p0 $0x0  }
0x3e: {  	[sflag:s3] =	ssyncset.done $0x0;
	s15 =	sshll.u32 s14, $0xE  }
0x3f: {  	[sflag:s3] =	ssyncadd.s32 $0xFFFFC000;
	s16 =	sor.u32 $0x40, s15  }
0x40: {  	s14 =	smul.u32 $0x10200, s14;
	v0 =	vld [tilespmem:s16+$0x30]  }
0x41: {  	v1 =	vld [tilespmem:s16+$0xFFFFFFD0]  }
0x42: {  	s14 =	sshrl.u32 s14, $0x2;
	v5 =	vld [tilespmem:s16+$0xFFFFFFE0]  }
0x43: {  	v6 =	vld [tilespmem:s16+$0xFFFFFFF0];
	s15 =	sor.u32 $0x8000, s14  }
0x44: {  	s31 =	sand.u32 $0x1, s11;
	v3 =	vld [tilespmem:s16+$0x0];
	s17 =	sadd.s32 $0x0, s15  }
0x45: {  	v4 =	vld [tilespmem:s16+$0x10];
	s14 =	smul.u32 $0x10200, s31;
	[tilespmem:s17+$0x3870 ss:$0x81] =	vst.msk $0xffff, v0  }
0x46: {  	v2 =	vld [tilespmem:s16+$0x20];
	[tilespmem:s17+$0x810 ss:$0x81] =	vst.msk $0xffff, v1  }
0x47: {  	s14 =	sshrl.u32 s14, $0x2;
	v0 =	vld [tilespmem:s16+$0xFFFFFFC0];
	[tilespmem:s17+$0x1020 ss:$0x81] =	vst.msk $0xffff, v5;
	s16 =	sadd.s32 $0x80, s16  }
0x48: {  	s18 =	simm.s32 $0x4;
	s19 =	simm.s32 $0x8;
	s14 =	sor.u32 $0x8000, s14;
	[tilespmem:s17+$0x1830 ss:$0x81] =	vst.msk $0xffff, v6;
	v1 =	vld [tilespmem:s16+$0x30]  }
.LBB1_3:
0x49: {  	p1 =	sne.s32 s19, $0x1FC;
	v5 =	vld [tilespmem:s16+$0xFFFFFFD0];
	[tilespmem:s17+$0x2040 ss:$0x81] =	vst.msk $0xffff, v3  }
0x4a: {  	v6 =	vld [tilespmem:s16+$0xFFFFFFE0];
	[tilespmem:s17+$0x2850 ss:$0x81] =	vst.msk $0xffff, v4  }
0x4b: {  	s20 =	sshra.s32 s18, $0x2;
	s18 =	smov.u32 s19;
	v7 =	vld [tilespmem:s16+$0xFFFFFFF0];
	[tilespmem:s17+$0x3060 ss:$0x81] =	vst.msk $0xffff, v2  }
.Ltmp3:
0x4c: {  	v3 =	vld [tilespmem:s16+$0x0];
	[tilespmem:s17+$0x0 ss:$0x81] =	vst.msk $0xffff, v0;
	s17 =	sadd.s32 s20, s15;
	(pc) =	sbr.rel @p1 .LBB1_3-.Ltmp3, $4  }
0x4d: {  	v4 =	vld [tilespmem:s16+$0x10];
	[tilespmem:s17+$0x3870 ss:$0x81] =	vst.msk $0xffff, v1  }
0x4e: {  	[tilespmem:s17+$0x810 ss:$0x81] =	vst.msk $0xffff, v5;
	v2 =	vld [tilespmem:s16+$0x20]  }
0x4f: {  	v0 =	vld [tilespmem:s16+$0xFFFFFFC0];
	[tilespmem:s17+$0x1020 ss:$0x81] =	vst.msk $0xffff, v6;
	s16 =	sadd.s32 $0x80, s16  }
0x50: {  	s19 =	sadd.s32 $0x4, s19;
	v1 =	vld [tilespmem:s16+$0x30];
	[tilespmem:s17+$0x1830 ss:$0x81] =	vst.msk $0xffff, v7  }
.Ltmp4:
0x51: {  	_ = 	snop;
	(pc) =	sbr.rel .LBB1_4-.Ltmp4, $1  }
0x52: {  	_ =	sdelay $0x3  }
.LBB1_6:
0x53: {  	_ =	sfence.sel $0x180000  }
0x54: {  	s2 =	simm.s32 $0x1;
	[bflag:$0x0] =	sbarrier.arrive $0xFFFF  }
0x55: {  	s31 =	simm.s32 $0x2;
	[sflag:s2] =	ssyncpa.u1 $0x1  }
0x56: {  	[sflag:s31] =	ssyncpa.u1 $0x1  }
0x57: {  	p0 =	sne.s32 s0, $0x0;
	_ =	strace $0x90000056  }
0x58: {  	s0 =	sadd.s32 @!p0 $0x100000, s1;
	[bflag:$0x2] =	sbarrier.arrive $0xFFFF  }
0x59: {  	[sflag:s0] =	ssyncadd.tile.s32 @!p0 $0x1;
	_ =	shalt  }
.Lfunc_end1:
_tile_overlayer_lowered:
.L_overlay_start_2:
0x5a: {  	(tag) =	ssettag $0x2  }
0x5b: {  	s0 =	rddreg [dreg:$0x0];
	s2 =	stileid.u32  }
0x5c: {  	s1 =	rddreg [dreg:$0x1];
	p0 =	sne.s32 s2, $0x0  }
0x5d: {  	s3 =	rddreg [dreg:$0x2];
	[bflag:$0x3] =	sbarrier.arrive $0xFFFF;
	s2 =	simm.s32 @!p0 $0x1C01  }
0x5e: {  	[timem:s3], [sflag:s2] =	dma.local @!p0 [hbm:s0], s1  }
0x5f: {  	s0 =	simm.s32 @!p0 $0x1  }
0x60: {  	_ =	swait.ge @!p0 [sflag:s0], s1  }
0x61: {  	s1 =	ssub.s32 @!p0 $0x0, s1;
	[sflag:s0] =	ssyncset.done @!p0 $0x0  }
0x62: {  	[sflag:s0] =	ssyncadd.s32 @!p0 s1  }
0x63: {  	[bflag:$0x3] =	sbarrier.arrive $0xFFFF  }
0x64: {  	_ =	shalt  }

// kernel: sparse-core-data-format-call.2.cloned.1.call-start
scs
called_computation.3_lowered:
.L_overlay_start_0:
0x0: {  	s1 =	sld [smem:$0x3FD9]  }
0x1: {  	s2 =	sld [smem:$0x3FFE];
	_ =	sdelay $0x1  }
0x2: {  	s3 =	srdreg.scid  }
0x3: {  	s0 =	sand.u32 $0x1, s3  }
0x4: {  	s17 =	sshll.u32 s0, $0xA;
	s1 =	sadd.s32 s2, s1  }
0x5: {  	s1 =	sadd.s32 s1, s17  }
0x6: {  	[smem:$0x3F95] =	sst s1  }
0x7: {  	_ = 	snop  }
0x8: {  	(tm) =	ssettm $0x1  }
0x9: {  	s18 =	sld [smem:$0x3FFB];
	_ =	sdelay $0x3  }
0xa: {  	_ =	strace s18  }
0xb: {  	s1 =	sld [smem:$0x3FFC];
	_ =	sdelay $0x3  }
0xc: {  	_ =	strace s1  }
0xd: {  	s1 =	sld [smem:$0x3FFD];
	_ =	sdelay $0x3  }
0xe: {  	_ =	strace s1  }
0xf: {  	_ =	strace $0x8FFFFFFF  }
0x10: {  	s19 =	sld [smem:$0x3FDB];
	_ =	sdelay $0x1  }
0x11: {  	s20 =	simm.s32 $_scs_section_size  }
0x12: {  	s4 =	simm.s32 $_size__tile_overlayer_lowered;
	s5 =	simm.s32 $_tile_overlayer_lowered  }
0x13: {  	s23 =	simm.s32 $0x1BFF;
	s22 =	sshll.u32 s5, $0x1;
	s1 =	sadd.s32 s20, s19  }
0x14: {  	s6 =	simm.s32 $0x0;
	s21 =	sshll.u32 s4, $0x1;
	s4 =	sadd.s32 s22, s1  }
0x15: {  	[timem:s6], [sflag:s23] =	dma.local [hbm:s4], s21  }
0x16: {  	_ =	swait.ge [sflag:s23], s21  }
0x17: {  	s2 =	ssub.s32 $0x0, s21;
	[sflag:s23] =	ssyncset.done $0x0  }
0x18: {  	[sflag:s23] =	ssyncadd.s32 s2;
	_ =	sdelay $0x1  }
0x19: {  	s24 =	simm.s32 $0x1B8B  }
0x1a: {  	_ =	swait.ge [sflag:s24], $0x1  }
0x1b: {  	[sflag:s24] =	ssyncset.done $0x0  }
0x1c: {  	s26 =	simm.s32 $0x1B8E;
	s25 =	sld [smem:$0x3FFE];
	[sflag:s24] =	ssyncadd.s32 $0xFFFFFFFF  }
0x1d: {  	s27 =	simm.s32 $execute0_lowered;
	[smem:$0x3FD2] =	sst s26  }
0x1e: {  	s4 =	sshll.u32 s27, $0x1;
	_ =	strace $0x8000004C;
	[dreg:$0x1] =	wrdreg $0xFFFFFFFF  }
0x1f: {  	s28 =	simm.s32 $_size_execute0_lowered;
	s1 =	sadd.s32 s1, s4;
	[dreg:$0x0] =	wrdreg $0x0  }
0x20: {  	s4 =	sshll.u32 s28, $0x1;
	[dreg:$0x2] =	wrdreg s1  }
0x21: {  	[dreg:$0x3] =	wrdreg s4  }
0x22: {  	[dreg:$0x4] =	wrdreg $0xC0  }
0x23: {  	_ =	task [dreg:s6], $0x5FFFF  }
0x24: {  	[dreg:$0x1] =	wrdreg $0xFFFFFFFF  }
0x25: {  	[dreg:$0x0] =	wrdreg $0x60  }
0x26: {  	[dreg:$0x2] =	wrdreg s25  }
0x27: {  	[dreg:$0x3] =	wrdreg $0x9  }
0x28: {  	_ =	task.clear_ibuf [dreg:s6], $0x4FFFF;
	_ =	strace $0x9000004C  }
0x29: {  	s29 =	simm.s32 $0x9;
	_ =	strace $0x8000004E  }
0x2a: {  	_ =	swait.ge [sflag:s29], $0x1  }
0x2b: {  	[sflag:s29] =	ssyncadd.s32 $0xFFFFFFFF  }
0x2c: {  	_ =	strace $0x9000004E  }
0x2d: {  	_ =	sfence  }
0x2e: {  	s30 =	sld [smem:$0x0];
	_ =	sdelay $0x2  }
0x2f: {  	s31 =	sshll.u32 s3, $0xD;
	s3 =	sshrl.u32 s3, $0x2  }
0x30: {  	s2 =	sand.u32 $0x4000, s31;
	s1 =	sadd.s32 s3, s30  }
0x31: {  	s0 =	sor.u32 s2, s0;
	s1 =	sshll.u32 s1, $0x11  }
0x32: {  	s0 =	sor.u32 s1, s0  }
0x33: {  	s0 =	sadd.s32 $0x8F2B, s0  }
0x34: {  	[sflag:s0] =	ssyncadd.remote.s32 $0x1  }
0x35: {  	_ =	sfence.sel $0xFFFF  }
0x36: {  	[dreg:$0x0] =	wrdreg $0xFFFFFFFF;
	(pc) =	sbr.abs _section_cstart, $3  }
0x37: {  	[dreg:$0x1] =	wrdreg $0xFFFFFFFF  }
0x38: {  	_ =	task.clear_ibuf [dreg:s6], $0x2FFFF;
	_ =	strace $0x9FFFFFFF  }
0x39: {  	(tm) =	ssettm $0x7FFFFFFF  }
tec
execute0_lowered:
.L_overlay_start_1:
0x0: {  	(tag) =	ssettag $0x1  }
0x1: {  	s0 =	srdreg.scid  }
0x2: {  	s1 =	sshll.u32 s0, $0x4  }
0x3: {  	s0 =	stileid.u32;
	s1 =	sand.u32 $0x10, s1  }
0x4: {  	s1 =	sor.u32 s0, s1  }
0x5: {  	s6 =	rddreg [dreg:$0x0];
	s7 =	simm.s32 $0x2;
	s2 =	sshll.u32 s1, $0x7  }
0x6: {  	s12 =	simm.s32 $0x0;
	s8 =	simm.s32 $0xA000;
	s1 =	ssub.s32 $0x2800, s2  }
0x7: {  	s13 =	simm.s32 $0x0;
	s10 =	simm.s32 $0x0;
	s3 =	sand.u32 $0xF80, s1  }
0x8: {  	s11 =	simm.s32 $0x0;
	p0 =	sne.s32 s3, $0x0;
	s3 =	simm.s32 $0x1  }
.Ltmp0:
0x9: {  	s4 =	sshrl.u32 s1, $0xC;
	s3 =	simm.s32 @!p0 $0x0;
	(pc) =	sbr.rel .LBB1_1-.Ltmp0, $4  }
0xa: {  	s5 =	sadd.s32 $0x66DE00, s6;
	s1 =	rddreg [dreg:$0x1];
	s4 =	sadd.s32 s3, s4  }
0xb: {  	_ =	strace $0x8000004D;
	s3 =	simm.s32 $0x1;
	s4 =	smul.u32 $0x28, s4  }
0xc: {  	s6 =	sadd.s32 $0x2DC00, s6;
	s9 =	smov.u32 s2;
	[sflag:s3] =	ssyncpa.u1 $0x0  }
0xd: {  	p0 =	por $0x0, $0x0;
	[sflag:s7] =	ssyncpa.u1 $0x0;
	s7 =	sor.u32 $0x1, s4  }
.LBB1_4:
0xe: {  	s19 =	sshrl.u32 s12, $0x3  }
0xf: {  	s20 =	sshll.u32 s13, $0x3;
	s19 =	smul.u32 $0xA000, s19  }
0x10: {  	s25 =	sshll.u32 s12, $0x7;
	s20 =	sand.u32 $0xFFFFFC00, s20  }
0x11: {  	s26 =	sand.u32 $0x7F, s13;
	s12 =	sand.u32 $0x380, s25;
	s19 =	sadd.s32 s20, s19  }
0x12: {  	v5 =	vld [tilespmem:s16+$0xFFFFFFD0];
	[tilespmem:s17+$0x2040 ss:$0x81] =	vst.msk $0xffff, v4;
	s12 =	sor.u32 s26, s12;
	s27 =	smulhi.u32 $0xCCCCCCCD, s19  }
0x13: {  	v58 =	vld [tilespmem:s16+$0xFFFFFFE0];
	[tilespmem:s17+$0x2850 ss:$0x81] =	vst.msk $0xffff, v3;
	s12 =	sor.u32 s19, s12  }
0x14: {  	s18 =	sshra.s32 s18, $0x2;
	v59 =	vld [tilespmem:s16+$0xFFFFFFF0];
	[tilespmem:s17+$0x3060 ss:$0x81] =	vst.msk $0xffff, v2;
	s19 =	smulhi.u32 $0xCCCCCCCD, s12;
	s13 =	sshrl.u32 s27, $0xC  }
0x15: {  	v60 =	vld [tilespmem:s16+$0x0];
	[tilespmem:s17+$0x0 ss:$0x81] =	vst.msk $0xffff, v0;
	s15 =	sadd.s32 s18, s15;
	s28 =	smulhi.u32 $0xCCCCD, s13  }
0x16: {  	v61 =	vld [tilespmem:s16+$0x10];
	[tilespmem:s15+$0x3870 ss:$0x81] =	vst.msk $0xffff, v1;
	s29 =	sshrl.u32 s19, $0xC  }
0x17: {  	v62 =	vld [tilespmem:s16+$0x20];
	[tilespmem:s15+$0x810 ss:$0x81] =	vst.msk $0xffff, v5;
	s18 =	smul.u32 $0x1400, s29;
	s17 =	sshrl.u32 s28, $0x1  }
0x18: {  	v63 =	vld [tilespmem:s16+$0xFFFFFFC0];
	[tilespmem:s15+$0x1020 ss:$0x81] =	vst.msk $0xffff, v58;
	s30 =	smul.u32 $0x2800, s17  }
0x19: {  	[tilespmem:s15+$0x1830 ss:$0x81] =	vst.msk $0xffff, v59  }
0x1a: {  	[tilespmem:s15+$0x2040 ss:$0x81] =	vst.msk $0xffff, v60;
	s12 =	ssub.s32 s12, s18;
	s13 =	ssub.s32 s13, s30  }
0x1b: {  	[tilespmem:s15+$0x2850 ss:$0x81] =	vst.msk $0xffff, v61;
	s31 =	sshrl.u32 s12, $0x3;
	s12 =	sand.u32 $0x7, s12;
	s13 =	smul.u32 $0x280, s13  }
0x1c: {  	[tilespmem:s15+$0x3060 ss:$0x81] =	vst.msk $0xffff, v62;
	s16 =	sadd.s32 s6, s31;
	s12 =	sshll.u32 s12, $0x12  }
0x1d: {  	[tilespmem:s15+$0x0 ss:$0x81] =	vst.msk $0xffff, v63;
	s12 =	sor.u32 $0x400, s12;
	s13 =	sadd.s32 s13, s16  }
0x1e: {  	[hbm4b:s13+s12] =	stream.strided.scatter [tilespmem:s14], [sflag:$0x2], $0x4000, s8, s12, $0x20;
	[tilespmem:$0x10100] =	vst v63  }
.LBB1_5:
0x1f: {  	s14 =	sadd.s32 $0x1000, s9  }
0x20: {  	s12 =	sadd.s32 $0x80, s10;
	s16 =	smov.u32 s10;
	p2 =	sgt.s32 s14, $0x27FF  }
0x21: {  	s16 =	smov.u32 @p2 s12  }
0x22: {  	s14 =	smov.u32 @p2 s2;
	p2 =	sgt.s32 s16, $0x13FF  }
0x23: {  	s16 =	simm.s32 @p2 $0x0;
	p2 =	sne.s32 s11, s7  }
.Ltmp1:
0x24: {  	p1 =	slt.u32 s11, $0x2;
	(pc) =	sbr.rel @!p2 .LBB1_6-.Ltmp1, $4  }
0x25: {  	s15 =	simm.s32 @!p1 $0x2  }
0x26: {  	s13 =	smov.u32 s10;
	p0 =	por !p0, !p0;
	_ =	swait.ge @!p1 [sflag:s15], $0x4000  }
0x27: {  	s12 =	smov.u32 s9;
	[sflag:s15] =	ssyncset.done @!p1 $0x0;
	s9 =	smov.u32 s14  }
0x28: {  	s11 =	sadd.s32 $0x1, s11;
	[sflag:s15] =	ssyncadd.s32 @!p1 $0xFFFFC000;
	s10 =	smov.u32 s16  }
.LBB1_1:
0x29: {  	p1 =	sge.u32 s11, s4  }
0x2a: {  	s14 =	sshrl.u32 @!p1 s10, $0x3  }
0x2b: {  	s15 =	sshll.u32 @!p1 s9, $0x3;
	s16 =	sshll.u32 @!p1 s10, $0x7;
	s14 =	smul.u32 @!p1 $0x14000, s14  }
0x2c: {  	s17 =	sand.u32 @!p1 $0x7F, s9;
	s15 =	sand.u32 @!p1 $0xFFFFFC00, s15;
	s16 =	sand.u32 @!p1 $0x380, s16  }
0x2d: {  	s14 =	sadd.s32 @!p1 s14, s15;
	s15 =	sor.u32 @!p1 s17, s16  }
0x2e: {  	s15 =	sor.u32 @!p1 s14, s15;
	s14 =	smulhi.u32 @!p1 $0xCCCCCCCD, s14  }
0x2f: {  	s16 =	smulhi.u32 @!p1 $0xCCCCCCCD, s15  }
0x30: {  	s14 =	sshrl.u32 @!p1 s14, $0xD  }
0x31: {  	s16 =	sshrl.u32 @!p1 s16, $0xD;
	s17 =	smulhi.u32 @!p1 $0xCCCCD, s14  }
0x32: {  	s16 =	smul.u32 @!p1 $0x2800, s16  }
0x33: {  	s17 =	smul.u32 @!p1 $0x1400, s17  }
0x34: {  	s31 =	sadd.s32 $0xFFFFFFFF, s11;
	s18 =	sxor.u32 @!p1 $0xFFFFFFFF, s11  }
0x35: {  	s15 =	ssub.s32 @!p1 s15, s16;
	s16 =	sshll.u32 @!p1 s18, $0xE;
	s14 =	ssub.s32 @!p1 s14, s17  }
0x36: {  	s17 =	sshrl.u32 @!p1 s15, $0x3;
	s15 =	sand.u32 @!p1 $0x7, s15;
	s14 =	smul.u32 @!p1 $0x500, s14  }
0x37: {  	s16 =	sand.u32 @!p1 $0x4000, s16;
	s17 =	sadd.s32 @!p1 s5, s17;
	s15 =	sshll.u32 @!p1 s15, $0x12  }
0x38: {  	s15 =	sor.u32 @!p1 $0x400, s15;
	s14 =	sadd.s32 @!p1 s14, s17;
	s17 =	simm.s32 @!p1 $0x14000  }
0x39: {  	[tilespmem:s16], [sflag:$0x1] =	stream.strided.gather @!p1 [hbm4b:s14+s15], $0x4000, s17, s15, $0x38;
	[tilespmem:$0x10100] =	vst v63  }
0x3a: {  	p1 =	sge.u32 s31, s4  }
.Ltmp2:
0x3b: {  	_ = 	snop;
	(pc) =	sbr.rel @p1 .LBB1_5-.Ltmp2, $1  }
0x3c: {  	_ =	sdelay $0x3  }
0x3d: {  	s14 =	simm.s32 $0x1  }
0x3e: {  	_ =	swait.ge [sflag:s3], $0x4000;
	s14 =	simm.s32 @!p0 $0x0  }
0x3f: {  	[sflag:s3] =	ssyncset.done $0x0;
	s15 =	sshll.u32 s14, $0xE  }
0x40: {  	[sflag:s3] =	ssyncadd.s32 $0xFFFFC000;
	s16 =	sor.u32 $0x40, s15  }
0x41: {  	s14 =	smul.u32 $0x10200, s14;
	v0 =	vld [tilespmem:s16+$0x30]  }
0x42: {  	v1 =	vld [tilespmem:s16+$0xFFFFFFD0]  }
0x43: {  	s14 =	sshrl.u32 s14, $0x2;
	v5 =	vld [tilespmem:s16+$0xFFFFFFE0]  }
0x44: {  	v6 =	vld [tilespmem:s16+$0xFFFFFFF0];
	s15 =	sor.u32 $0x8000, s14  }
0x45: {  	s31 =	sand.u32 $0x1, s11;
	v4 =	vld [tilespmem:s16+$0x0];
	s17 =	sadd.s32 $0x0, s15  }
0x46: {  	v3 =	vld [tilespmem:s16+$0x10];
	s14 =	smul.u32 $0x10200, s31;
	[tilespmem:s17+$0x3870 ss:$0x81] =	vst.msk $0xffff, v0  }
0x47: {  	v2 =	vld [tilespmem:s16+$0x20];
	[tilespmem:s17+$0x810 ss:$0x81] =	vst.msk $0xffff, v1  }
0x48: {  	s14 =	sshrl.u32 s14, $0x2;
	v0 =	vld [tilespmem:s16+$0xFFFFFFC0];
	[tilespmem:s17+$0x1020 ss:$0x81] =	vst.msk $0xffff, v5;
	s16 =	sadd.s32 $0x80, s16  }
0x49: {  	s18 =	simm.s32 $0x4;
	s19 =	simm.s32 $0x8;
	s14 =	sor.u32 $0x8000, s14;
	[tilespmem:s17+$0x1830 ss:$0x81] =	vst.msk $0xffff, v6;
	v1 =	vld [tilespmem:s16+$0x30]  }
.LBB1_3:
0x4a: {  	p1 =	sne.s32 s19, $0x1FC;
	v5 =	vld [tilespmem:s16+$0xFFFFFFD0];
	[tilespmem:s17+$0x2040 ss:$0x81] =	vst.msk $0xffff, v4  }
0x4b: {  	v6 =	vld [tilespmem:s16+$0xFFFFFFE0];
	[tilespmem:s17+$0x2850 ss:$0x81] =	vst.msk $0xffff, v3  }
0x4c: {  	s20 =	sshra.s32 s18, $0x2;
	s18 =	smov.u32 s19;
	v7 =	vld [tilespmem:s16+$0xFFFFFFF0];
	[tilespmem:s17+$0x3060 ss:$0x81] =	vst.msk $0xffff, v2  }
.Ltmp3:
0x4d: {  	v4 =	vld [tilespmem:s16+$0x0];
	[tilespmem:s17+$0x0 ss:$0x81] =	vst.msk $0xffff, v0;
	s17 =	sadd.s32 s20, s15;
	(pc) =	sbr.rel @p1 .LBB1_3-.Ltmp3, $4  }
0x4e: {  	v3 =	vld [tilespmem:s16+$0x10];
	[tilespmem:s17+$0x3870 ss:$0x81] =	vst.msk $0xffff, v1  }
0x4f: {  	[tilespmem:s17+$0x810 ss:$0x81] =	vst.msk $0xffff, v5;
	v2 =	vld [tilespmem:s16+$0x20]  }
0x50: {  	v0 =	vld [tilespmem:s16+$0xFFFFFFC0];
	[tilespmem:s17+$0x1020 ss:$0x81] =	vst.msk $0xffff, v6;
	s16 =	sadd.s32 $0x80, s16  }
0x51: {  	s19 =	sadd.s32 $0x4, s19;
	v1 =	vld [tilespmem:s16+$0x30];
	[tilespmem:s17+$0x1830 ss:$0x81] =	vst.msk $0xffff, v7  }
.Ltmp4:
0x52: {  	_ = 	snop;
	(pc) =	sbr.rel .LBB1_4-.Ltmp4, $1  }
0x53: {  	_ =	sdelay $0x3  }
.LBB1_6:
0x54: {  	_ =	sfence.sel $0x180000  }
0x55: {  	s2 =	simm.s32 $0x1;
	[bflag:$0x0] =	sbarrier.arrive $0xFFFF  }
0x56: {  	s31 =	simm.s32 $0x2;
	[sflag:s2] =	ssyncpa.u1 $0x1  }
0x57: {  	[sflag:s31] =	ssyncpa.u1 $0x1  }
0x58: {  	p0 =	sne.s32 s0, $0x0;
	_ =	strace $0x9000004D  }
0x59: {  	s0 =	sadd.s32 @!p0 $0x100000, s1;
	[bflag:$0x2] =	sbarrier.arrive $0xFFFF  }
0x5a: {  	[sflag:s0] =	ssyncadd.tile.s32 @!p0 $0x1;
	_ =	shalt  }
.Lfunc_end1:
_tile_overlayer_lowered:
.L_overlay_start_2:
0x5b: {  	(tag) =	ssettag $0x2  }
0x5c: {  	s0 =	rddreg [dreg:$0x0];
	s2 =	stileid.u32  }
0x5d: {  	s1 =	rddreg [dreg:$0x1];
	p0 =	sne.s32 s2, $0x0  }
0x5e: {  	s3 =	rddreg [dreg:$0x2];
	[bflag:$0x3] =	sbarrier.arrive $0xFFFF;
	s2 =	simm.s32 @!p0 $0x1C01  }
0x5f: {  	[timem:s3], [sflag:s2] =	dma.local @!p0 [hbm:s0], s1  }
0x60: {  	s0 =	simm.s32 @!p0 $0x1  }
0x61: {  	_ =	swait.ge @!p0 [sflag:s0], s1  }
0x62: {  	s1 =	ssub.s32 @!p0 $0x0, s1;
	[sflag:s0] =	ssyncset.done @!p0 $0x0  }
0x63: {  	[sflag:s0] =	ssyncadd.s32 @!p0 s1  }
0x64: {  	[bflag:$0x3] =	sbarrier.arrive $0xFFFF  }
0x65: {  	_ =	shalt  }

// kernel: sparse-core-data-format-call.cloned.1.call-start
scs
called_computation.1_lowered:
.L_overlay_start_0:
0x0: {  	s1 =	sld [smem:$0x3FD9]  }
0x1: {  	s2 =	sld [smem:$0x3FFE];
	_ =	sdelay $0x1  }
0x2: {  	s3 =	srdreg.scid  }
0x3: {  	s0 =	sand.u32 $0x1, s3  }
0x4: {  	s17 =	sshll.u32 s0, $0xA;
	s1 =	sadd.s32 s2, s1  }
0x5: {  	s1 =	sadd.s32 s1, s17  }
0x6: {  	[smem:$0x3F95] =	sst s1  }
0x7: {  	_ = 	snop  }
0x8: {  	(tm) =	ssettm $0x1  }
0x9: {  	s18 =	sld [smem:$0x3FFB];
	_ =	sdelay $0x3  }
0xa: {  	_ =	strace s18  }
0xb: {  	s1 =	sld [smem:$0x3FFC];
	_ =	sdelay $0x3  }
0xc: {  	_ =	strace s1  }
0xd: {  	s1 =	sld [smem:$0x3FFD];
	_ =	sdelay $0x3  }
0xe: {  	_ =	strace s1  }
0xf: {  	_ =	strace $0x8FFFFFFF  }
0x10: {  	s19 =	sld [smem:$0x3FDB];
	_ =	sdelay $0x1  }
0x11: {  	s20 =	simm.s32 $_scs_section_size  }
0x12: {  	s4 =	simm.s32 $_size__tile_overlayer_lowered;
	s5 =	simm.s32 $_tile_overlayer_lowered  }
0x13: {  	s23 =	simm.s32 $0x1BFF;
	s22 =	sshll.u32 s5, $0x1;
	s1 =	sadd.s32 s20, s19  }
0x14: {  	s6 =	simm.s32 $0x0;
	s21 =	sshll.u32 s4, $0x1;
	s4 =	sadd.s32 s22, s1  }
0x15: {  	[timem:s6], [sflag:s23] =	dma.local [hbm:s4], s21  }
0x16: {  	_ =	swait.ge [sflag:s23], s21  }
0x17: {  	s2 =	ssub.s32 $0x0, s21;
	[sflag:s23] =	ssyncset.done $0x0  }
0x18: {  	[sflag:s23] =	ssyncadd.s32 s2;
	_ =	sdelay $0x1  }
0x19: {  	s24 =	simm.s32 $0x1B8B  }
0x1a: {  	_ =	swait.ge [sflag:s24], $0x1  }
0x1b: {  	[sflag:s24] =	ssyncset.done $0x0  }
0x1c: {  	s26 =	simm.s32 $0x1B8E;
	s25 =	sld [smem:$0x3FFE];
	[sflag:s24] =	ssyncadd.s32 $0xFFFFFFFF  }
0x1d: {  	s27 =	simm.s32 $execute0_lowered;
	[smem:$0x3FD2] =	sst s26  }
0x1e: {  	s4 =	sshll.u32 s27, $0x1;
	_ =	strace $0x8000005B;
	[dreg:$0x1] =	wrdreg $0xFFFFFFFF  }
0x1f: {  	s28 =	simm.s32 $_size_execute0_lowered;
	s1 =	sadd.s32 s1, s4;
	[dreg:$0x0] =	wrdreg $0x0  }
0x20: {  	s4 =	sshll.u32 s28, $0x1;
	[dreg:$0x2] =	wrdreg s1  }
0x21: {  	[dreg:$0x3] =	wrdreg s4  }
0x22: {  	[dreg:$0x4] =	wrdreg $0xC0  }
0x23: {  	_ =	task [dreg:s6], $0x5FFFF  }
0x24: {  	[dreg:$0x1] =	wrdreg $0xFFFFFFFF  }
0x25: {  	[dreg:$0x0] =	wrdreg $0x60  }
0x26: {  	[dreg:$0x2] =	wrdreg s25  }
0x27: {  	[dreg:$0x3] =	wrdreg $0x9  }
0x28: {  	_ =	task.clear_ibuf [dreg:s6], $0x4FFFF;
	_ =	strace $0x9000005B  }
0x29: {  	s29 =	simm.s32 $0x9;
	_ =	strace $0x8000005D  }
0x2a: {  	_ =	swait.ge [sflag:s29], $0x1  }
0x2b: {  	[sflag:s29] =	ssyncadd.s32 $0xFFFFFFFF  }
0x2c: {  	_ =	strace $0x9000005D  }
0x2d: {  	_ =	sfence  }
0x2e: {  	s30 =	sld [smem:$0x0];
	_ =	sdelay $0x2  }
0x2f: {  	s31 =	sshll.u32 s3, $0xD;
	s3 =	sshrl.u32 s3, $0x2  }
0x30: {  	s2 =	sand.u32 $0x4000, s31;
	s1 =	sadd.s32 s3, s30  }
0x31: {  	s0 =	sor.u32 s2, s0;
	s1 =	sshll.u32 s1, $0x11  }
0x32: {  	s0 =	sor.u32 s1, s0  }
0x33: {  	s0 =	sadd.s32 $0x8F2B, s0  }
0x34: {  	[sflag:s0] =	ssyncadd.remote.s32 $0x1  }
0x35: {  	_ =	sfence.sel $0xFFFF  }
0x36: {  	[dreg:$0x0] =	wrdreg $0xFFFFFFFF;
	(pc) =	sbr.abs _section_cstart, $3  }
0x37: {  	[dreg:$0x1] =	wrdreg $0xFFFFFFFF  }
0x38: {  	_ =	task.clear_ibuf [dreg:s6], $0x2FFFF;
	_ =	strace $0x9FFFFFFF  }
0x39: {  	(tm) =	ssettm $0x7FFFFFFF  }
tec
execute0_lowered:
.L_overlay_start_1:
0x0: {  	(tag) =	ssettag $0x1  }
0x1: {  	s0 =	srdreg.scid  }
0x2: {  	s1 =	sshll.u32 s0, $0x4  }
0x3: {  	s0 =	stileid.u32;
	s1 =	sand.u32 $0x10, s1  }
0x4: {  	s5 =	rddreg [dreg:$0x0];
	s4 =	simm.s32 $0x1;
	s1 =	sor.u32 s0, s1  }
0x5: {  	s7 =	simm.s32 $0x2;
	s12 =	simm.s32 $0x0;
	s2 =	sshll.u32 s1, $0x7  }
0x6: {  	s8 =	simm.s32 $0x5000;
	s13 =	simm.s32 $0x0;
	s6 =	ssub.s32 $0xA00, s2  }
0x7: {  	s9 =	simm.s32 $0x0;
	s11 =	simm.s32 $0x0;
	p0 =	sgt.s32 s6, $0x0  }
.Ltmp0:
0x8: {  	s3 =	sadd.s32 $0x66D600, s5;
	s6 =	simm.s32 @!p0 $0x0;
	(pc) =	sbr.rel .LBB1_1-.Ltmp0, $4  }
0x9: {  	s5 =	sadd.s32 $0x42000, s5;
	s1 =	rddreg [dreg:$0x1];
	s6 =	sand.u32 $0xF80, s6  }
0xa: {  	_ =	strace $0x8000005C;
	p0 =	seq.s32 s6, $0x0;
	s6 =	simm.s32 $0x0  }
0xb: {  	[sflag:s4] =	ssyncpa.u1 $0x0;
	s10 =	smov.u32 s2;
	s6 =	simm.s32 @!p0 $0x28  }
0xc: {  	[sflag:s7] =	ssyncpa.u1 $0x0;
	p0 =	por $0x0, $0x0;
	s7 =	sor.u32 $0x1, s6  }
.LBB1_4:
0xd: {  	s19 =	sshrl.u32 s12, $0x3  }
0xe: {  	s20 =	sshll.u32 s13, $0x3;
	s19 =	smul.u32 $0x5000, s19  }
0xf: {  	s25 =	sshll.u32 s12, $0x7;
	s20 =	sand.u32 $0xFFFFFC00, s20  }
0x10: {  	s12 =	sand.u32 $0x380, s25;
	s19 =	sadd.s32 s20, s19  }
0x11: {  	v5 =	vld [tilespmem:s16+$0xFFFFFFD0];
	[tilespmem:s17+$0x2040 ss:$0x81] =	vst.msk $0xffff, v4;
	s26 =	sand.u32 $0x7F, s13;
	s12 =	sor.u32 s12, s19  }
0x12: {  	v58 =	vld [tilespmem:s16+$0xFFFFFFE0];
	[tilespmem:s17+$0x2850 ss:$0x81] =	vst.msk $0xffff, v3;
	s13 =	sor.u32 s26, s12;
	s12 =	smulhi.u32 $0xCCCCCCCD, s12  }
0x13: {  	s18 =	sshra.s32 s18, $0x2;
	v59 =	vld [tilespmem:s16+$0xFFFFFFF0];
	[tilespmem:s17+$0x3060 ss:$0x81] =	vst.msk $0xffff, v2;
	s27 =	smulhi.u32 $0xCCCCCCCD, s13  }
0x14: {  	v60 =	vld [tilespmem:s16+$0x0];
	[tilespmem:s17+$0x0 ss:$0x81] =	vst.msk $0xffff, v0;
	s15 =	sadd.s32 s18, s15;
	s12 =	sshrl.u32 s12, $0xB  }
0x15: {  	v61 =	vld [tilespmem:s16+$0x10];
	[tilespmem:s15+$0x3870 ss:$0x81] =	vst.msk $0xffff, v1;
	s28 =	sshrl.u32 s27, $0xB;
	s29 =	smulhi.u32 $0xCCCCD, s12  }
0x16: {  	v62 =	vld [tilespmem:s16+$0x20];
	[tilespmem:s15+$0x810 ss:$0x81] =	vst.msk $0xffff, v5;
	s17 =	smul.u32 $0xA00, s28  }
0x17: {  	v63 =	vld [tilespmem:s16+$0xFFFFFFC0];
	[tilespmem:s15+$0x1020 ss:$0x81] =	vst.msk $0xffff, v58;
	s30 =	smul.u32 $0x1400, s29  }
0x18: {  	[tilespmem:s15+$0x1830 ss:$0x81] =	vst.msk $0xffff, v59  }
0x19: {  	[tilespmem:s15+$0x2040 ss:$0x81] =	vst.msk $0xffff, v60;
	s13 =	ssub.s32 s13, s17;
	s12 =	ssub.s32 s12, s30  }
0x1a: {  	[tilespmem:s15+$0x2850 ss:$0x81] =	vst.msk $0xffff, v61;
	s31 =	sshrl.u32 s13, $0x3;
	s13 =	sand.u32 $0x7, s13;
	s12 =	smul.u32 $0x140, s12  }
0x1b: {  	[tilespmem:s15+$0x3060 ss:$0x81] =	vst.msk $0xffff, v62;
	s16 =	sadd.s32 s5, s31;
	s13 =	sshll.u32 s13, $0x12  }
0x1c: {  	[tilespmem:s15+$0x0 ss:$0x81] =	vst.msk $0xffff, v63;
	s13 =	sor.u32 $0x400, s13;
	s12 =	sadd.s32 s12, s16  }
0x1d: {  	[hbm4b:s12+s13] =	stream.strided.scatter [tilespmem:s14], [sflag:$0x2], $0x4000, s8, s13, $0x20;
	[tilespmem:$0x10100] =	vst v63  }
.LBB1_5:
0x1e: {  	s14 =	sadd.s32 $0x80, s9  }
0x1f: {  	s12 =	sadd.s32 $0x1000, s10;
	s16 =	smov.u32 s10;
	p2 =	sgt.s32 s14, $0x13FF  }
0x20: {  	s16 =	smov.u32 @p2 s12  }
0x21: {  	s14 =	simm.s32 @p2 $0x0;
	p2 =	sgt.s32 s16, $0x9FF  }
0x22: {  	s16 =	smov.u32 @p2 s2;
	p2 =	sne.s32 s11, s7  }
.Ltmp1:
0x23: {  	p1 =	slt.u32 s11, $0x2;
	(pc) =	sbr.rel @!p2 .LBB1_6-.Ltmp1, $4  }
0x24: {  	s15 =	simm.s32 @!p1 $0x2  }
0x25: {  	s13 =	smov.u32 s10;
	p0 =	por !p0, !p0;
	_ =	swait.ge @!p1 [sflag:s15], $0x4000  }
0x26: {  	s12 =	smov.u32 s9;
	[sflag:s15] =	ssyncset.done @!p1 $0x0;
	s9 =	smov.u32 s14  }
0x27: {  	s11 =	sadd.s32 $0x1, s11;
	[sflag:s15] =	ssyncadd.s32 @!p1 $0xFFFFC000;
	s10 =	smov.u32 s16  }
.LBB1_1:
0x28: {  	p1 =	sge.u32 s11, s6  }
0x29: {  	s14 =	sshrl.u32 @!p1 s10, $0x3  }
0x2a: {  	s15 =	sshll.u32 @!p1 s9, $0x3;
	s16 =	sshll.u32 @!p1 s10, $0x7;
	s14 =	smul.u32 @!p1 $0xA000, s14  }
0x2b: {  	s17 =	sand.u32 @!p1 $0x7F, s9;
	s15 =	sand.u32 @!p1 $0xFFFFFC00, s15;
	s16 =	sand.u32 @!p1 $0x380, s16  }
0x2c: {  	s14 =	sadd.s32 @!p1 s14, s15;
	s15 =	sor.u32 @!p1 s17, s16  }
0x2d: {  	s15 =	sor.u32 @!p1 s14, s15;
	s14 =	smulhi.u32 @!p1 $0xCCCCCCCD, s14  }
0x2e: {  	s16 =	smulhi.u32 @!p1 $0xCCCCCCCD, s15  }
0x2f: {  	s14 =	sshrl.u32 @!p1 s14, $0xC  }
0x30: {  	s16 =	sshrl.u32 @!p1 s16, $0xC;
	s17 =	smulhi.u32 @!p1 $0x19999A, s14  }
0x31: {  	s16 =	smul.u32 @!p1 $0x1400, s16  }
0x32: {  	s17 =	smul.u32 @!p1 $0xA00, s17  }
0x33: {  	s31 =	sadd.s32 $0xFFFFFFFF, s11;
	s18 =	sxor.u32 @!p1 $0xFFFFFFFF, s11  }
0x34: {  	s15 =	ssub.s32 @!p1 s15, s16;
	s16 =	sshll.u32 @!p1 s18, $0xE;
	s14 =	ssub.s32 @!p1 s14, s17  }
0x35: {  	s17 =	sshrl.u32 @!p1 s15, $0x3;
	s15 =	sand.u32 @!p1 $0x7, s15;
	s14 =	smul.u32 @!p1 $0x280, s14  }
0x36: {  	s16 =	sand.u32 @!p1 $0x4000, s16;
	s17 =	sadd.s32 @!p1 s3, s17;
	s15 =	sshll.u32 @!p1 s15, $0x12  }
0x37: {  	s15 =	sor.u32 @!p1 $0x400, s15;
	s14 =	sadd.s32 @!p1 s14, s17;
	s17 =	simm.s32 @!p1 $0xA000  }
0x38: {  	[tilespmem:s16], [sflag:$0x1] =	stream.strided.gather @!p1 [hbm4b:s14+s15], $0x4000, s17, s15, $0x38;
	[tilespmem:$0x10100] =	vst v63  }
0x39: {  	p1 =	sge.u32 s31, s6  }
.Ltmp2:
0x3a: {  	_ = 	snop;
	(pc) =	sbr.rel @p1 .LBB1_5-.Ltmp2, $1  }
0x3b: {  	_ =	sdelay $0x3  }
0x3c: {  	s14 =	simm.s32 $0x1  }
0x3d: {  	_ =	swait.ge [sflag:s4], $0x4000;
	s14 =	simm.s32 @!p0 $0x0  }
0x3e: {  	[sflag:s4] =	ssyncset.done $0x0;
	s15 =	sshll.u32 s14, $0xE  }
0x3f: {  	[sflag:s4] =	ssyncadd.s32 $0xFFFFC000;
	s16 =	sor.u32 $0x40, s15  }
0x40: {  	s14 =	smul.u32 $0x10200, s14;
	v0 =	vld [tilespmem:s16+$0x30]  }
0x41: {  	v1 =	vld [tilespmem:s16+$0xFFFFFFD0]  }
0x42: {  	s14 =	sshrl.u32 s14, $0x2;
	v5 =	vld [tilespmem:s16+$0xFFFFFFE0]  }
0x43: {  	v6 =	vld [tilespmem:s16+$0xFFFFFFF0];
	s15 =	sor.u32 $0x8000, s14  }
0x44: {  	s31 =	sand.u32 $0x1, s11;
	v4 =	vld [tilespmem:s16+$0x0];
	s17 =	sadd.s32 $0x0, s15  }
0x45: {  	v3 =	vld [tilespmem:s16+$0x10];
	s14 =	smul.u32 $0x10200, s31;
	[tilespmem:s17+$0x3870 ss:$0x81] =	vst.msk $0xffff, v0  }
0x46: {  	v2 =	vld [tilespmem:s16+$0x20];
	[tilespmem:s17+$0x810 ss:$0x81] =	vst.msk $0xffff, v1  }
0x47: {  	s14 =	sshrl.u32 s14, $0x2;
	v0 =	vld [tilespmem:s16+$0xFFFFFFC0];
	[tilespmem:s17+$0x1020 ss:$0x81] =	vst.msk $0xffff, v5;
	s16 =	sadd.s32 $0x80, s16  }
0x48: {  	s18 =	simm.s32 $0x4;
	s19 =	simm.s32 $0x8;
	s14 =	sor.u32 $0x8000, s14;
	[tilespmem:s17+$0x1830 ss:$0x81] =	vst.msk $0xffff, v6;
	v1 =	vld [tilespmem:s16+$0x30]  }
.LBB1_3:
0x49: {  	p1 =	sne.s32 s19, $0x1FC;
	v5 =	vld [tilespmem:s16+$0xFFFFFFD0];
	[tilespmem:s17+$0x2040 ss:$0x81] =	vst.msk $0xffff, v4  }
0x4a: {  	v6 =	vld [tilespmem:s16+$0xFFFFFFE0];
	[tilespmem:s17+$0x2850 ss:$0x81] =	vst.msk $0xffff, v3  }
0x4b: {  	s20 =	sshra.s32 s18, $0x2;
	s18 =	smov.u32 s19;
	v7 =	vld [tilespmem:s16+$0xFFFFFFF0];
	[tilespmem:s17+$0x3060 ss:$0x81] =	vst.msk $0xffff, v2  }
.Ltmp3:
0x4c: {  	v4 =	vld [tilespmem:s16+$0x0];
	[tilespmem:s17+$0x0 ss:$0x81] =	vst.msk $0xffff, v0;
	s17 =	sadd.s32 s20, s15;
	(pc) =	sbr.rel @p1 .LBB1_3-.Ltmp3, $4  }
0x4d: {  	v3 =	vld [tilespmem:s16+$0x10];
	[tilespmem:s17+$0x3870 ss:$0x81] =	vst.msk $0xffff, v1  }
0x4e: {  	[tilespmem:s17+$0x810 ss:$0x81] =	vst.msk $0xffff, v5;
	v2 =	vld [tilespmem:s16+$0x20]  }
0x4f: {  	v0 =	vld [tilespmem:s16+$0xFFFFFFC0];
	[tilespmem:s17+$0x1020 ss:$0x81] =	vst.msk $0xffff, v6;
	s16 =	sadd.s32 $0x80, s16  }
0x50: {  	s19 =	sadd.s32 $0x4, s19;
	v1 =	vld [tilespmem:s16+$0x30];
	[tilespmem:s17+$0x1830 ss:$0x81] =	vst.msk $0xffff, v7  }
.Ltmp4:
0x51: {  	_ = 	snop;
	(pc) =	sbr.rel .LBB1_4-.Ltmp4, $1  }
0x52: {  	_ =	sdelay $0x3  }
.LBB1_6:
0x53: {  	_ =	sfence.sel $0x180000  }
0x54: {  	s2 =	simm.s32 $0x1;
	[bflag:$0x0] =	sbarrier.arrive $0xFFFF  }
0x55: {  	s31 =	simm.s32 $0x2;
	[sflag:s2] =	ssyncpa.u1 $0x1  }
0x56: {  	[sflag:s31] =	ssyncpa.u1 $0x1  }
0x57: {  	p0 =	sne.s32 s0, $0x0;
	_ =	strace $0x9000005C  }
0x58: {  	s0 =	sadd.s32 @!p0 $0x100000, s1;
	[bflag:$0x2] =	sbarrier.arrive $0xFFFF  }
0x59: {  	[sflag:s0] =	ssyncadd.tile.s32 @!p0 $0x1;
	_ =	shalt  }
.Lfunc_end1:
_tile_overlayer_lowered:
.L_overlay_start_2:
0x5a: {  	(tag) =	ssettag $0x2  }
0x5b: {  	s0 =	rddreg [dreg:$0x0];
	s2 =	stileid.u32  }
0x5c: {  	s1 =	rddreg [dreg:$0x1];
	p0 =	sne.s32 s2, $0x0  }
0x5d: {  	s3 =	rddreg [dreg:$0x2];
	[bflag:$0x3] =	sbarrier.arrive $0xFFFF;
	s2 =	simm.s32 @!p0 $0x1C01  }
0x5e: {  	[timem:s3], [sflag:s2] =	dma.local @!p0 [hbm:s0], s1  }
0x5f: {  	s0 =	simm.s32 @!p0 $0x1  }
0x60: {  	_ =	swait.ge @!p0 [sflag:s0], s1  }
0x61: {  	s1 =	ssub.s32 @!p0 $0x0, s1;
	[sflag:s0] =	ssyncset.done @!p0 $0x0  }
0x62: {  	[sflag:s0] =	ssyncadd.s32 @!p0 s1  }
0x63: {  	[bflag:$0x3] =	sbarrier.arrive $0xFFFF  }
0x64: {  	_ =	shalt  }

</sc_bundles>
